<compile_context>
chip_gen: v7x
topology: tpu7x:2x2x1
jax: 0.10.2.dev20260603
libtpu: 0.0.44.dev20260713+nightly
codegen_flags: <defaults>
</compile_context>

<pallas_src>
import jax
import jax.numpy as jnp
from jax import lax
from jax.experimental import pallas as pl
from jax.experimental.pallas import tpu as pltpu
from jax.experimental.pallas import tpu_sc as plsc

VOCAB = 100000
HIDDEN = 128
SEQ = 200
BATCH = 4096
FLAT = BATCH * SEQ
EPS = 1e-12

NC, NS = 2, 16
NW = NC * NS
SEQ_PER_W = BATCH // NW
GA = 128
GB = SEQ - GA
NLANE = 16
NV = HIDDEN // NLANE


def _tree_add(vs):
    while len(vs) > 1:
        vs = [a + b for a, b in zip(vs[::2], vs[1::2])] + (
            [vs[-1]] if len(vs) % 2 else [])
    return vs[0]


def _rsqrt16(v):
    i = lax.bitcast_convert_type(v, jnp.int32)
    y = lax.bitcast_convert_type(
        jnp.full((NLANE,), 0x5F3759DF, jnp.int32) - (i >> 1), jnp.float32)
    for _ in range(3):
        y = y * (1.5 - 0.5 * v * y * y)
    return y


def _body(ids_hbm, word_hbm, comb_hbm, gam_hbm, bet_hbm, out_hbm,
          idx_a, idx_b, rows_a, rows_b, out_a, out_b, comb_v, gam_v, bet_v,
          sem):
    wid = lax.axis_index("s") * NC + lax.axis_index("c")
    pltpu.sync_copy(comb_hbm, comb_v)
    pltpu.sync_copy(gam_hbm, gam_v)
    pltpu.sync_copy(bet_hbm, bet_v)

    def ln_block(rows_v, o_v, pos_off, n_rows):
        def quad(q, _):
            r0 = q * 4
            for j in range(4):
                r = r0 + j
                e = []
                for k in range(NV):
                    x = rows_v[r, pl.ds(k * 16, 16)]
                    c = comb_v[pos_off + r, pl.ds(k * 16, 16)]
                    e.append(x + c)
                mean = jnp.sum(_tree_add(e)) * (1.0 / HIDDEN)
                mv = jnp.full((NLANE,), mean, jnp.float32)
                cen = [ek - mv for ek in e]
                var = jnp.sum(_tree_add([ck * ck for ck in cen])) * (1.0 / HIDDEN)
                rv = _rsqrt16(jnp.full((NLANE,), var + EPS, jnp.float32))
                for k in range(NV):
                    g = gam_v[pl.ds(k * 16, 16)]
                    b = bet_v[pl.ds(k * 16, 16)]
                    o_v[r, pl.ds(k * 16, 16)] = cen[k] * rv * g + b
            return 0
        lax.fori_loop(0, n_rows // 4, quad, 0)

    def seq_body(i, _):
        base = (wid * SEQ_PER_W + i) * SEQ
        pltpu.sync_copy(ids_hbm.at[pl.ds(base, GA)], idx_a)
        pltpu.sync_copy(ids_hbm.at[pl.ds(base + GA, GB)], idx_b)
        cp1 = pltpu.async_copy(word_hbm.at[idx_a], rows_a, sem)
        cp2 = pltpu.async_copy(word_hbm.at[idx_b], rows_b, sem)
        cp1.wait()
        cp2.wait()
        ln_block(rows_a, out_a, 0, GA)
        ln_block(rows_b, out_b, GA, GB)
        pltpu.sync_copy(out_a, out_hbm.at[pl.ds(base, GA)])
        pltpu.sync_copy(out_b, out_hbm.at[pl.ds(base + GA, GB)])
        return 0

    lax.fori_loop(0, SEQ_PER_W, seq_body, 0)


def kernel(input_ids, word_table, pos_table, type_table, gamma, beta):
    ids_flat = input_ids.reshape(FLAT).astype(jnp.int32)
    comb = pos_table[:SEQ] + type_table[0][None, :]
    mesh = plsc.VectorSubcoreMesh(core_axis_name="c", subcore_axis_name="s")
    k = pl.kernel(
        _body,
        out_type=jax.ShapeDtypeStruct((FLAT, HIDDEN), jnp.float32),
        mesh=mesh,
        compiler_params=pltpu.CompilerParams(needs_layout_passes=False),
        scratch_types=[
            pltpu.VMEM((GA,), jnp.int32),
            pltpu.VMEM((GB,), jnp.int32),
            pltpu.VMEM((GA, HIDDEN), jnp.float32),
            pltpu.VMEM((GB, HIDDEN), jnp.float32),
            pltpu.VMEM((GA, HIDDEN), jnp.float32),
            pltpu.VMEM((GB, HIDDEN), jnp.float32),
            pltpu.VMEM((SEQ, HIDDEN), jnp.float32),
            pltpu.VMEM((HIDDEN,), jnp.float32),
            pltpu.VMEM((HIDDEN,), jnp.float32),
            pltpu.SemaphoreType.DMA,
        ],
    )
    out = k(ids_flat, word_table, comb, gamma, beta)
    return out.reshape(BATCH, SEQ, HIDDEN)

# --- scband reference (transcript-rebuilt; emitter-appended) ---
"""Pipeline reference for scband-bert-embeddings-249108103240 (READ-ONLY COPY).

The authoritative reference and input builder live on the scoring server;
editing this copy changes nothing except your own understanding.
"""

import jax, jax.numpy as jnp
import numpy as np

VOCAB = 100000
HIDDEN = 128
MAX_POS = 512
TYPE_VOCAB = 2
EPS = 1e-12
BATCH = 4096
SEQ = 200


def setup_inputs(seed: int = 0) -> dict:
    key = jax.random.key(seed)
    k1, k2, k3, k4 = jax.random.split(key, 4)
    input_ids = jax.random.randint(k1, (BATCH, SEQ), 0, VOCAB)
    word_table = jax.random.normal(k2, (VOCAB, HIDDEN), dtype=jnp.float32) * 0.02
    word_table = word_table.at[0].set(0.0)  # padding_idx=0 row zeroed like torch init
    pos_table = jax.random.normal(k3, (MAX_POS, HIDDEN), dtype=jnp.float32) * 0.02
    type_table = jax.random.normal(k4, (TYPE_VOCAB, HIDDEN), dtype=jnp.float32) * 0.02
    gamma = jnp.ones((HIDDEN,), dtype=jnp.float32)
    beta = jnp.zeros((HIDDEN,), dtype=jnp.float32)
    return {"input_ids": input_ids, "word_table": word_table, "pos_table": pos_table,
            "type_table": type_table, "gamma": gamma, "beta": beta}


def reference(input_ids, word_table, pos_table, type_table, gamma, beta):
    bs, sq = input_ids.shape
    # word embedding lookup (gather)
    inputs_embeds = jnp.take(word_table, input_ids, axis=0)
    # position ids = arange(sq), broadcast over batch
    position_embeddings = pos_table[:sq][None, :, :]
    # token_type_ids default to zeros -> row 0 of type table
    token_type_embeddings = type_table[0][None, None, :]
    embeddings = inputs_embeds + token_type_embeddings + position_embeddings
    # LayerNorm over last dim (biased variance, like torch)
    mean = jnp.mean(embeddings, axis=-1, keepdims=True)
    var = jnp.mean((embeddings - mean) ** 2, axis=-1, keepdims=True)
    normed = (embeddings - mean) / jnp.sqrt(var + EPS)
    out = normed * gamma + beta
    # dropout is identity in eval mode
    return out

if __name__ == "__main__":
    import jax
    _d = setup_inputs()
    print(jax.jit(kernel)(*tuple(_d.values())))

</pallas_src>

<mosaic_0001>
#map = affine_map<(d0, d1) -> (0)>
#map1 = affine_map<(d0, d1) -> (0, 0)>
module attributes {stable_mosaic.version = 14 : i64} {
  func.func @_body(%arg0: i32, %arg1: i32, %arg2: memref<819200xi32, #tpu.memory_space<hbm>>, %arg3: memref<100000x128xf32, #tpu.memory_space<hbm>>, %arg4: memref<200x128xf32, #tpu.memory_space<hbm>>, %arg5: memref<128xf32, #tpu.memory_space<hbm>>, %arg6: memref<128xf32, #tpu.memory_space<hbm>>, %arg7: memref<819200x128xf32, #tpu.memory_space<hbm>>, %arg8: memref<128xi32, #tpu.memory_space<vmem>>, %arg9: memref<72xi32, #tpu.memory_space<vmem>>, %arg10: memref<128x128xf32, #tpu.memory_space<vmem>>, %arg11: memref<72x128xf32, #tpu.memory_space<vmem>>, %arg12: memref<128x128xf32, #tpu.memory_space<vmem>>, %arg13: memref<72x128xf32, #tpu.memory_space<vmem>>, %arg14: memref<200x128xf32, #tpu.memory_space<vmem>>, %arg15: memref<128xf32, #tpu.memory_space<vmem>>, %arg16: memref<128xf32, #tpu.memory_space<vmem>>, %arg17: memref<!tpu.dma_semaphore, #tpu.memory_space<semaphore_mem>>) attributes {dimension_semantics = [#tpu.dimension_semantics<core_parallel>, #tpu.dimension_semantics<subcore_parallel>], iteration_bounds = array<i64: 2, 16>, scalar_prefetch = 0 : i64, scratch_operands = 10 : i64, tpu.core_type = #tpu.core_type<sc_vector_subcore>, window_params = [{transform_indices = #map}, {transform_indices = #map1}, {transform_indices = #map1}, {transform_indices = #map}, {transform_indices = #map}, {transform_indices = #map1}]} {
    %mul3A = arith.constant 2 : i32
    %mul3A_0 = arith.muli %arg1, %mul3A : i32
    %add3A = arith.addi %mul3A_0, %arg0 : i32
    "tpu.region"() ({
      %run_scoped3A = tpu.sem_alloc : memref<!tpu.dma_semaphore, #tpu.memory_space<semaphore_mem>>
      tpu.enqueue_dma source(%arg4 : memref<200x128xf32, #tpu.memory_space<hbm>>) target(%arg14 : memref<200x128xf32, #tpu.memory_space<vmem>>) target_semaphore(%run_scoped3A : memref<!tpu.dma_semaphore, #tpu.memory_space<semaphore_mem>>)
      tpu.wait_dma2 semaphore(%run_scoped3A : memref<!tpu.dma_semaphore, #tpu.memory_space<semaphore_mem>>) src(%arg4 : memref<200x128xf32, #tpu.memory_space<hbm>>) dst(%arg14 : memref<200x128xf32, #tpu.memory_space<vmem>>)
      tpu.yield
    }) : () -> ()
    "tpu.region"() ({
      %run_scoped3A = tpu.sem_alloc : memref<!tpu.dma_semaphore, #tpu.memory_space<semaphore_mem>>
      tpu.enqueue_dma source(%arg5 : memref<128xf32, #tpu.memory_space<hbm>>) target(%arg15 : memref<128xf32, #tpu.memory_space<vmem>>) target_semaphore(%run_scoped3A : memref<!tpu.dma_semaphore, #tpu.memory_space<semaphore_mem>>)
      tpu.wait_dma2 semaphore(%run_scoped3A : memref<!tpu.dma_semaphore, #tpu.memory_space<semaphore_mem>>) src(%arg5 : memref<128xf32, #tpu.memory_space<hbm>>) dst(%arg15 : memref<128xf32, #tpu.memory_space<vmem>>)
      tpu.yield
    }) : () -> ()
    "tpu.region"() ({
      %run_scoped3A = tpu.sem_alloc : memref<!tpu.dma_semaphore, #tpu.memory_space<semaphore_mem>>
      tpu.enqueue_dma source(%arg6 : memref<128xf32, #tpu.memory_space<hbm>>) target(%arg16 : memref<128xf32, #tpu.memory_space<vmem>>) target_semaphore(%run_scoped3A : memref<!tpu.dma_semaphore, #tpu.memory_space<semaphore_mem>>)
      tpu.wait_dma2 semaphore(%run_scoped3A : memref<!tpu.dma_semaphore, #tpu.memory_space<semaphore_mem>>) src(%arg6 : memref<128xf32, #tpu.memory_space<hbm>>) dst(%arg16 : memref<128xf32, #tpu.memory_space<vmem>>)
      tpu.yield
    }) : () -> ()
    %scan3A = arith.constant 0 : i32
    %scan3A_1 = arith.constant 0 : i32
    %scan3A_2 = arith.constant 128 : i32
    %scan3A_3 = arith.addi %scan3A_1, %scan3A_2 : i32
    %scan3A_4 = arith.constant 1 : i32
    %scan3A_5 = scf.for %scan3A_7 = %scan3A_1 to %scan3A_3 step %scan3A_4 iter_args(%scan3A_8 = %scan3A) -> (i32)  : i32 {
      %mul3A_9 = arith.constant 128 : i32
      %mul3A_10 = arith.muli %add3A, %mul3A_9 : i32
      %add3A_11 = arith.addi %mul3A_10, %scan3A_7 : i32
      %mul3A_12 = arith.constant 200 : i32
      %mul3A_13 = arith.muli %add3A_11, %mul3A_12 : i32
      "tpu.region"() ({
        %run_scoped3A = tpu.sem_alloc : memref<!tpu.dma_semaphore, #tpu.memory_space<semaphore_mem>>
        %dma_start3A_43 = tpu.memref_slice %arg2[%mul3A_13] : memref<819200xi32, #tpu.memory_space<hbm>> -> memref<128xi32, #tpu.memory_space<hbm>>
        %dma_start3A_44 = tpu.memref_slice %arg2[%mul3A_13] : memref<819200xi32, #tpu.memory_space<hbm>> -> memref<128xi32, #tpu.memory_space<hbm>>
        tpu.enqueue_dma source(%dma_start3A_44 : memref<128xi32, #tpu.memory_space<hbm>>) target(%arg8 : memref<128xi32, #tpu.memory_space<vmem>>) target_semaphore(%run_scoped3A : memref<!tpu.dma_semaphore, #tpu.memory_space<semaphore_mem>>)
        %dma_wait3A_45 = tpu.memref_slice %arg2[%mul3A_13] : memref<819200xi32, #tpu.memory_space<hbm>> -> memref<128xi32, #tpu.memory_space<hbm>>
        %dma_wait3A_46 = tpu.memref_slice %arg2[%mul3A_13] : memref<819200xi32, #tpu.memory_space<hbm>> -> memref<128xi32, #tpu.memory_space<hbm>>
        tpu.wait_dma2 semaphore(%run_scoped3A : memref<!tpu.dma_semaphore, #tpu.memory_space<semaphore_mem>>) src(%dma_wait3A_46 : memref<128xi32, #tpu.memory_space<hbm>>) dst(%arg8 : memref<128xi32, #tpu.memory_space<vmem>>)
        tpu.yield
      }) : () -> ()
      %add3A_14 = arith.constant 128 : i32
      %add3A_15 = arith.addi %mul3A_13, %add3A_14 : i32
      "tpu.region"() ({
        %run_scoped3A = tpu.sem_alloc : memref<!tpu.dma_semaphore, #tpu.memory_space<semaphore_mem>>
        %dma_start3A_43 = tpu.memref_slice %arg2[%add3A_15] : memref<819200xi32, #tpu.memory_space<hbm>> -> memref<72xi32, #tpu.memory_space<hbm>>
        %dma_start3A_44 = tpu.memref_slice %arg2[%add3A_15] : memref<819200xi32, #tpu.memory_space<hbm>> -> memref<72xi32, #tpu.memory_space<hbm>>
        tpu.enqueue_dma source(%dma_start3A_44 : memref<72xi32, #tpu.memory_space<hbm>>) target(%arg9 : memref<72xi32, #tpu.memory_space<vmem>>) target_semaphore(%run_scoped3A : memref<!tpu.dma_semaphore, #tpu.memory_space<semaphore_mem>>)
        %dma_wait3A_45 = tpu.memref_slice %arg2[%add3A_15] : memref<819200xi32, #tpu.memory_space<hbm>> -> memref<72xi32, #tpu.memory_space<hbm>>
        %dma_wait3A_46 = tpu.memref_slice %arg2[%add3A_15] : memref<819200xi32, #tpu.memory_space<hbm>> -> memref<72xi32, #tpu.memory_space<hbm>>
        tpu.wait_dma2 semaphore(%run_scoped3A : memref<!tpu.dma_semaphore, #tpu.memory_space<semaphore_mem>>) src(%dma_wait3A_46 : memref<72xi32, #tpu.memory_space<hbm>>) dst(%arg9 : memref<72xi32, #tpu.memory_space<vmem>>)
        tpu.yield
      }) : () -> ()
      %dma_start3A = arith.constant 0 : i32
      %dma_start3A_16 = arith.constant 0 : i32
      %dma_start3A_17 = tpu.memref_slice %arg3[%dma_start3A, %dma_start3A_16] : memref<100000x128xf32, #tpu.memory_space<hbm>> -> memref<100000x128xf32, #tpu.memory_space<hbm>>
      tpu.enqueue_indirect_dma source(%dma_start3A_17 : memref<100000x128xf32, #tpu.memory_space<hbm>>) target(%arg10 : memref<128x128xf32, #tpu.memory_space<vmem>>) offsets(%arg8 : memref<128xi32, #tpu.memory_space<vmem>>) semaphore(%arg17 : memref<!tpu.dma_semaphore, #tpu.memory_space<semaphore_mem>>)
      %dma_start3A_18 = arith.constant 0 : i32
      %dma_start3A_19 = arith.constant 0 : i32
      %dma_start3A_20 = tpu.memref_slice %arg3[%dma_start3A_18, %dma_start3A_19] : memref<100000x128xf32, #tpu.memory_space<hbm>> -> memref<100000x128xf32, #tpu.memory_space<hbm>>
      tpu.enqueue_indirect_dma source(%dma_start3A_20 : memref<100000x128xf32, #tpu.memory_space<hbm>>) target(%arg11 : memref<72x128xf32, #tpu.memory_space<vmem>>) offsets(%arg9 : memref<72xi32, #tpu.memory_space<vmem>>) semaphore(%arg17 : memref<!tpu.dma_semaphore, #tpu.memory_space<semaphore_mem>>)
      %dma_wait3A = arith.constant 0 : i32
      %dma_wait3A_21 = arith.constant 0 : i32
      %dma_wait3A_22 = tpu.memref_slice %arg3[%dma_wait3A, %dma_wait3A_21] : memref<100000x128xf32, #tpu.memory_space<hbm>> -> memref<100000x128xf32, #tpu.memory_space<hbm>>
      tpu.wait_indirect_dma semaphore(%arg17 : memref<!tpu.dma_semaphore, #tpu.memory_space<semaphore_mem>>) src(%dma_wait3A_22 : memref<100000x128xf32, #tpu.memory_space<hbm>>) dst(%arg10 : memref<128x128xf32, #tpu.memory_space<vmem>>)
      %dma_wait3A_23 = arith.constant 0 : i32
      %dma_wait3A_24 = arith.constant 0 : i32
      %dma_wait3A_25 = tpu.memref_slice %arg3[%dma_wait3A_23, %dma_wait3A_24] : memref<100000x128xf32, #tpu.memory_space<hbm>> -> memref<100000x128xf32, #tpu.memory_space<hbm>>
      tpu.wait_indirect_dma semaphore(%arg17 : memref<!tpu.dma_semaphore, #tpu.memory_space<semaphore_mem>>) src(%dma_wait3A_25 : memref<100000x128xf32, #tpu.memory_space<hbm>>) dst(%arg11 : memref<72x128xf32, #tpu.memory_space<vmem>>)
      %scan3A_26 = arith.constant 0 : i32
      %scan3A_27 = arith.constant 0 : i32
      %scan3A_28 = arith.constant 32 : i32
      %scan3A_29 = arith.addi %scan3A_27, %scan3A_28 : i32
      %scan3A_30 = arith.constant 1 : i32
      %scan3A_31 = scf.for %scan3A_43 = %scan3A_27 to %scan3A_29 step %scan3A_30 iter_args(%scan3A_44 = %scan3A_26) -> (i32)  : i32 {
        %mul3A_45 = arith.constant 4 : i32
        %mul3A_46 = arith.muli %scan3A_43, %mul3A_45 : i32
        %add3A_47 = arith.constant 0 : i32
        %add3A_48 = arith.addi %mul3A_46, %add3A_47 : i32
        %get3A = arith.index_cast %add3A_48 : i32 to index
        %get3A_49 = arith.constant 0 : index
        %get3A_50 = tpu.vector_load %arg10[%get3A, %get3A_49] {strides = array<i32>} : memref<128x128xf32, #tpu.memory_space<vmem>>, vector<16xf32>,
        %add3A_51 = arith.constant 0 : i32
        %add3A_52 = arith.addi %add3A_51, %add3A_48 : i32
        %get3A_53 = arith.index_cast %add3A_52 : i32 to index
        %get3A_54 = arith.constant 0 : index
        %get3A_55 = tpu.vector_load %arg14[%get3A_53, %get3A_54] {strides = array<i32>} : memref<200x128xf32, #tpu.memory_space<vmem>>, vector<16xf32>,
        %add3A_56 = arith.addf %get3A_50, %get3A_55 : vector<16xf32>
        %get3A_57 = arith.index_cast %add3A_48 : i32 to index
        %get3A_58 = arith.constant 16 : index
        %get3A_59 = tpu.vector_load %arg10[%get3A_57, %get3A_58] {strides = array<i32>} : memref<128x128xf32, #tpu.memory_space<vmem>>, vector<16xf32>,
        %add3A_60 = arith.constant 0 : i32
        %add3A_61 = arith.addi %add3A_60, %add3A_48 : i32
        %get3A_62 = arith.index_cast %add3A_61 : i32 to index
        %get3A_63 = arith.constant 16 : index
        %get3A_64 = tpu.vector_load %arg14[%get3A_62, %get3A_63] {strides = array<i32>} : memref<200x128xf32, #tpu.memory_space<vmem>>, vector<16xf32>,
        %add3A_65 = arith.addf %get3A_59, %get3A_64 : vector<16xf32>
        %get3A_66 = arith.index_cast %add3A_48 : i32 to index
        %get3A_67 = arith.constant 32 : index
        %get3A_68 = tpu.vector_load %arg10[%get3A_66, %get3A_67] {strides = array<i32>} : memref<128x128xf32, #tpu.memory_space<vmem>>, vector<16xf32>,
        %add3A_69 = arith.constant 0 : i32
        %add3A_70 = arith.addi %add3A_69, %add3A_48 : i32
        %get3A_71 = arith.index_cast %add3A_70 : i32 to index
        %get3A_72 = arith.constant 32 : index
        %get3A_73 = tpu.vector_load %arg14[%get3A_71, %get3A_72] {strides = array<i32>} : memref<200x128xf32, #tpu.memory_space<vmem>>, vector<16xf32>,
        %add3A_74 = arith.addf %get3A_68, %get3A_73 : vector<16xf32>
        %get3A_75 = arith.index_cast %add3A_48 : i32 to index
        %get3A_76 = arith.constant 48 : index
        %get3A_77 = tpu.vector_load %arg10[%get3A_75, %get3A_76] {strides = array<i32>} : memref<128x128xf32, #tpu.memory_space<vmem>>, vector<16xf32>,
        %add3A_78 = arith.constant 0 : i32
        %add3A_79 = arith.addi %add3A_78, %add3A_48 : i32
        %get3A_80 = arith.index_cast %add3A_79 : i32 to index
        %get3A_81 = arith.constant 48 : index
        %get3A_82 = tpu.vector_load %arg14[%get3A_80, %get3A_81] {strides = array<i32>} : memref<200x128xf32, #tpu.memory_space<vmem>>, vector<16xf32>,
        %add3A_83 = arith.addf %get3A_77, %get3A_82 : vector<16xf32>
        %get3A_84 = arith.index_cast %add3A_48 : i32 to index
        %get3A_85 = arith.constant 64 : index
        %get3A_86 = tpu.vector_load %arg10[%get3A_84, %get3A_85] {strides = array<i32>} : memref<128x128xf32, #tpu.memory_space<vmem>>, vector<16xf32>,
        %add3A_87 = arith.constant 0 : i32
        %add3A_88 = arith.addi %add3A_87, %add3A_48 : i32
        %get3A_89 = arith.index_cast %add3A_88 : i32 to index
        %get3A_90 = arith.constant 64 : index
        %get3A_91 = tpu.vector_load %arg14[%get3A_89, %get3A_90] {strides = array<i32>} : memref<200x128xf32, #tpu.memory_space<vmem>>, vector<16xf32>,
        %add3A_92 = arith.addf %get3A_86, %get3A_91 : vector<16xf32>
        %get3A_93 = arith.index_cast %add3A_48 : i32 to index
        %get3A_94 = arith.constant 80 : index
        %get3A_95 = tpu.vector_load %arg10[%get3A_93, %get3A_94] {strides = array<i32>} : memref<128x128xf32, #tpu.memory_space<vmem>>, vector<16xf32>,
        %add3A_96 = arith.constant 0 : i32
        %add3A_97 = arith.addi %add3A_96, %add3A_48 : i32
        %get3A_98 = arith.index_cast %add3A_97 : i32 to index
        %get3A_99 = arith.constant 80 : index
        %get3A_100 = tpu.vector_load %arg14[%get3A_98, %get3A_99] {strides = array<i32>} : memref<200x128xf32, #tpu.memory_space<vmem>>, vector<16xf32>,
        %add3A_101 = arith.addf %get3A_95, %get3A_100 : vector<16xf32>
        %get3A_102 = arith.index_cast %add3A_48 : i32 to index
        %get3A_103 = arith.constant 96 : index
        %get3A_104 = tpu.vector_load %arg10[%get3A_102, %get3A_103] {strides = array<i32>} : memref<128x128xf32, #tpu.memory_space<vmem>>, vector<16xf32>,
        %add3A_105 = arith.constant 0 : i32
        %add3A_106 = arith.addi %add3A_105, %add3A_48 : i32
        %get3A_107 = arith.index_cast %add3A_106 : i32 to index
        %get3A_108 = arith.constant 96 : index
        %get3A_109 = tpu.vector_load %arg14[%get3A_107, %get3A_108] {strides = array<i32>} : memref<200x128xf32, #tpu.memory_space<vmem>>, vector<16xf32>,
        %add3A_110 = arith.addf %get3A_104, %get3A_109 : vector<16xf32>
        %get3A_111 = arith.index_cast %add3A_48 : i32 to index
        %get3A_112 = arith.constant 112 : index
        %get3A_113 = tpu.vector_load %arg10[%get3A_111, %get3A_112] {strides = array<i32>} : memref<128x128xf32, #tpu.memory_space<vmem>>, vector<16xf32>,
        %add3A_114 = arith.constant 0 : i32
        %add3A_115 = arith.addi %add3A_114, %add3A_48 : i32
        %get3A_116 = arith.index_cast %add3A_115 : i32 to index
        %get3A_117 = arith.constant 112 : index
        %get3A_118 = tpu.vector_load %arg14[%get3A_116, %get3A_117] {strides = array<i32>} : memref<200x128xf32, #tpu.memory_space<vmem>>, vector<16xf32>,
        %add3A_119 = arith.addf %get3A_113, %get3A_118 : vector<16xf32>
        %add3A_120 = arith.addf %add3A_56, %add3A_65 : vector<16xf32>
        %add3A_121 = arith.addf %add3A_74, %add3A_83 : vector<16xf32>
        %add3A_122 = arith.addf %add3A_92, %add3A_101 : vector<16xf32>
        %add3A_123 = arith.addf %add3A_110, %add3A_119 : vector<16xf32>
        %add3A_124 = arith.addf %add3A_120, %add3A_121 : vector<16xf32>
        %add3A_125 = arith.addf %add3A_122, %add3A_123 : vector<16xf32>
        %add3A_126 = arith.addf %add3A_124, %add3A_125 : vector<16xf32>
        %reduce_sum3A = arith.constant true
        %reduce_sum3A_127 = vector.broadcast %reduce_sum3A : i1 to vector<16xi1>
        %reduce_sum3A_128 = tpu.scan <sum>, %add3A_126 masked %reduce_sum3A_127 : vector<16xf32>, vector<16xi1> -> vector<16xf32>
        %reduce_sum3A_129 = vector.extract %reduce_sum3A_128[15] : f32 from vector<16xf32>
        %mul3A_130 = arith.constant 7.812500e-03 : f32
        %mul3A_131 = arith.mulf %reduce_sum3A_129, %mul3A_130 : f32
        %broadcast_in_dim3A = vector.broadcast %mul3A_131 : f32 to vector<16xf32>
        %sub3A = arith.subf %add3A_56, %broadcast_in_dim3A : vector<16xf32>
        %sub3A_132 = arith.subf %add3A_65, %broadcast_in_dim3A : vector<16xf32>
        %sub3A_133 = arith.subf %add3A_74, %broadcast_in_dim3A : vector<16xf32>
        %sub3A_134 = arith.subf %add3A_83, %broadcast_in_dim3A : vector<16xf32>
        %sub3A_135 = arith.subf %add3A_92, %broadcast_in_dim3A : vector<16xf32>
        %sub3A_136 = arith.subf %add3A_101, %broadcast_in_dim3A : vector<16xf32>
        %sub3A_137 = arith.subf %add3A_110, %broadcast_in_dim3A : vector<16xf32>
        %sub3A_138 = arith.subf %add3A_119, %broadcast_in_dim3A : vector<16xf32>
        %mul3A_139 = arith.mulf %sub3A, %sub3A : vector<16xf32>
        %mul3A_140 = arith.mulf %sub3A_132, %sub3A_132 : vector<16xf32>
        %mul3A_141 = arith.mulf %sub3A_133, %sub3A_133 : vector<16xf32>
        %mul3A_142 = arith.mulf %sub3A_134, %sub3A_134 : vector<16xf32>
        %mul3A_143 = arith.mulf %sub3A_135, %sub3A_135 : vector<16xf32>
        %mul3A_144 = arith.mulf %sub3A_136, %sub3A_136 : vector<16xf32>
        %mul3A_145 = arith.mulf %sub3A_137, %sub3A_137 : vector<16xf32>
        %mul3A_146 = arith.mulf %sub3A_138, %sub3A_138 : vector<16xf32>
        %add3A_147 = arith.addf %mul3A_139, %mul3A_140 : vector<16xf32>
        %add3A_148 = arith.addf %mul3A_141, %mul3A_142 : vector<16xf32>
        %add3A_149 = arith.addf %mul3A_143, %mul3A_144 : vector<16xf32>
        %add3A_150 = arith.addf %mul3A_145, %mul3A_146 : vector<16xf32>
        %add3A_151 = arith.addf %add3A_147, %add3A_148 : vector<16xf32>
        %add3A_152 = arith.addf %add3A_149, %add3A_150 : vector<16xf32>
        %add3A_153 = arith.addf %add3A_151, %add3A_152 : vector<16xf32>
        %reduce_sum3A_154 = arith.constant true
        %reduce_sum3A_155 = vector.broadcast %reduce_sum3A_154 : i1 to vector<16xi1>
        %reduce_sum3A_156 = tpu.scan <sum>, %add3A_153 masked %reduce_sum3A_155 : vector<16xf32>, vector<16xi1> -> vector<16xf32>
        %reduce_sum3A_157 = vector.extract %reduce_sum3A_156[15] : f32 from vector<16xf32>
        %mul3A_158 = arith.constant 7.812500e-03 : f32
        %mul3A_159 = arith.mulf %reduce_sum3A_157, %mul3A_158 : f32
        %add3A_160 = arith.constant 9.99999996E-13 : f32
        %add3A_161 = arith.addf %mul3A_159, %add3A_160 : f32
        %broadcast_in_dim3A_162 = vector.broadcast %add3A_161 : f32 to vector<16xf32>
        %bitcast_convert_type3A = tpu.bitcast %broadcast_in_dim3A_162 : vector<16xf32> -> vector<16xi32>
        %broadcast_in_dim3A_163 = arith.constant 1597463007 : i32
        %broadcast_in_dim3A_164 = vector.broadcast %broadcast_in_dim3A_163 : i32 to vector<16xi32>
        %shift_right_arithmetic3A = arith.constant 1 : i32
        %shift_right_arithmetic3A_165 = vector.broadcast %shift_right_arithmetic3A : i32 to vector<16xi32>
        %shift_right_arithmetic3A_166 = arith.shrsi %bitcast_convert_type3A, %shift_right_arithmetic3A_165 : vector<16xi32>
        %sub3A_167 = arith.subi %broadcast_in_dim3A_164, %shift_right_arithmetic3A_166 : vector<16xi32>
        %bitcast_convert_type3A_168 = tpu.bitcast %sub3A_167 : vector<16xi32> -> vector<16xf32>
        %mul3A_169 = arith.constant 5.000000e-01 : f32
        %mul3A_170 = vector.broadcast %mul3A_169 : f32 to vector<16xf32>
        %mul3A_171 = arith.mulf %mul3A_170, %broadcast_in_dim3A_162 : vector<16xf32>
        %mul3A_172 = arith.mulf %mul3A_171, %bitcast_convert_type3A_168 : vector<16xf32>
        %mul3A_173 = arith.mulf %mul3A_172, %bitcast_convert_type3A_168 : vector<16xf32>
        %sub3A_174 = arith.constant 1.500000e+00 : f32
        %sub3A_175 = vector.broadcast %sub3A_174 : f32 to vector<16xf32>
        %sub3A_176 = arith.subf %sub3A_175, %mul3A_173 : vector<16xf32>
        %mul3A_177 = arith.mulf %bitcast_convert_type3A_168, %sub3A_176 : vector<16xf32>
        %mul3A_178 = arith.constant 5.000000e-01 : f32
        %mul3A_179 = vector.broadcast %mul3A_178 : f32 to vector<16xf32>
        %mul3A_180 = arith.mulf %mul3A_179, %broadcast_in_dim3A_162 : vector<16xf32>
        %mul3A_181 = arith.mulf %mul3A_180, %mul3A_177 : vector<16xf32>
        %mul3A_182 = arith.mulf %mul3A_181, %mul3A_177 : vector<16xf32>
        %sub3A_183 = arith.constant 1.500000e+00 : f32
        %sub3A_184 = vector.broadcast %sub3A_183 : f32 to vector<16xf32>
        %sub3A_185 = arith.subf %sub3A_184, %mul3A_182 : vector<16xf32>
        %mul3A_186 = arith.mulf %mul3A_177, %sub3A_185 : vector<16xf32>
        %mul3A_187 = arith.constant 5.000000e-01 : f32
        %mul3A_188 = vector.broadcast %mul3A_187 : f32 to vector<16xf32>
        %mul3A_189 = arith.mulf %mul3A_188, %broadcast_in_dim3A_162 : vector<16xf32>
        %mul3A_190 = arith.mulf %mul3A_189, %mul3A_186 : vector<16xf32>
        %mul3A_191 = arith.mulf %mul3A_190, %mul3A_186 : vector<16xf32>
        %sub3A_192 = arith.constant 1.500000e+00 : f32
        %sub3A_193 = vector.broadcast %sub3A_192 : f32 to vector<16xf32>
        %sub3A_194 = arith.subf %sub3A_193, %mul3A_191 : vector<16xf32>
        %mul3A_195 = arith.mulf %mul3A_186, %sub3A_194 : vector<16xf32>
        %get3A_196 = arith.constant 0 : index
        %get3A_197 = tpu.vector_load %arg15[%get3A_196] {strides = array<i32>} : memref<128xf32, #tpu.memory_space<vmem>>, vector<16xf32>,
        %get3A_198 = arith.constant 0 : index
        %get3A_199 = tpu.vector_load %arg16[%get3A_198] {strides = array<i32>} : memref<128xf32, #tpu.memory_space<vmem>>, vector<16xf32>,
        %mul3A_200 = arith.mulf %sub3A, %mul3A_195 : vector<16xf32>
        %mul3A_201 = arith.mulf %mul3A_200, %get3A_197 : vector<16xf32>
        %add3A_202 = arith.addf %mul3A_201, %get3A_199 : vector<16xf32>
        %swap3A = arith.index_cast %add3A_48 : i32 to index
        %swap3A_203 = arith.constant 0 : index
        %swap3A_204 = tpu.vector_load %arg12[%swap3A, %swap3A_203] {strides = array<i32>} : memref<128x128xf32, #tpu.memory_space<vmem>>, vector<16xf32>,
        tpu.vector_store %arg12[%swap3A, %swap3A_203], %add3A_202 {strides = array<i32>} : memref<128x128xf32, #tpu.memory_space<vmem>>, vector<16xf32>,
        %get3A_205 = arith.constant 16 : index
        %get3A_206 = tpu.vector_load %arg15[%get3A_205] {strides = array<i32>} : memref<128xf32, #tpu.memory_space<vmem>>, vector<16xf32>,
        %get3A_207 = arith.constant 16 : index
        %get3A_208 = tpu.vector_load %arg16[%get3A_207] {strides = array<i32>} : memref<128xf32, #tpu.memory_space<vmem>>, vector<16xf32>,
        %mul3A_209 = arith.mulf %sub3A_132, %mul3A_195 : vector<16xf32>
        %mul3A_210 = arith.mulf %mul3A_209, %get3A_206 : vector<16xf32>
        %add3A_211 = arith.addf %mul3A_210, %get3A_208 : vector<16xf32>
        %swap3A_212 = arith.index_cast %add3A_48 : i32 to index
        %swap3A_213 = arith.constant 16 : index
        %swap3A_214 = tpu.vector_load %arg12[%swap3A_212, %swap3A_213] {strides = array<i32>} : memref<128x128xf32, #tpu.memory_space<vmem>>, vector<16xf32>,
        tpu.vector_store %arg12[%swap3A_212, %swap3A_213], %add3A_211 {strides = array<i32>} : memref<128x128xf32, #tpu.memory_space<vmem>>, vector<16xf32>,
        %get3A_215 = arith.constant 32 : index
        %get3A_216 = tpu.vector_load %arg15[%get3A_215] {strides = array<i32>} : memref<128xf32, #tpu.memory_space<vmem>>, vector<16xf32>,
        %get3A_217 = arith.constant 32 : index
        %get3A_218 = tpu.vector_load %arg16[%get3A_217] {strides = array<i32>} : memref<128xf32, #tpu.memory_space<vmem>>, vector<16xf32>,
        %mul3A_219 = arith.mulf %sub3A_133, %mul3A_195 : vector<16xf32>
        %mul3A_220 = arith.mulf %mul3A_219, %get3A_216 : vector<16xf32>
        %add3A_221 = arith.addf %mul3A_220, %get3A_218 : vector<16xf32>
        %swap3A_222 = arith.index_cast %add3A_48 : i32 to index
        %swap3A_223 = arith.constant 32 : index
        %swap3A_224 = tpu.vector_load %arg12[%swap3A_222, %swap3A_223] {strides = array<i32>} : memref<128x128xf32, #tpu.memory_space<vmem>>, vector<16xf32>,
        tpu.vector_store %arg12[%swap3A_222, %swap3A_223], %add3A_221 {strides = array<i32>} : memref<128x128xf32, #tpu.memory_space<vmem>>, vector<16xf32>,
        %get3A_225 = arith.constant 48 : index
        %get3A_226 = tpu.vector_load %arg15[%get3A_225] {strides = array<i32>} : memref<128xf32, #tpu.memory_space<vmem>>, vector<16xf32>,
        %get3A_227 = arith.constant 48 : index
        %get3A_228 = tpu.vector_load %arg16[%get3A_227] {strides = array<i32>} : memref<128xf32, #tpu.memory_space<vmem>>, vector<16xf32>,
        %mul3A_229 = arith.mulf %sub3A_134, %mul3A_195 : vector<16xf32>
        %mul3A_230 = arith.mulf %mul3A_229, %get3A_226 : vector<16xf32>
        %add3A_231 = arith.addf %mul3A_230, %get3A_228 : vector<16xf32>
        %swap3A_232 = arith.index_cast %add3A_48 : i32 to index
        %swap3A_233 = arith.constant 48 : index
        %swap3A_234 = tpu.vector_load %arg12[%swap3A_232, %swap3A_233] {strides = array<i32>} : memref<128x128xf32, #tpu.memory_space<vmem>>, vector<16xf32>,
        tpu.vector_store %arg12[%swap3A_232, %swap3A_233], %add3A_231 {strides = array<i32>} : memref<128x128xf32, #tpu.memory_space<vmem>>, vector<16xf32>,
        %get3A_235 = arith.constant 64 : index
        %get3A_236 = tpu.vector_load %arg15[%get3A_235] {strides = array<i32>} : memref<128xf32, #tpu.memory_space<vmem>>, vector<16xf32>,
        %get3A_237 = arith.constant 64 : index
        %get3A_238 = tpu.vector_load %arg16[%get3A_237] {strides = array<i32>} : memref<128xf32, #tpu.memory_space<vmem>>, vector<16xf32>,
        %mul3A_239 = arith.mulf %sub3A_135, %mul3A_195 : vector<16xf32>
        %mul3A_240 = arith.mulf %mul3A_239, %get3A_236 : vector<16xf32>
        %add3A_241 = arith.addf %mul3A_240, %get3A_238 : vector<16xf32>
        %swap3A_242 = arith.index_cast %add3A_48 : i32 to index
        %swap3A_243 = arith.constant 64 : index
        %swap3A_244 = tpu.vector_load %arg12[%swap3A_242, %swap3A_243] {strides = array<i32>} : memref<128x128xf32, #tpu.memory_space<vmem>>, vector<16xf32>,
        tpu.vector_store %arg12[%swap3A_242, %swap3A_243], %add3A_241 {strides = array<i32>} : memref<128x128xf32, #tpu.memory_space<vmem>>, vector<16xf32>,
        %get3A_245 = arith.constant 80 : index
        %get3A_246 = tpu.vector_load %arg15[%get3A_245] {strides = array<i32>} : memref<128xf32, #tpu.memory_space<vmem>>, vector<16xf32>,
        %get3A_247 = arith.constant 80 : index
        %get3A_248 = tpu.vector_load %arg16[%get3A_247] {strides = array<i32>} : memref<128xf32, #tpu.memory_space<vmem>>, vector<16xf32>,
        %mul3A_249 = arith.mulf %sub3A_136, %mul3A_195 : vector<16xf32>
        %mul3A_250 = arith.mulf %mul3A_249, %get3A_246 : vector<16xf32>
        %add3A_251 = arith.addf %mul3A_250, %get3A_248 : vector<16xf32>
        %swap3A_252 = arith.index_cast %add3A_48 : i32 to index
        %swap3A_253 = arith.constant 80 : index
        %swap3A_254 = tpu.vector_load %arg12[%swap3A_252, %swap3A_253] {strides = array<i32>} : memref<128x128xf32, #tpu.memory_space<vmem>>, vector<16xf32>,
        tpu.vector_store %arg12[%swap3A_252, %swap3A_253], %add3A_251 {strides = array<i32>} : memref<128x128xf32, #tpu.memory_space<vmem>>, vector<16xf32>,
        %get3A_255 = arith.constant 96 : index
        %get3A_256 = tpu.vector_load %arg15[%get3A_255] {strides = array<i32>} : memref<128xf32, #tpu.memory_space<vmem>>, vector<16xf32>,
        %get3A_257 = arith.constant 96 : index
        %get3A_258 = tpu.vector_load %arg16[%get3A_257] {strides = array<i32>} : memref<128xf32, #tpu.memory_space<vmem>>, vector<16xf32>,
        %mul3A_259 = arith.mulf %sub3A_137, %mul3A_195 : vector<16xf32>
        %mul3A_260 = arith.mulf %mul3A_259, %get3A_256 : vector<16xf32>
        %add3A_261 = arith.addf %mul3A_260, %get3A_258 : vector<16xf32>
        %swap3A_262 = arith.index_cast %add3A_48 : i32 to index
        %swap3A_263 = arith.constant 96 : index
        %swap3A_264 = tpu.vector_load %arg12[%swap3A_262, %swap3A_263] {strides = array<i32>} : memref<128x128xf32, #tpu.memory_space<vmem>>, vector<16xf32>,
        tpu.vector_store %arg12[%swap3A_262, %swap3A_263], %add3A_261 {strides = array<i32>} : memref<128x128xf32, #tpu.memory_space<vmem>>, vector<16xf32>,
        %get3A_265 = arith.constant 112 : index
        %get3A_266 = tpu.vector_load %arg15[%get3A_265] {strides = array<i32>} : memref<128xf32, #tpu.memory_space<vmem>>, vector<16xf32>,
        %get3A_267 = arith.constant 112 : index
        %get3A_268 = tpu.vector_load %arg16[%get3A_267] {strides = array<i32>} : memref<128xf32, #tpu.memory_space<vmem>>, vector<16xf32>,
        %mul3A_269 = arith.mulf %sub3A_138, %mul3A_195 : vector<16xf32>
        %mul3A_270 = arith.mulf %mul3A_269, %get3A_266 : vector<16xf32>
        %add3A_271 = arith.addf %mul3A_270, %get3A_268 : vector<16xf32>
        %swap3A_272 = arith.index_cast %add3A_48 : i32 to index
        %swap3A_273 = arith.constant 112 : index
        %swap3A_274 = tpu.vector_load %arg12[%swap3A_272, %swap3A_273] {strides = array<i32>} : memref<128x128xf32, #tpu.memory_space<vmem>>, vector<16xf32>,
        tpu.vector_store %arg12[%swap3A_272, %swap3A_273], %add3A_271 {strides = array<i32>} : memref<128x128xf32, #tpu.memory_space<vmem>>, vector<16xf32>,
        %add3A_275 = arith.constant 1 : i32
        %add3A_276 = arith.addi %mul3A_46, %add3A_275 : i32
        %get3A_277 = arith.index_cast %add3A_276 : i32 to index
        %get3A_278 = arith.constant 0 : index
        %get3A_279 = tpu.vector_load %arg10[%get3A_277, %get3A_278] {strides = array<i32>} : memref<128x128xf32, #tpu.memory_space<vmem>>, vector<16xf32>,
        %add3A_280 = arith.constant 0 : i32
        %add3A_281 = arith.addi %add3A_280, %add3A_276 : i32
        %get3A_282 = arith.index_cast %add3A_281 : i32 to index
        %get3A_283 = arith.constant 0 : index
        %get3A_284 = tpu.vector_load %arg14[%get3A_282, %get3A_283] {strides = array<i32>} : memref<200x128xf32, #tpu.memory_space<vmem>>, vector<16xf32>,
        %add3A_285 = arith.addf %get3A_279, %get3A_284 : vector<16xf32>
        %get3A_286 = arith.index_cast %add3A_276 : i32 to index
        %get3A_287 = arith.constant 16 : index
        %get3A_288 = tpu.vector_load %arg10[%get3A_286, %get3A_287] {strides = array<i32>} : memref<128x128xf32, #tpu.memory_space<vmem>>, vector<16xf32>,
        %add3A_289 = arith.constant 0 : i32
        %add3A_290 = arith.addi %add3A_289, %add3A_276 : i32
        %get3A_291 = arith.index_cast %add3A_290 : i32 to index
        %get3A_292 = arith.constant 16 : index
        %get3A_293 = tpu.vector_load %arg14[%get3A_291, %get3A_292] {strides = array<i32>} : memref<200x128xf32, #tpu.memory_space<vmem>>, vector<16xf32>,
        %add3A_294 = arith.addf %get3A_288, %get3A_293 : vector<16xf32>
        %get3A_295 = arith.index_cast %add3A_276 : i32 to index
        %get3A_296 = arith.constant 32 : index
        %get3A_297 = tpu.vector_load %arg10[%get3A_295, %get3A_296] {strides = array<i32>} : memref<128x128xf32, #tpu.memory_space<vmem>>, vector<16xf32>,
        %add3A_298 = arith.constant 0 : i32
        %add3A_299 = arith.addi %add3A_298, %add3A_276 : i32
        %get3A_300 = arith.index_cast %add3A_299 : i32 to index
        %get3A_301 = arith.constant 32 : index
        %get3A_302 = tpu.vector_load %arg14[%get3A_300, %get3A_301] {strides = array<i32>} : memref<200x128xf32, #tpu.memory_space<vmem>>, vector<16xf32>,
        %add3A_303 = arith.addf %get3A_297, %get3A_302 : vector<16xf32>
        %get3A_304 = arith.index_cast %add3A_276 : i32 to index
        %get3A_305 = arith.constant 48 : index
        %get3A_306 = tpu.vector_load %arg10[%get3A_304, %get3A_305] {strides = array<i32>} : memref<128x128xf32, #tpu.memory_space<vmem>>, vector<16xf32>,
        %add3A_307 = arith.constant 0 : i32
        %add3A_308 = arith.addi %add3A_307, %add3A_276 : i32
        %get3A_309 = arith.index_cast %add3A_308 : i32 to index
        %get3A_310 = arith.constant 48 : index
        %get3A_311 = tpu.vector_load %arg14[%get3A_309, %get3A_310] {strides = array<i32>} : memref<200x128xf32, #tpu.memory_space<vmem>>, vector<16xf32>,
        %add3A_312 = arith.addf %get3A_306, %get3A_311 : vector<16xf32>
        %get3A_313 = arith.index_cast %add3A_276 : i32 to index
        %get3A_314 = arith.constant 64 : index
        %get3A_315 = tpu.vector_load %arg10[%get3A_313, %get3A_314] {strides = array<i32>} : memref<128x128xf32, #tpu.memory_space<vmem>>, vector<16xf32>,
        %add3A_316 = arith.constant 0 : i32
        %add3A_317 = arith.addi %add3A_316, %add3A_276 : i32
        %get3A_318 = arith.index_cast %add3A_317 : i32 to index
        %get3A_319 = arith.constant 64 : index
        %get3A_320 = tpu.vector_load %arg14[%get3A_318, %get3A_319] {strides = array<i32>} : memref<200x128xf32, #tpu.memory_space<vmem>>, vector<16xf32>,
        %add3A_321 = arith.addf %get3A_315, %get3A_320 : vector<16xf32>
        %get3A_322 = arith.index_cast %add3A_276 : i32 to index
        %get3A_323 = arith.constant 80 : index
        %get3A_324 = tpu.vector_load %arg10[%get3A_322, %get3A_323] {strides = array<i32>} : memref<128x128xf32, #tpu.memory_space<vmem>>, vector<16xf32>,
        %add3A_325 = arith.constant 0 : i32
        %add3A_326 = arith.addi %add3A_325, %add3A_276 : i32
        %get3A_327 = arith.index_cast %add3A_326 : i32 to index
        %get3A_328 = arith.constant 80 : index
        %get3A_329 = tpu.vector_load %arg14[%get3A_327, %get3A_328] {strides = array<i32>} : memref<200x128xf32, #tpu.memory_space<vmem>>, vector<16xf32>,
        %add3A_330 = arith.addf %get3A_324, %get3A_329 : vector<16xf32>
        %get3A_331 = arith.index_cast %add3A_276 : i32 to index
        %get3A_332 = arith.constant 96 : index
        %get3A_333 = tpu.vector_load %arg10[%get3A_331, %get3A_332] {strides = array<i32>} : memref<128x128xf32, #tpu.memory_space<vmem>>, vector<16xf32>,
        %add3A_334 = arith.constant 0 : i32
        %add3A_335 = arith.addi %add3A_334, %add3A_276 : i32
        %get3A_336 = arith.index_cast %add3A_335 : i32 to index
        %get3A_337 = arith.constant 96 : index
        %get3A_338 = tpu.vector_load %arg14[%get3A_336, %get3A_337] {strides = array<i32>} : memref<200x128xf32, #tpu.memory_space<vmem>>, vector<16xf32>,
        %add3A_339 = arith.addf %get3A_333, %get3A_338 : vector<16xf32>
        %get3A_340 = arith.index_cast %add3A_276 : i32 to index
        %get3A_341 = arith.constant 112 : index
        %get3A_342 = tpu.vector_load %arg10[%get3A_340, %get3A_341] {strides = array<i32>} : memref<128x128xf32, #tpu.memory_space<vmem>>, vector<16xf32>,
        %add3A_343 = arith.constant 0 : i32
        %add3A_344 = arith.addi %add3A_343, %add3A_276 : i32
        %get3A_345 = arith.index_cast %add3A_344 : i32 to index
        %get3A_346 = arith.constant 112 : index
        %get3A_347 = tpu.vector_load %arg14[%get3A_345, %get3A_346] {strides = array<i32>} : memref<200x128xf32, #tpu.memory_space<vmem>>, vector<16xf32>,
        %add3A_348 = arith.addf %get3A_342, %get3A_347 : vector<16xf32>
        %add3A_349 = arith.addf %add3A_285, %add3A_294 : vector<16xf32>
        %add3A_350 = arith.addf %add3A_303, %add3A_312 : vector<16xf32>
        %add3A_351 = arith.addf %add3A_321, %add3A_330 : vector<16xf32>
        %add3A_352 = arith.addf %add3A_339, %add3A_348 : vector<16xf32>
        %add3A_353 = arith.addf %add3A_349, %add3A_350 : vector<16xf32>
        %add3A_354 = arith.addf %add3A_351, %add3A_352 : vector<16xf32>
        %add3A_355 = arith.addf %add3A_353, %add3A_354 : vector<16xf32>
        %reduce_sum3A_356 = arith.constant true
        %reduce_sum3A_357 = vector.broadcast %reduce_sum3A_356 : i1 to vector<16xi1>
        %reduce_sum3A_358 = tpu.scan <sum>, %add3A_355 masked %reduce_sum3A_357 : vector<16xf32>, vector<16xi1> -> vector<16xf32>
        %reduce_sum3A_359 = vector.extract %reduce_sum3A_358[15] : f32 from vector<16xf32>
        %mul3A_360 = arith.constant 7.812500e-03 : f32
        %mul3A_361 = arith.mulf %reduce_sum3A_359, %mul3A_360 : f32
        %broadcast_in_dim3A_362 = vector.broadcast %mul3A_361 : f32 to vector<16xf32>
        %sub3A_363 = arith.subf %add3A_285, %broadcast_in_dim3A_362 : vector<16xf32>
        %sub3A_364 = arith.subf %add3A_294, %broadcast_in_dim3A_362 : vector<16xf32>
        %sub3A_365 = arith.subf %add3A_303, %broadcast_in_dim3A_362 : vector<16xf32>
        %sub3A_366 = arith.subf %add3A_312, %broadcast_in_dim3A_362 : vector<16xf32>
        %sub3A_367 = arith.subf %add3A_321, %broadcast_in_dim3A_362 : vector<16xf32>
        %sub3A_368 = arith.subf %add3A_330, %broadcast_in_dim3A_362 : vector<16xf32>
        %sub3A_369 = arith.subf %add3A_339, %broadcast_in_dim3A_362 : vector<16xf32>
        %sub3A_370 = arith.subf %add3A_348, %broadcast_in_dim3A_362 : vector<16xf32>
        %mul3A_371 = arith.mulf %sub3A_363, %sub3A_363 : vector<16xf32>
        %mul3A_372 = arith.mulf %sub3A_364, %sub3A_364 : vector<16xf32>
        %mul3A_373 = arith.mulf %sub3A_365, %sub3A_365 : vector<16xf32>
        %mul3A_374 = arith.mulf %sub3A_366, %sub3A_366 : vector<16xf32>
        %mul3A_375 = arith.mulf %sub3A_367, %sub3A_367 : vector<16xf32>
        %mul3A_376 = arith.mulf %sub3A_368, %sub3A_368 : vector<16xf32>
        %mul3A_377 = arith.mulf %sub3A_369, %sub3A_369 : vector<16xf32>
        %mul3A_378 = arith.mulf %sub3A_370, %sub3A_370 : vector<16xf32>
        %add3A_379 = arith.addf %mul3A_371, %mul3A_372 : vector<16xf32>
        %add3A_380 = arith.addf %mul3A_373, %mul3A_374 : vector<16xf32>
        %add3A_381 = arith.addf %mul3A_375, %mul3A_376 : vector<16xf32>
        %add3A_382 = arith.addf %mul3A_377, %mul3A_378 : vector<16xf32>
        %add3A_383 = arith.addf %add3A_379, %add3A_380 : vector<16xf32>
        %add3A_384 = arith.addf %add3A_381, %add3A_382 : vector<16xf32>
        %add3A_385 = arith.addf %add3A_383, %add3A_384 : vector<16xf32>
        %reduce_sum3A_386 = arith.constant true
        %reduce_sum3A_387 = vector.broadcast %reduce_sum3A_386 : i1 to vector<16xi1>
        %reduce_sum3A_388 = tpu.scan <sum>, %add3A_385 masked %reduce_sum3A_387 : vector<16xf32>, vector<16xi1> -> vector<16xf32>
        %reduce_sum3A_389 = vector.extract %reduce_sum3A_388[15] : f32 from vector<16xf32>
        %mul3A_390 = arith.constant 7.812500e-03 : f32
        %mul3A_391 = arith.mulf %reduce_sum3A_389, %mul3A_390 : f32
        %add3A_392 = arith.constant 9.99999996E-13 : f32
        %add3A_393 = arith.addf %mul3A_391, %add3A_392 : f32
        %broadcast_in_dim3A_394 = vector.broadcast %add3A_393 : f32 to vector<16xf32>
        %bitcast_convert_type3A_395 = tpu.bitcast %broadcast_in_dim3A_394 : vector<16xf32> -> vector<16xi32>
        %broadcast_in_dim3A_396 = arith.constant 1597463007 : i32
        %broadcast_in_dim3A_397 = vector.broadcast %broadcast_in_dim3A_396 : i32 to vector<16xi32>
        %shift_right_arithmetic3A_398 = arith.constant 1 : i32
        %shift_right_arithmetic3A_399 = vector.broadcast %shift_right_arithmetic3A_398 : i32 to vector<16xi32>
        %shift_right_arithmetic3A_400 = arith.shrsi %bitcast_convert_type3A_395, %shift_right_arithmetic3A_399 : vector<16xi32>
        %sub3A_401 = arith.subi %broadcast_in_dim3A_397, %shift_right_arithmetic3A_400 : vector<16xi32>
        %bitcast_convert_type3A_402 = tpu.bitcast %sub3A_401 : vector<16xi32> -> vector<16xf32>
        %mul3A_403 = arith.constant 5.000000e-01 : f32
        %mul3A_404 = vector.broadcast %mul3A_403 : f32 to vector<16xf32>
        %mul3A_405 = arith.mulf %mul3A_404, %broadcast_in_dim3A_394 : vector<16xf32>
        %mul3A_406 = arith.mulf %mul3A_405, %bitcast_convert_type3A_402 : vector<16xf32>
        %mul3A_407 = arith.mulf %mul3A_406, %bitcast_convert_type3A_402 : vector<16xf32>
        %sub3A_408 = arith.constant 1.500000e+00 : f32
        %sub3A_409 = vector.broadcast %sub3A_408 : f32 to vector<16xf32>
        %sub3A_410 = arith.subf %sub3A_409, %mul3A_407 : vector<16xf32>
        %mul3A_411 = arith.mulf %bitcast_convert_type3A_402, %sub3A_410 : vector<16xf32>
        %mul3A_412 = arith.constant 5.000000e-01 : f32
        %mul3A_413 = vector.broadcast %mul3A_412 : f32 to vector<16xf32>
        %mul3A_414 = arith.mulf %mul3A_413, %broadcast_in_dim3A_394 : vector<16xf32>
        %mul3A_415 = arith.mulf %mul3A_414, %mul3A_411 : vector<16xf32>
        %mul3A_416 = arith.mulf %mul3A_415, %mul3A_411 : vector<16xf32>
        %sub3A_417 = arith.constant 1.500000e+00 : f32
        %sub3A_418 = vector.broadcast %sub3A_417 : f32 to vector<16xf32>
        %sub3A_419 = arith.subf %sub3A_418, %mul3A_416 : vector<16xf32>
        %mul3A_420 = arith.mulf %mul3A_411, %sub3A_419 : vector<16xf32>
        %mul3A_421 = arith.constant 5.000000e-01 : f32
        %mul3A_422 = vector.broadcast %mul3A_421 : f32 to vector<16xf32>
        %mul3A_423 = arith.mulf %mul3A_422, %broadcast_in_dim3A_394 : vector<16xf32>
        %mul3A_424 = arith.mulf %mul3A_423, %mul3A_420 : vector<16xf32>
        %mul3A_425 = arith.mulf %mul3A_424, %mul3A_420 : vector<16xf32>
        %sub3A_426 = arith.constant 1.500000e+00 : f32
        %sub3A_427 = vector.broadcast %sub3A_426 : f32 to vector<16xf32>
        %sub3A_428 = arith.subf %sub3A_427, %mul3A_425 : vector<16xf32>
        %mul3A_429 = arith.mulf %mul3A_420, %sub3A_428 : vector<16xf32>
        %get3A_430 = arith.constant 0 : index
        %get3A_431 = tpu.vector_load %arg15[%get3A_430] {strides = array<i32>} : memref<128xf32, #tpu.memory_space<vmem>>, vector<16xf32>,
        %get3A_432 = arith.constant 0 : index
        %get3A_433 = tpu.vector_load %arg16[%get3A_432] {strides = array<i32>} : memref<128xf32, #tpu.memory_space<vmem>>, vector<16xf32>,
        %mul3A_434 = arith.mulf %sub3A_363, %mul3A_429 : vector<16xf32>
        %mul3A_435 = arith.mulf %mul3A_434, %get3A_431 : vector<16xf32>
        %add3A_436 = arith.addf %mul3A_435, %get3A_433 : vector<16xf32>
        %swap3A_437 = arith.index_cast %add3A_276 : i32 to index
        %swap3A_438 = arith.constant 0 : index
        %swap3A_439 = tpu.vector_load %arg12[%swap3A_437, %swap3A_438] {strides = array<i32>} : memref<128x128xf32, #tpu.memory_space<vmem>>, vector<16xf32>,
        tpu.vector_store %arg12[%swap3A_437, %swap3A_438], %add3A_436 {strides = array<i32>} : memref<128x128xf32, #tpu.memory_space<vmem>>, vector<16xf32>,
        %get3A_440 = arith.constant 16 : index
        %get3A_441 = tpu.vector_load %arg15[%get3A_440] {strides = array<i32>} : memref<128xf32, #tpu.memory_space<vmem>>, vector<16xf32>,
        %get3A_442 = arith.constant 16 : index
        %get3A_443 = tpu.vector_load %arg16[%get3A_442] {strides = array<i32>} : memref<128xf32, #tpu.memory_space<vmem>>, vector<16xf32>,
        %mul3A_444 = arith.mulf %sub3A_364, %mul3A_429 : vector<16xf32>
        %mul3A_445 = arith.mulf %mul3A_444, %get3A_441 : vector<16xf32>
        %add3A_446 = arith.addf %mul3A_445, %get3A_443 : vector<16xf32>
        %swap3A_447 = arith.index_cast %add3A_276 : i32 to index
        %swap3A_448 = arith.constant 16 : index
        %swap3A_449 = tpu.vector_load %arg12[%swap3A_447, %swap3A_448] {strides = array<i32>} : memref<128x128xf32, #tpu.memory_space<vmem>>, vector<16xf32>,
        tpu.vector_store %arg12[%swap3A_447, %swap3A_448], %add3A_446 {strides = array<i32>} : memref<128x128xf32, #tpu.memory_space<vmem>>, vector<16xf32>,
        %get3A_450 = arith.constant 32 : index
        %get3A_451 = tpu.vector_load %arg15[%get3A_450] {strides = array<i32>} : memref<128xf32, #tpu.memory_space<vmem>>, vector<16xf32>,
        %get3A_452 = arith.constant 32 : index
        %get3A_453 = tpu.vector_load %arg16[%get3A_452] {strides = array<i32>} : memref<128xf32, #tpu.memory_space<vmem>>, vector<16xf32>,
        %mul3A_454 = arith.mulf %sub3A_365, %mul3A_429 : vector<16xf32>
        %mul3A_455 = arith.mulf %mul3A_454, %get3A_451 : vector<16xf32>
        %add3A_456 = arith.addf %mul3A_455, %get3A_453 : vector<16xf32>
        %swap3A_457 = arith.index_cast %add3A_276 : i32 to index
        %swap3A_458 = arith.constant 32 : index
        %swap3A_459 = tpu.vector_load %arg12[%swap3A_457, %swap3A_458] {strides = array<i32>} : memref<128x128xf32, #tpu.memory_space<vmem>>, vector<16xf32>,
        tpu.vector_store %arg12[%swap3A_457, %swap3A_458], %add3A_456 {strides = array<i32>} : memref<128x128xf32, #tpu.memory_space<vmem>>, vector<16xf32>,
        %get3A_460 = arith.constant 48 : index
        %get3A_461 = tpu.vector_load %arg15[%get3A_460] {strides = array<i32>} : memref<128xf32, #tpu.memory_space<vmem>>, vector<16xf32>,
        %get3A_462 = arith.constant 48 : index
        %get3A_463 = tpu.vector_load %arg16[%get3A_462] {strides = array<i32>} : memref<128xf32, #tpu.memory_space<vmem>>, vector<16xf32>,
        %mul3A_464 = arith.mulf %sub3A_366, %mul3A_429 : vector<16xf32>
        %mul3A_465 = arith.mulf %mul3A_464, %get3A_461 : vector<16xf32>
        %add3A_466 = arith.addf %mul3A_465, %get3A_463 : vector<16xf32>
        %swap3A_467 = arith.index_cast %add3A_276 : i32 to index
        %swap3A_468 = arith.constant 48 : index
        %swap3A_469 = tpu.vector_load %arg12[%swap3A_467, %swap3A_468] {strides = array<i32>} : memref<128x128xf32, #tpu.memory_space<vmem>>, vector<16xf32>,
        tpu.vector_store %arg12[%swap3A_467, %swap3A_468], %add3A_466 {strides = array<i32>} : memref<128x128xf32, #tpu.memory_space<vmem>>, vector<16xf32>,
        %get3A_470 = arith.constant 64 : index
        %get3A_471 = tpu.vector_load %arg15[%get3A_470] {strides = array<i32>} : memref<128xf32, #tpu.memory_space<vmem>>, vector<16xf32>,
        %get3A_472 = arith.constant 64 : index
        %get3A_473 = tpu.vector_load %arg16[%get3A_472] {strides = array<i32>} : memref<128xf32, #tpu.memory_space<vmem>>, vector<16xf32>,
        %mul3A_474 = arith.mulf %sub3A_367, %mul3A_429 : vector<16xf32>
        %mul3A_475 = arith.mulf %mul3A_474, %get3A_471 : vector<16xf32>
        %add3A_476 = arith.addf %mul3A_475, %get3A_473 : vector<16xf32>
        %swap3A_477 = arith.index_cast %add3A_276 : i32 to index
        %swap3A_478 = arith.constant 64 : index
        %swap3A_479 = tpu.vector_load %arg12[%swap3A_477, %swap3A_478] {strides = array<i32>} : memref<128x128xf32, #tpu.memory_space<vmem>>, vector<16xf32>,
        tpu.vector_store %arg12[%swap3A_477, %swap3A_478], %add3A_476 {strides = array<i32>} : memref<128x128xf32, #tpu.memory_space<vmem>>, vector<16xf32>,
        %get3A_480 = arith.constant 80 : index
        %get3A_481 = tpu.vector_load %arg15[%get3A_480] {strides = array<i32>} : memref<128xf32, #tpu.memory_space<vmem>>, vector<16xf32>,
        %get3A_482 = arith.constant 80 : index
        %get3A_483 = tpu.vector_load %arg16[%get3A_482] {strides = array<i32>} : memref<128xf32, #tpu.memory_space<vmem>>, vector<16xf32>,
        %mul3A_484 = arith.mulf %sub3A_368, %mul3A_429 : vector<16xf32>
        %mul3A_485 = arith.mulf %mul3A_484, %get3A_481 : vector<16xf32>
        %add3A_486 = arith.addf %mul3A_485, %get3A_483 : vector<16xf32>
        %swap3A_487 = arith.index_cast %add3A_276 : i32 to index
        %swap3A_488 = arith.constant 80 : index
        %swap3A_489 = tpu.vector_load %arg12[%swap3A_487, %swap3A_488] {strides = array<i32>} : memref<128x128xf32, #tpu.memory_space<vmem>>, vector<16xf32>,
        tpu.vector_store %arg12[%swap3A_487, %swap3A_488], %add3A_486 {strides = array<i32>} : memref<128x128xf32, #tpu.memory_space<vmem>>, vector<16xf32>,
        %get3A_490 = arith.constant 96 : index
        %get3A_491 = tpu.vector_load %arg15[%get3A_490] {strides = array<i32>} : memref<128xf32, #tpu.memory_space<vmem>>, vector<16xf32>,
        %get3A_492 = arith.constant 96 : index
        %get3A_493 = tpu.vector_load %arg16[%get3A_492] {strides = array<i32>} : memref<128xf32, #tpu.memory_space<vmem>>, vector<16xf32>,
        %mul3A_494 = arith.mulf %sub3A_369, %mul3A_429 : vector<16xf32>
        %mul3A_495 = arith.mulf %mul3A_494, %get3A_491 : vector<16xf32>
        %add3A_496 = arith.addf %mul3A_495, %get3A_493 : vector<16xf32>
        %swap3A_497 = arith.index_cast %add3A_276 : i32 to index
        %swap3A_498 = arith.constant 96 : index
        %swap3A_499 = tpu.vector_load %arg12[%swap3A_497, %swap3A_498] {strides = array<i32>} : memref<128x128xf32, #tpu.memory_space<vmem>>, vector<16xf32>,
        tpu.vector_store %arg12[%swap3A_497, %swap3A_498], %add3A_496 {strides = array<i32>} : memref<128x128xf32, #tpu.memory_space<vmem>>, vector<16xf32>,
        %get3A_500 = arith.constant 112 : index
        %get3A_501 = tpu.vector_load %arg15[%get3A_500] {strides = array<i32>} : memref<128xf32, #tpu.memory_space<vmem>>, vector<16xf32>,
        %get3A_502 = arith.constant 112 : index
        %get3A_503 = tpu.vector_load %arg16[%get3A_502] {strides = array<i32>} : memref<128xf32, #tpu.memory_space<vmem>>, vector<16xf32>,
        %mul3A_504 = arith.mulf %sub3A_370, %mul3A_429 : vector<16xf32>
        %mul3A_505 = arith.mulf %mul3A_504, %get3A_501 : vector<16xf32>
        %add3A_506 = arith.addf %mul3A_505, %get3A_503 : vector<16xf32>
        %swap3A_507 = arith.index_cast %add3A_276 : i32 to index
        %swap3A_508 = arith.constant 112 : index
        %swap3A_509 = tpu.vector_load %arg12[%swap3A_507, %swap3A_508] {strides = array<i32>} : memref<128x128xf32, #tpu.memory_space<vmem>>, vector<16xf32>,
        tpu.vector_store %arg12[%swap3A_507, %swap3A_508], %add3A_506 {strides = array<i32>} : memref<128x128xf32, #tpu.memory_space<vmem>>, vector<16xf32>,
        %add3A_510 = arith.constant 2 : i32
        %add3A_511 = arith.addi %mul3A_46, %add3A_510 : i32
        %get3A_512 = arith.index_cast %add3A_511 : i32 to index
        %get3A_513 = arith.constant 0 : index
        %get3A_514 = tpu.vector_load %arg10[%get3A_512, %get3A_513] {strides = array<i32>} : memref<128x128xf32, #tpu.memory_space<vmem>>, vector<16xf32>,
        %add3A_515 = arith.constant 0 : i32
        %add3A_516 = arith.addi %add3A_515, %add3A_511 : i32
        %get3A_517 = arith.index_cast %add3A_516 : i32 to index
        %get3A_518 = arith.constant 0 : index
        %get3A_519 = tpu.vector_load %arg14[%get3A_517, %get3A_518] {strides = array<i32>} : memref<200x128xf32, #tpu.memory_space<vmem>>, vector<16xf32>,
        %add3A_520 = arith.addf %get3A_514, %get3A_519 : vector<16xf32>
        %get3A_521 = arith.index_cast %add3A_511 : i32 to index
        %get3A_522 = arith.constant 16 : index
        %get3A_523 = tpu.vector_load %arg10[%get3A_521, %get3A_522] {strides = array<i32>} : memref<128x128xf32, #tpu.memory_space<vmem>>, vector<16xf32>,
        %add3A_524 = arith.constant 0 : i32
        %add3A_525 = arith.addi %add3A_524, %add3A_511 : i32
        %get3A_526 = arith.index_cast %add3A_525 : i32 to index
        %get3A_527 = arith.constant 16 : index
        %get3A_528 = tpu.vector_load %arg14[%get3A_526, %get3A_527] {strides = array<i32>} : memref<200x128xf32, #tpu.memory_space<vmem>>, vector<16xf32>,
        %add3A_529 = arith.addf %get3A_523, %get3A_528 : vector<16xf32>
        %get3A_530 = arith.index_cast %add3A_511 : i32 to index
        %get3A_531 = arith.constant 32 : index
        %get3A_532 = tpu.vector_load %arg10[%get3A_530, %get3A_531] {strides = array<i32>} : memref<128x128xf32, #tpu.memory_space<vmem>>, vector<16xf32>,
        %add3A_533 = arith.constant 0 : i32
        %add3A_534 = arith.addi %add3A_533, %add3A_511 : i32
        %get3A_535 = arith.index_cast %add3A_534 : i32 to index
        %get3A_536 = arith.constant 32 : index
        %get3A_537 = tpu.vector_load %arg14[%get3A_535, %get3A_536] {strides = array<i32>} : memref<200x128xf32, #tpu.memory_space<vmem>>, vector<16xf32>,
        %add3A_538 = arith.addf %get3A_532, %get3A_537 : vector<16xf32>
        %get3A_539 = arith.index_cast %add3A_511 : i32 to index
        %get3A_540 = arith.constant 48 : index
        %get3A_541 = tpu.vector_load %arg10[%get3A_539, %get3A_540] {strides = array<i32>} : memref<128x128xf32, #tpu.memory_space<vmem>>, vector<16xf32>,
        %add3A_542 = arith.constant 0 : i32
        %add3A_543 = arith.addi %add3A_542, %add3A_511 : i32
        %get3A_544 = arith.index_cast %add3A_543 : i32 to index
        %get3A_545 = arith.constant 48 : index
        %get3A_546 = tpu.vector_load %arg14[%get3A_544, %get3A_545] {strides = array<i32>} : memref<200x128xf32, #tpu.memory_space<vmem>>, vector<16xf32>,
        %add3A_547 = arith.addf %get3A_541, %get3A_546 : vector<16xf32>
        %get3A_548 = arith.index_cast %add3A_511 : i32 to index
        %get3A_549 = arith.constant 64 : index
        %get3A_550 = tpu.vector_load %arg10[%get3A_548, %get3A_549] {strides = array<i32>} : memref<128x128xf32, #tpu.memory_space<vmem>>, vector<16xf32>,
        %add3A_551 = arith.constant 0 : i32
        %add3A_552 = arith.addi %add3A_551, %add3A_511 : i32
        %get3A_553 = arith.index_cast %add3A_552 : i32 to index
        %get3A_554 = arith.constant 64 : index
        %get3A_555 = tpu.vector_load %arg14[%get3A_553, %get3A_554] {strides = array<i32>} : memref<200x128xf32, #tpu.memory_space<vmem>>, vector<16xf32>,
        %add3A_556 = arith.addf %get3A_550, %get3A_555 : vector<16xf32>
        %get3A_557 = arith.index_cast %add3A_511 : i32 to index
        %get3A_558 = arith.constant 80 : index
        %get3A_559 = tpu.vector_load %arg10[%get3A_557, %get3A_558] {strides = array<i32>} : memref<128x128xf32, #tpu.memory_space<vmem>>, vector<16xf32>,
        %add3A_560 = arith.constant 0 : i32
        %add3A_561 = arith.addi %add3A_560, %add3A_511 : i32
        %get3A_562 = arith.index_cast %add3A_561 : i32 to index
        %get3A_563 = arith.constant 80 : index
        %get3A_564 = tpu.vector_load %arg14[%get3A_562, %get3A_563] {strides = array<i32>} : memref<200x128xf32, #tpu.memory_space<vmem>>, vector<16xf32>,
        %add3A_565 = arith.addf %get3A_559, %get3A_564 : vector<16xf32>
        %get3A_566 = arith.index_cast %add3A_511 : i32 to index
        %get3A_567 = arith.constant 96 : index
        %get3A_568 = tpu.vector_load %arg10[%get3A_566, %get3A_567] {strides = array<i32>} : memref<128x128xf32, #tpu.memory_space<vmem>>, vector<16xf32>,
        %add3A_569 = arith.constant 0 : i32
        %add3A_570 = arith.addi %add3A_569, %add3A_511 : i32
        %get3A_571 = arith.index_cast %add3A_570 : i32 to index
        %get3A_572 = arith.constant 96 : index
        %get3A_573 = tpu.vector_load %arg14[%get3A_571, %get3A_572] {strides = array<i32>} : memref<200x128xf32, #tpu.memory_space<vmem>>, vector<16xf32>,
        %add3A_574 = arith.addf %get3A_568, %get3A_573 : vector<16xf32>
        %get3A_575 = arith.index_cast %add3A_511 : i32 to index
        %get3A_576 = arith.constant 112 : index
        %get3A_577 = tpu.vector_load %arg10[%get3A_575, %get3A_576] {strides = array<i32>} : memref<128x128xf32, #tpu.memory_space<vmem>>, vector<16xf32>,
        %add3A_578 = arith.constant 0 : i32
        %add3A_579 = arith.addi %add3A_578, %add3A_511 : i32
        %get3A_580 = arith.index_cast %add3A_579 : i32 to index
        %get3A_581 = arith.constant 112 : index
        %get3A_582 = tpu.vector_load %arg14[%get3A_580, %get3A_581] {strides = array<i32>} : memref<200x128xf32, #tpu.memory_space<vmem>>, vector<16xf32>,
        %add3A_583 = arith.addf %get3A_577, %get3A_582 : vector<16xf32>
        %add3A_584 = arith.addf %add3A_520, %add3A_529 : vector<16xf32>
        %add3A_585 = arith.addf %add3A_538, %add3A_547 : vector<16xf32>
        %add3A_586 = arith.addf %add3A_556, %add3A_565 : vector<16xf32>
        %add3A_587 = arith.addf %add3A_574, %add3A_583 : vector<16xf32>
        %add3A_588 = arith.addf %add3A_584, %add3A_585 : vector<16xf32>
        %add3A_589 = arith.addf %add3A_586, %add3A_587 : vector<16xf32>
        %add3A_590 = arith.addf %add3A_588, %add3A_589 : vector<16xf32>
        %reduce_sum3A_591 = arith.constant true
        %reduce_sum3A_592 = vector.broadcast %reduce_sum3A_591 : i1 to vector<16xi1>
        %reduce_sum3A_593 = tpu.scan <sum>, %add3A_590 masked %reduce_sum3A_592 : vector<16xf32>, vector<16xi1> -> vector<16xf32>
        %reduce_sum3A_594 = vector.extract %reduce_sum3A_593[15] : f32 from vector<16xf32>
        %mul3A_595 = arith.constant 7.812500e-03 : f32
        %mul3A_596 = arith.mulf %reduce_sum3A_594, %mul3A_595 : f32
        %broadcast_in_dim3A_597 = vector.broadcast %mul3A_596 : f32 to vector<16xf32>
        %sub3A_598 = arith.subf %add3A_520, %broadcast_in_dim3A_597 : vector<16xf32>
        %sub3A_599 = arith.subf %add3A_529, %broadcast_in_dim3A_597 : vector<16xf32>
        %sub3A_600 = arith.subf %add3A_538, %broadcast_in_dim3A_597 : vector<16xf32>
        %sub3A_601 = arith.subf %add3A_547, %broadcast_in_dim3A_597 : vector<16xf32>
        %sub3A_602 = arith.subf %add3A_556, %broadcast_in_dim3A_597 : vector<16xf32>
        %sub3A_603 = arith.subf %add3A_565, %broadcast_in_dim3A_597 : vector<16xf32>
        %sub3A_604 = arith.subf %add3A_574, %broadcast_in_dim3A_597 : vector<16xf32>
        %sub3A_605 = arith.subf %add3A_583, %broadcast_in_dim3A_597 : vector<16xf32>
        %mul3A_606 = arith.mulf %sub3A_598, %sub3A_598 : vector<16xf32>
        %mul3A_607 = arith.mulf %sub3A_599, %sub3A_599 : vector<16xf32>
        %mul3A_608 = arith.mulf %sub3A_600, %sub3A_600 : vector<16xf32>
        %mul3A_609 = arith.mulf %sub3A_601, %sub3A_601 : vector<16xf32>
        %mul3A_610 = arith.mulf %sub3A_602, %sub3A_602 : vector<16xf32>
        %mul3A_611 = arith.mulf %sub3A_603, %sub3A_603 : vector<16xf32>
        %mul3A_612 = arith.mulf %sub3A_604, %sub3A_604 : vector<16xf32>
        %mul3A_613 = arith.mulf %sub3A_605, %sub3A_605 : vector<16xf32>
        %add3A_614 = arith.addf %mul3A_606, %mul3A_607 : vector<16xf32>
        %add3A_615 = arith.addf %mul3A_608, %mul3A_609 : vector<16xf32>
        %add3A_616 = arith.addf %mul3A_610, %mul3A_611 : vector<16xf32>
        %add3A_617 = arith.addf %mul3A_612, %mul3A_613 : vector<16xf32>
        %add3A_618 = arith.addf %add3A_614, %add3A_615 : vector<16xf32>
        %add3A_619 = arith.addf %add3A_616, %add3A_617 : vector<16xf32>
        %add3A_620 = arith.addf %add3A_618, %add3A_619 : vector<16xf32>
        %reduce_sum3A_621 = arith.constant true
        %reduce_sum3A_622 = vector.broadcast %reduce_sum3A_621 : i1 to vector<16xi1>
        %reduce_sum3A_623 = tpu.scan <sum>, %add3A_620 masked %reduce_sum3A_622 : vector<16xf32>, vector<16xi1> -> vector<16xf32>
        %reduce_sum3A_624 = vector.extract %reduce_sum3A_623[15] : f32 from vector<16xf32>
        %mul3A_625 = arith.constant 7.812500e-03 : f32
        %mul3A_626 = arith.mulf %reduce_sum3A_624, %mul3A_625 : f32
        %add3A_627 = arith.constant 9.99999996E-13 : f32
        %add3A_628 = arith.addf %mul3A_626, %add3A_627 : f32
        %broadcast_in_dim3A_629 = vector.broadcast %add3A_628 : f32 to vector<16xf32>
        %bitcast_convert_type3A_630 = tpu.bitcast %broadcast_in_dim3A_629 : vector<16xf32> -> vector<16xi32>
        %broadcast_in_dim3A_631 = arith.constant 1597463007 : i32
        %broadcast_in_dim3A_632 = vector.broadcast %broadcast_in_dim3A_631 : i32 to vector<16xi32>
        %shift_right_arithmetic3A_633 = arith.constant 1 : i32
        %shift_right_arithmetic3A_634 = vector.broadcast %shift_right_arithmetic3A_633 : i32 to vector<16xi32>
        %shift_right_arithmetic3A_635 = arith.shrsi %bitcast_convert_type3A_630, %shift_right_arithmetic3A_634 : vector<16xi32>
        %sub3A_636 = arith.subi %broadcast_in_dim3A_632, %shift_right_arithmetic3A_635 : vector<16xi32>
        %bitcast_convert_type3A_637 = tpu.bitcast %sub3A_636 : vector<16xi32> -> vector<16xf32>
        %mul3A_638 = arith.constant 5.000000e-01 : f32
        %mul3A_639 = vector.broadcast %mul3A_638 : f32 to vector<16xf32>
        %mul3A_640 = arith.mulf %mul3A_639, %broadcast_in_dim3A_629 : vector<16xf32>
        %mul3A_641 = arith.mulf %mul3A_640, %bitcast_convert_type3A_637 : vector<16xf32>
        %mul3A_642 = arith.mulf %mul3A_641, %bitcast_convert_type3A_637 : vector<16xf32>
        %sub3A_643 = arith.constant 1.500000e+00 : f32
        %sub3A_644 = vector.broadcast %sub3A_643 : f32 to vector<16xf32>
        %sub3A_645 = arith.subf %sub3A_644, %mul3A_642 : vector<16xf32>
        %mul3A_646 = arith.mulf %bitcast_convert_type3A_637, %sub3A_645 : vector<16xf32>
        %mul3A_647 = arith.constant 5.000000e-01 : f32
        %mul3A_648 = vector.broadcast %mul3A_647 : f32 to vector<16xf32>
        %mul3A_649 = arith.mulf %mul3A_648, %broadcast_in_dim3A_629 : vector<16xf32>
        %mul3A_650 = arith.mulf %mul3A_649, %mul3A_646 : vector<16xf32>
        %mul3A_651 = arith.mulf %mul3A_650, %mul3A_646 : vector<16xf32>
        %sub3A_652 = arith.constant 1.500000e+00 : f32
        %sub3A_653 = vector.broadcast %sub3A_652 : f32 to vector<16xf32>
        %sub3A_654 = arith.subf %sub3A_653, %mul3A_651 : vector<16xf32>
        %mul3A_655 = arith.mulf %mul3A_646, %sub3A_654 : vector<16xf32>
        %mul3A_656 = arith.constant 5.000000e-01 : f32
        %mul3A_657 = vector.broadcast %mul3A_656 : f32 to vector<16xf32>
        %mul3A_658 = arith.mulf %mul3A_657, %broadcast_in_dim3A_629 : vector<16xf32>
        %mul3A_659 = arith.mulf %mul3A_658, %mul3A_655 : vector<16xf32>
        %mul3A_660 = arith.mulf %mul3A_659, %mul3A_655 : vector<16xf32>
        %sub3A_661 = arith.constant 1.500000e+00 : f32
        %sub3A_662 = vector.broadcast %sub3A_661 : f32 to vector<16xf32>
        %sub3A_663 = arith.subf %sub3A_662, %mul3A_660 : vector<16xf32>
        %mul3A_664 = arith.mulf %mul3A_655, %sub3A_663 : vector<16xf32>
        %get3A_665 = arith.constant 0 : index
        %get3A_666 = tpu.vector_load %arg15[%get3A_665] {strides = array<i32>} : memref<128xf32, #tpu.memory_space<vmem>>, vector<16xf32>,
        %get3A_667 = arith.constant 0 : index
        %get3A_668 = tpu.vector_load %arg16[%get3A_667] {strides = array<i32>} : memref<128xf32, #tpu.memory_space<vmem>>, vector<16xf32>,
        %mul3A_669 = arith.mulf %sub3A_598, %mul3A_664 : vector<16xf32>
        %mul3A_670 = arith.mulf %mul3A_669, %get3A_666 : vector<16xf32>
        %add3A_671 = arith.addf %mul3A_670, %get3A_668 : vector<16xf32>
        %swap3A_672 = arith.index_cast %add3A_511 : i32 to index
        %swap3A_673 = arith.constant 0 : index
        %swap3A_674 = tpu.vector_load %arg12[%swap3A_672, %swap3A_673] {strides = array<i32>} : memref<128x128xf32, #tpu.memory_space<vmem>>, vector<16xf32>,
        tpu.vector_store %arg12[%swap3A_672, %swap3A_673], %add3A_671 {strides = array<i32>} : memref<128x128xf32, #tpu.memory_space<vmem>>, vector<16xf32>,
        %get3A_675 = arith.constant 16 : index
        %get3A_676 = tpu.vector_load %arg15[%get3A_675] {strides = array<i32>} : memref<128xf32, #tpu.memory_space<vmem>>, vector<16xf32>,
        %get3A_677 = arith.constant 16 : index
        %get3A_678 = tpu.vector_load %arg16[%get3A_677] {strides = array<i32>} : memref<128xf32, #tpu.memory_space<vmem>>, vector<16xf32>,
        %mul3A_679 = arith.mulf %sub3A_599, %mul3A_664 : vector<16xf32>
        %mul3A_680 = arith.mulf %mul3A_679, %get3A_676 : vector<16xf32>
        %add3A_681 = arith.addf %mul3A_680, %get3A_678 : vector<16xf32>
        %swap3A_682 = arith.index_cast %add3A_511 : i32 to index
        %swap3A_683 = arith.constant 16 : index
        %swap3A_684 = tpu.vector_load %arg12[%swap3A_682, %swap3A_683] {strides = array<i32>} : memref<128x128xf32, #tpu.memory_space<vmem>>, vector<16xf32>,
        tpu.vector_store %arg12[%swap3A_682, %swap3A_683], %add3A_681 {strides = array<i32>} : memref<128x128xf32, #tpu.memory_space<vmem>>, vector<16xf32>,
        %get3A_685 = arith.constant 32 : index
        %get3A_686 = tpu.vector_load %arg15[%get3A_685] {strides = array<i32>} : memref<128xf32, #tpu.memory_space<vmem>>, vector<16xf32>,
        %get3A_687 = arith.constant 32 : index
        %get3A_688 = tpu.vector_load %arg16[%get3A_687] {strides = array<i32>} : memref<128xf32, #tpu.memory_space<vmem>>, vector<16xf32>,
        %mul3A_689 = arith.mulf %sub3A_600, %mul3A_664 : vector<16xf32>
        %mul3A_690 = arith.mulf %mul3A_689, %get3A_686 : vector<16xf32>
        %add3A_691 = arith.addf %mul3A_690, %get3A_688 : vector<16xf32>
        %swap3A_692 = arith.index_cast %add3A_511 : i32 to index
        %swap3A_693 = arith.constant 32 : index
        %swap3A_694 = tpu.vector_load %arg12[%swap3A_692, %swap3A_693] {strides = array<i32>} : memref<128x128xf32, #tpu.memory_space<vmem>>, vector<16xf32>,
        tpu.vector_store %arg12[%swap3A_692, %swap3A_693], %add3A_691 {strides = array<i32>} : memref<128x128xf32, #tpu.memory_space<vmem>>, vector<16xf32>,
        %get3A_695 = arith.constant 48 : index
        %get3A_696 = tpu.vector_load %arg15[%get3A_695] {strides = array<i32>} : memref<128xf32, #tpu.memory_space<vmem>>, vector<16xf32>,
        %get3A_697 = arith.constant 48 : index
        %get3A_698 = tpu.vector_load %arg16[%get3A_697] {strides = array<i32>} : memref<128xf32, #tpu.memory_space<vmem>>, vector<16xf32>,
        %mul3A_699 = arith.mulf %sub3A_601, %mul3A_664 : vector<16xf32>
        %mul3A_700 = arith.mulf %mul3A_699, %get3A_696 : vector<16xf32>
        %add3A_701 = arith.addf %mul3A_700, %get3A_698 : vector<16xf32>
        %swap3A_702 = arith.index_cast %add3A_511 : i32 to index
        %swap3A_703 = arith.constant 48 : index
        %swap3A_704 = tpu.vector_load %arg12[%swap3A_702, %swap3A_703] {strides = array<i32>} : memref<128x128xf32, #tpu.memory_space<vmem>>, vector<16xf32>,
        tpu.vector_store %arg12[%swap3A_702, %swap3A_703], %add3A_701 {strides = array<i32>} : memref<128x128xf32, #tpu.memory_space<vmem>>, vector<16xf32>,
        %get3A_705 = arith.constant 64 : index
        %get3A_706 = tpu.vector_load %arg15[%get3A_705] {strides = array<i32>} : memref<128xf32, #tpu.memory_space<vmem>>, vector<16xf32>,
        %get3A_707 = arith.constant 64 : index
        %get3A_708 = tpu.vector_load %arg16[%get3A_707] {strides = array<i32>} : memref<128xf32, #tpu.memory_space<vmem>>, vector<16xf32>,
        %mul3A_709 = arith.mulf %sub3A_602, %mul3A_664 : vector<16xf32>
        %mul3A_710 = arith.mulf %mul3A_709, %get3A_706 : vector<16xf32>
        %add3A_711 = arith.addf %mul3A_710, %get3A_708 : vector<16xf32>
        %swap3A_712 = arith.index_cast %add3A_511 : i32 to index
        %swap3A_713 = arith.constant 64 : index
        %swap3A_714 = tpu.vector_load %arg12[%swap3A_712, %swap3A_713] {strides = array<i32>} : memref<128x128xf32, #tpu.memory_space<vmem>>, vector<16xf32>,
        tpu.vector_store %arg12[%swap3A_712, %swap3A_713], %add3A_711 {strides = array<i32>} : memref<128x128xf32, #tpu.memory_space<vmem>>, vector<16xf32>,
        %get3A_715 = arith.constant 80 : index
        %get3A_716 = tpu.vector_load %arg15[%get3A_715] {strides = array<i32>} : memref<128xf32, #tpu.memory_space<vmem>>, vector<16xf32>,
        %get3A_717 = arith.constant 80 : index
        %get3A_718 = tpu.vector_load %arg16[%get3A_717] {strides = array<i32>} : memref<128xf32, #tpu.memory_space<vmem>>, vector<16xf32>,
        %mul3A_719 = arith.mulf %sub3A_603, %mul3A_664 : vector<16xf32>
        %mul3A_720 = arith.mulf %mul3A_719, %get3A_716 : vector<16xf32>
        %add3A_721 = arith.addf %mul3A_720, %get3A_718 : vector<16xf32>
        %swap3A_722 = arith.index_cast %add3A_511 : i32 to index
        %swap3A_723 = arith.constant 80 : index
        %swap3A_724 = tpu.vector_load %arg12[%swap3A_722, %swap3A_723] {strides = array<i32>} : memref<128x128xf32, #tpu.memory_space<vmem>>, vector<16xf32>,
        tpu.vector_store %arg12[%swap3A_722, %swap3A_723], %add3A_721 {strides = array<i32>} : memref<128x128xf32, #tpu.memory_space<vmem>>, vector<16xf32>,
        %get3A_725 = arith.constant 96 : index
        %get3A_726 = tpu.vector_load %arg15[%get3A_725] {strides = array<i32>} : memref<128xf32, #tpu.memory_space<vmem>>, vector<16xf32>,
        %get3A_727 = arith.constant 96 : index
        %get3A_728 = tpu.vector_load %arg16[%get3A_727] {strides = array<i32>} : memref<128xf32, #tpu.memory_space<vmem>>, vector<16xf32>,
        %mul3A_729 = arith.mulf %sub3A_604, %mul3A_664 : vector<16xf32>
        %mul3A_730 = arith.mulf %mul3A_729, %get3A_726 : vector<16xf32>
        %add3A_731 = arith.addf %mul3A_730, %get3A_728 : vector<16xf32>
        %swap3A_732 = arith.index_cast %add3A_511 : i32 to index
        %swap3A_733 = arith.constant 96 : index
        %swap3A_734 = tpu.vector_load %arg12[%swap3A_732, %swap3A_733] {strides = array<i32>} : memref<128x128xf32, #tpu.memory_space<vmem>>, vector<16xf32>,
        tpu.vector_store %arg12[%swap3A_732, %swap3A_733], %add3A_731 {strides = array<i32>} : memref<128x128xf32, #tpu.memory_space<vmem>>, vector<16xf32>,
        %get3A_735 = arith.constant 112 : index
        %get3A_736 = tpu.vector_load %arg15[%get3A_735] {strides = array<i32>} : memref<128xf32, #tpu.memory_space<vmem>>, vector<16xf32>,
        %get3A_737 = arith.constant 112 : index
        %get3A_738 = tpu.vector_load %arg16[%get3A_737] {strides = array<i32>} : memref<128xf32, #tpu.memory_space<vmem>>, vector<16xf32>,
        %mul3A_739 = arith.mulf %sub3A_605, %mul3A_664 : vector<16xf32>
        %mul3A_740 = arith.mulf %mul3A_739, %get3A_736 : vector<16xf32>
        %add3A_741 = arith.addf %mul3A_740, %get3A_738 : vector<16xf32>
        %swap3A_742 = arith.index_cast %add3A_511 : i32 to index
        %swap3A_743 = arith.constant 112 : index
        %swap3A_744 = tpu.vector_load %arg12[%swap3A_742, %swap3A_743] {strides = array<i32>} : memref<128x128xf32, #tpu.memory_space<vmem>>, vector<16xf32>,
        tpu.vector_store %arg12[%swap3A_742, %swap3A_743], %add3A_741 {strides = array<i32>} : memref<128x128xf32, #tpu.memory_space<vmem>>, vector<16xf32>,
        %add3A_745 = arith.constant 3 : i32
        %add3A_746 = arith.addi %mul3A_46, %add3A_745 : i32
        %get3A_747 = arith.index_cast %add3A_746 : i32 to index
        %get3A_748 = arith.constant 0 : index
        %get3A_749 = tpu.vector_load %arg10[%get3A_747, %get3A_748] {strides = array<i32>} : memref<128x128xf32, #tpu.memory_space<vmem>>, vector<16xf32>,
        %add3A_750 = arith.constant 0 : i32
        %add3A_751 = arith.addi %add3A_750, %add3A_746 : i32
        %get3A_752 = arith.index_cast %add3A_751 : i32 to index
        %get3A_753 = arith.constant 0 : index
        %get3A_754 = tpu.vector_load %arg14[%get3A_752, %get3A_753] {strides = array<i32>} : memref<200x128xf32, #tpu.memory_space<vmem>>, vector<16xf32>,
        %add3A_755 = arith.addf %get3A_749, %get3A_754 : vector<16xf32>
        %get3A_756 = arith.index_cast %add3A_746 : i32 to index
        %get3A_757 = arith.constant 16 : index
        %get3A_758 = tpu.vector_load %arg10[%get3A_756, %get3A_757] {strides = array<i32>} : memref<128x128xf32, #tpu.memory_space<vmem>>, vector<16xf32>,
        %add3A_759 = arith.constant 0 : i32
        %add3A_760 = arith.addi %add3A_759, %add3A_746 : i32
        %get3A_761 = arith.index_cast %add3A_760 : i32 to index
        %get3A_762 = arith.constant 16 : index
        %get3A_763 = tpu.vector_load %arg14[%get3A_761, %get3A_762] {strides = array<i32>} : memref<200x128xf32, #tpu.memory_space<vmem>>, vector<16xf32>,
        %add3A_764 = arith.addf %get3A_758, %get3A_763 : vector<16xf32>
        %get3A_765 = arith.index_cast %add3A_746 : i32 to index
        %get3A_766 = arith.constant 32 : index
        %get3A_767 = tpu.vector_load %arg10[%get3A_765, %get3A_766] {strides = array<i32>} : memref<128x128xf32, #tpu.memory_space<vmem>>, vector<16xf32>,
        %add3A_768 = arith.constant 0 : i32
        %add3A_769 = arith.addi %add3A_768, %add3A_746 : i32
        %get3A_770 = arith.index_cast %add3A_769 : i32 to index
        %get3A_771 = arith.constant 32 : index
        %get3A_772 = tpu.vector_load %arg14[%get3A_770, %get3A_771] {strides = array<i32>} : memref<200x128xf32, #tpu.memory_space<vmem>>, vector<16xf32>,
        %add3A_773 = arith.addf %get3A_767, %get3A_772 : vector<16xf32>
        %get3A_774 = arith.index_cast %add3A_746 : i32 to index
        %get3A_775 = arith.constant 48 : index
        %get3A_776 = tpu.vector_load %arg10[%get3A_774, %get3A_775] {strides = array<i32>} : memref<128x128xf32, #tpu.memory_space<vmem>>, vector<16xf32>,
        %add3A_777 = arith.constant 0 : i32
        %add3A_778 = arith.addi %add3A_777, %add3A_746 : i32
        %get3A_779 = arith.index_cast %add3A_778 : i32 to index
        %get3A_780 = arith.constant 48 : index
        %get3A_781 = tpu.vector_load %arg14[%get3A_779, %get3A_780] {strides = array<i32>} : memref<200x128xf32, #tpu.memory_space<vmem>>, vector<16xf32>,
        %add3A_782 = arith.addf %get3A_776, %get3A_781 : vector<16xf32>
        %get3A_783 = arith.index_cast %add3A_746 : i32 to index
        %get3A_784 = arith.constant 64 : index
        %get3A_785 = tpu.vector_load %arg10[%get3A_783, %get3A_784] {strides = array<i32>} : memref<128x128xf32, #tpu.memory_space<vmem>>, vector<16xf32>,
        %add3A_786 = arith.constant 0 : i32
        %add3A_787 = arith.addi %add3A_786, %add3A_746 : i32
        %get3A_788 = arith.index_cast %add3A_787 : i32 to index
        %get3A_789 = arith.constant 64 : index
        %get3A_790 = tpu.vector_load %arg14[%get3A_788, %get3A_789] {strides = array<i32>} : memref<200x128xf32, #tpu.memory_space<vmem>>, vector<16xf32>,
        %add3A_791 = arith.addf %get3A_785, %get3A_790 : vector<16xf32>
        %get3A_792 = arith.index_cast %add3A_746 : i32 to index
        %get3A_793 = arith.constant 80 : index
        %get3A_794 = tpu.vector_load %arg10[%get3A_792, %get3A_793] {strides = array<i32>} : memref<128x128xf32, #tpu.memory_space<vmem>>, vector<16xf32>,
        %add3A_795 = arith.constant 0 : i32
        %add3A_796 = arith.addi %add3A_795, %add3A_746 : i32
        %get3A_797 = arith.index_cast %add3A_796 : i32 to index
        %get3A_798 = arith.constant 80 : index
        %get3A_799 = tpu.vector_load %arg14[%get3A_797, %get3A_798] {strides = array<i32>} : memref<200x128xf32, #tpu.memory_space<vmem>>, vector<16xf32>,
        %add3A_800 = arith.addf %get3A_794, %get3A_799 : vector<16xf32>
        %get3A_801 = arith.index_cast %add3A_746 : i32 to index
        %get3A_802 = arith.constant 96 : index
        %get3A_803 = tpu.vector_load %arg10[%get3A_801, %get3A_802] {strides = array<i32>} : memref<128x128xf32, #tpu.memory_space<vmem>>, vector<16xf32>,
        %add3A_804 = arith.constant 0 : i32
        %add3A_805 = arith.addi %add3A_804, %add3A_746 : i32
        %get3A_806 = arith.index_cast %add3A_805 : i32 to index
        %get3A_807 = arith.constant 96 : index
        %get3A_808 = tpu.vector_load %arg14[%get3A_806, %get3A_807] {strides = array<i32>} : memref<200x128xf32, #tpu.memory_space<vmem>>, vector<16xf32>,
        %add3A_809 = arith.addf %get3A_803, %get3A_808 : vector<16xf32>
        %get3A_810 = arith.index_cast %add3A_746 : i32 to index
        %get3A_811 = arith.constant 112 : index
        %get3A_812 = tpu.vector_load %arg10[%get3A_810, %get3A_811] {strides = array<i32>} : memref<128x128xf32, #tpu.memory_space<vmem>>, vector<16xf32>,
        %add3A_813 = arith.constant 0 : i32
        %add3A_814 = arith.addi %add3A_813, %add3A_746 : i32
        %get3A_815 = arith.index_cast %add3A_814 : i32 to index
        %get3A_816 = arith.constant 112 : index
        %get3A_817 = tpu.vector_load %arg14[%get3A_815, %get3A_816] {strides = array<i32>} : memref<200x128xf32, #tpu.memory_space<vmem>>, vector<16xf32>,
        %add3A_818 = arith.addf %get3A_812, %get3A_817 : vector<16xf32>
        %add3A_819 = arith.addf %add3A_755, %add3A_764 : vector<16xf32>
        %add3A_820 = arith.addf %add3A_773, %add3A_782 : vector<16xf32>
        %add3A_821 = arith.addf %add3A_791, %add3A_800 : vector<16xf32>
        %add3A_822 = arith.addf %add3A_809, %add3A_818 : vector<16xf32>
        %add3A_823 = arith.addf %add3A_819, %add3A_820 : vector<16xf32>
        %add3A_824 = arith.addf %add3A_821, %add3A_822 : vector<16xf32>
        %add3A_825 = arith.addf %add3A_823, %add3A_824 : vector<16xf32>
        %reduce_sum3A_826 = arith.constant true
        %reduce_sum3A_827 = vector.broadcast %reduce_sum3A_826 : i1 to vector<16xi1>
        %reduce_sum3A_828 = tpu.scan <sum>, %add3A_825 masked %reduce_sum3A_827 : vector<16xf32>, vector<16xi1> -> vector<16xf32>
        %reduce_sum3A_829 = vector.extract %reduce_sum3A_828[15] : f32 from vector<16xf32>
        %mul3A_830 = arith.constant 7.812500e-03 : f32
        %mul3A_831 = arith.mulf %reduce_sum3A_829, %mul3A_830 : f32
        %broadcast_in_dim3A_832 = vector.broadcast %mul3A_831 : f32 to vector<16xf32>
        %sub3A_833 = arith.subf %add3A_755, %broadcast_in_dim3A_832 : vector<16xf32>
        %sub3A_834 = arith.subf %add3A_764, %broadcast_in_dim3A_832 : vector<16xf32>
        %sub3A_835 = arith.subf %add3A_773, %broadcast_in_dim3A_832 : vector<16xf32>
        %sub3A_836 = arith.subf %add3A_782, %broadcast_in_dim3A_832 : vector<16xf32>
        %sub3A_837 = arith.subf %add3A_791, %broadcast_in_dim3A_832 : vector<16xf32>
        %sub3A_838 = arith.subf %add3A_800, %broadcast_in_dim3A_832 : vector<16xf32>
        %sub3A_839 = arith.subf %add3A_809, %broadcast_in_dim3A_832 : vector<16xf32>
        %sub3A_840 = arith.subf %add3A_818, %broadcast_in_dim3A_832 : vector<16xf32>
        %mul3A_841 = arith.mulf %sub3A_833, %sub3A_833 : vector<16xf32>
        %mul3A_842 = arith.mulf %sub3A_834, %sub3A_834 : vector<16xf32>
        %mul3A_843 = arith.mulf %sub3A_835, %sub3A_835 : vector<16xf32>
        %mul3A_844 = arith.mulf %sub3A_836, %sub3A_836 : vector<16xf32>
        %mul3A_845 = arith.mulf %sub3A_837, %sub3A_837 : vector<16xf32>
        %mul3A_846 = arith.mulf %sub3A_838, %sub3A_838 : vector<16xf32>
        %mul3A_847 = arith.mulf %sub3A_839, %sub3A_839 : vector<16xf32>
        %mul3A_848 = arith.mulf %sub3A_840, %sub3A_840 : vector<16xf32>
        %add3A_849 = arith.addf %mul3A_841, %mul3A_842 : vector<16xf32>
        %add3A_850 = arith.addf %mul3A_843, %mul3A_844 : vector<16xf32>
        %add3A_851 = arith.addf %mul3A_845, %mul3A_846 : vector<16xf32>
        %add3A_852 = arith.addf %mul3A_847, %mul3A_848 : vector<16xf32>
        %add3A_853 = arith.addf %add3A_849, %add3A_850 : vector<16xf32>
        %add3A_854 = arith.addf %add3A_851, %add3A_852 : vector<16xf32>
        %add3A_855 = arith.addf %add3A_853, %add3A_854 : vector<16xf32>
        %reduce_sum3A_856 = arith.constant true
        %reduce_sum3A_857 = vector.broadcast %reduce_sum3A_856 : i1 to vector<16xi1>
        %reduce_sum3A_858 = tpu.scan <sum>, %add3A_855 masked %reduce_sum3A_857 : vector<16xf32>, vector<16xi1> -> vector<16xf32>
        %reduce_sum3A_859 = vector.extract %reduce_sum3A_858[15] : f32 from vector<16xf32>
        %mul3A_860 = arith.constant 7.812500e-03 : f32
        %mul3A_861 = arith.mulf %reduce_sum3A_859, %mul3A_860 : f32
        %add3A_862 = arith.constant 9.99999996E-13 : f32
        %add3A_863 = arith.addf %mul3A_861, %add3A_862 : f32
        %broadcast_in_dim3A_864 = vector.broadcast %add3A_863 : f32 to vector<16xf32>
        %bitcast_convert_type3A_865 = tpu.bitcast %broadcast_in_dim3A_864 : vector<16xf32> -> vector<16xi32>
        %broadcast_in_dim3A_866 = arith.constant 1597463007 : i32
        %broadcast_in_dim3A_867 = vector.broadcast %broadcast_in_dim3A_866 : i32 to vector<16xi32>
        %shift_right_arithmetic3A_868 = arith.constant 1 : i32
        %shift_right_arithmetic3A_869 = vector.broadcast %shift_right_arithmetic3A_868 : i32 to vector<16xi32>
        %shift_right_arithmetic3A_870 = arith.shrsi %bitcast_convert_type3A_865, %shift_right_arithmetic3A_869 : vector<16xi32>
        %sub3A_871 = arith.subi %broadcast_in_dim3A_867, %shift_right_arithmetic3A_870 : vector<16xi32>
        %bitcast_convert_type3A_872 = tpu.bitcast %sub3A_871 : vector<16xi32> -> vector<16xf32>
        %mul3A_873 = arith.constant 5.000000e-01 : f32
        %mul3A_874 = vector.broadcast %mul3A_873 : f32 to vector<16xf32>
        %mul3A_875 = arith.mulf %mul3A_874, %broadcast_in_dim3A_864 : vector<16xf32>
        %mul3A_876 = arith.mulf %mul3A_875, %bitcast_convert_type3A_872 : vector<16xf32>
        %mul3A_877 = arith.mulf %mul3A_876, %bitcast_convert_type3A_872 : vector<16xf32>
        %sub3A_878 = arith.constant 1.500000e+00 : f32
        %sub3A_879 = vector.broadcast %sub3A_878 : f32 to vector<16xf32>
        %sub3A_880 = arith.subf %sub3A_879, %mul3A_877 : vector<16xf32>
        %mul3A_881 = arith.mulf %bitcast_convert_type3A_872, %sub3A_880 : vector<16xf32>
        %mul3A_882 = arith.constant 5.000000e-01 : f32
        %mul3A_883 = vector.broadcast %mul3A_882 : f32 to vector<16xf32>
        %mul3A_884 = arith.mulf %mul3A_883, %broadcast_in_dim3A_864 : vector<16xf32>
        %mul3A_885 = arith.mulf %mul3A_884, %mul3A_881 : vector<16xf32>
        %mul3A_886 = arith.mulf %mul3A_885, %mul3A_881 : vector<16xf32>
        %sub3A_887 = arith.constant 1.500000e+00 : f32
        %sub3A_888 = vector.broadcast %sub3A_887 : f32 to vector<16xf32>
        %sub3A_889 = arith.subf %sub3A_888, %mul3A_886 : vector<16xf32>
        %mul3A_890 = arith.mulf %mul3A_881, %sub3A_889 : vector<16xf32>
        %mul3A_891 = arith.constant 5.000000e-01 : f32
        %mul3A_892 = vector.broadcast %mul3A_891 : f32 to vector<16xf32>
        %mul3A_893 = arith.mulf %mul3A_892, %broadcast_in_dim3A_864 : vector<16xf32>
        %mul3A_894 = arith.mulf %mul3A_893, %mul3A_890 : vector<16xf32>
        %mul3A_895 = arith.mulf %mul3A_894, %mul3A_890 : vector<16xf32>
        %sub3A_896 = arith.constant 1.500000e+00 : f32
        %sub3A_897 = vector.broadcast %sub3A_896 : f32 to vector<16xf32>
        %sub3A_898 = arith.subf %sub3A_897, %mul3A_895 : vector<16xf32>
        %mul3A_899 = arith.mulf %mul3A_890, %sub3A_898 : vector<16xf32>
        %get3A_900 = arith.constant 0 : index
        %get3A_901 = tpu.vector_load %arg15[%get3A_900] {strides = array<i32>} : memref<128xf32, #tpu.memory_space<vmem>>, vector<16xf32>,
        %get3A_902 = arith.constant 0 : index
        %get3A_903 = tpu.vector_load %arg16[%get3A_902] {strides = array<i32>} : memref<128xf32, #tpu.memory_space<vmem>>, vector<16xf32>,
        %mul3A_904 = arith.mulf %sub3A_833, %mul3A_899 : vector<16xf32>
        %mul3A_905 = arith.mulf %mul3A_904, %get3A_901 : vector<16xf32>
        %add3A_906 = arith.addf %mul3A_905, %get3A_903 : vector<16xf32>
        %swap3A_907 = arith.index_cast %add3A_746 : i32 to index
        %swap3A_908 = arith.constant 0 : index
        %swap3A_909 = tpu.vector_load %arg12[%swap3A_907, %swap3A_908] {strides = array<i32>} : memref<128x128xf32, #tpu.memory_space<vmem>>, vector<16xf32>,
        tpu.vector_store %arg12[%swap3A_907, %swap3A_908], %add3A_906 {strides = array<i32>} : memref<128x128xf32, #tpu.memory_space<vmem>>, vector<16xf32>,
        %get3A_910 = arith.constant 16 : index
        %get3A_911 = tpu.vector_load %arg15[%get3A_910] {strides = array<i32>} : memref<128xf32, #tpu.memory_space<vmem>>, vector<16xf32>,
        %get3A_912 = arith.constant 16 : index
        %get3A_913 = tpu.vector_load %arg16[%get3A_912] {strides = array<i32>} : memref<128xf32, #tpu.memory_space<vmem>>, vector<16xf32>,
        %mul3A_914 = arith.mulf %sub3A_834, %mul3A_899 : vector<16xf32>
        %mul3A_915 = arith.mulf %mul3A_914, %get3A_911 : vector<16xf32>
        %add3A_916 = arith.addf %mul3A_915, %get3A_913 : vector<16xf32>
        %swap3A_917 = arith.index_cast %add3A_746 : i32 to index
        %swap3A_918 = arith.constant 16 : index
        %swap3A_919 = tpu.vector_load %arg12[%swap3A_917, %swap3A_918] {strides = array<i32>} : memref<128x128xf32, #tpu.memory_space<vmem>>, vector<16xf32>,
        tpu.vector_store %arg12[%swap3A_917, %swap3A_918], %add3A_916 {strides = array<i32>} : memref<128x128xf32, #tpu.memory_space<vmem>>, vector<16xf32>,
        %get3A_920 = arith.constant 32 : index
        %get3A_921 = tpu.vector_load %arg15[%get3A_920] {strides = array<i32>} : memref<128xf32, #tpu.memory_space<vmem>>, vector<16xf32>,
        %get3A_922 = arith.constant 32 : index
        %get3A_923 = tpu.vector_load %arg16[%get3A_922] {strides = array<i32>} : memref<128xf32, #tpu.memory_space<vmem>>, vector<16xf32>,
        %mul3A_924 = arith.mulf %sub3A_835, %mul3A_899 : vector<16xf32>
        %mul3A_925 = arith.mulf %mul3A_924, %get3A_921 : vector<16xf32>
        %add3A_926 = arith.addf %mul3A_925, %get3A_923 : vector<16xf32>
        %swap3A_927 = arith.index_cast %add3A_746 : i32 to index
        %swap3A_928 = arith.constant 32 : index
        %swap3A_929 = tpu.vector_load %arg12[%swap3A_927, %swap3A_928] {strides = array<i32>} : memref<128x128xf32, #tpu.memory_space<vmem>>, vector<16xf32>,
        tpu.vector_store %arg12[%swap3A_927, %swap3A_928], %add3A_926 {strides = array<i32>} : memref<128x128xf32, #tpu.memory_space<vmem>>, vector<16xf32>,
        %get3A_930 = arith.constant 48 : index
        %get3A_931 = tpu.vector_load %arg15[%get3A_930] {strides = array<i32>} : memref<128xf32, #tpu.memory_space<vmem>>, vector<16xf32>,
        %get3A_932 = arith.constant 48 : index
        %get3A_933 = tpu.vector_load %arg16[%get3A_932] {strides = array<i32>} : memref<128xf32, #tpu.memory_space<vmem>>, vector<16xf32>,
        %mul3A_934 = arith.mulf %sub3A_836, %mul3A_899 : vector<16xf32>
        %mul3A_935 = arith.mulf %mul3A_934, %get3A_931 : vector<16xf32>
        %add3A_936 = arith.addf %mul3A_935, %get3A_933 : vector<16xf32>
        %swap3A_937 = arith.index_cast %add3A_746 : i32 to index
        %swap3A_938 = arith.constant 48 : index
        %swap3A_939 = tpu.vector_load %arg12[%swap3A_937, %swap3A_938] {strides = array<i32>} : memref<128x128xf32, #tpu.memory_space<vmem>>, vector<16xf32>,
        tpu.vector_store %arg12[%swap3A_937, %swap3A_938], %add3A_936 {strides = array<i32>} : memref<128x128xf32, #tpu.memory_space<vmem>>, vector<16xf32>,
        %get3A_940 = arith.constant 64 : index
        %get3A_941 = tpu.vector_load %arg15[%get3A_940] {strides = array<i32>} : memref<128xf32, #tpu.memory_space<vmem>>, vector<16xf32>,
        %get3A_942 = arith.constant 64 : index
        %get3A_943 = tpu.vector_load %arg16[%get3A_942] {strides = array<i32>} : memref<128xf32, #tpu.memory_space<vmem>>, vector<16xf32>,
        %mul3A_944 = arith.mulf %sub3A_837, %mul3A_899 : vector<16xf32>
        %mul3A_945 = arith.mulf %mul3A_944, %get3A_941 : vector<16xf32>
        %add3A_946 = arith.addf %mul3A_945, %get3A_943 : vector<16xf32>
        %swap3A_947 = arith.index_cast %add3A_746 : i32 to index
        %swap3A_948 = arith.constant 64 : index
        %swap3A_949 = tpu.vector_load %arg12[%swap3A_947, %swap3A_948] {strides = array<i32>} : memref<128x128xf32, #tpu.memory_space<vmem>>, vector<16xf32>,
        tpu.vector_store %arg12[%swap3A_947, %swap3A_948], %add3A_946 {strides = array<i32>} : memref<128x128xf32, #tpu.memory_space<vmem>>, vector<16xf32>,
        %get3A_950 = arith.constant 80 : index
        %get3A_951 = tpu.vector_load %arg15[%get3A_950] {strides = array<i32>} : memref<128xf32, #tpu.memory_space<vmem>>, vector<16xf32>,
        %get3A_952 = arith.constant 80 : index
        %get3A_953 = tpu.vector_load %arg16[%get3A_952] {strides = array<i32>} : memref<128xf32, #tpu.memory_space<vmem>>, vector<16xf32>,
        %mul3A_954 = arith.mulf %sub3A_838, %mul3A_899 : vector<16xf32>
        %mul3A_955 = arith.mulf %mul3A_954, %get3A_951 : vector<16xf32>
        %add3A_956 = arith.addf %mul3A_955, %get3A_953 : vector<16xf32>
        %swap3A_957 = arith.index_cast %add3A_746 : i32 to index
        %swap3A_958 = arith.constant 80 : index
        %swap3A_959 = tpu.vector_load %arg12[%swap3A_957, %swap3A_958] {strides = array<i32>} : memref<128x128xf32, #tpu.memory_space<vmem>>, vector<16xf32>,
        tpu.vector_store %arg12[%swap3A_957, %swap3A_958], %add3A_956 {strides = array<i32>} : memref<128x128xf32, #tpu.memory_space<vmem>>, vector<16xf32>,
        %get3A_960 = arith.constant 96 : index
        %get3A_961 = tpu.vector_load %arg15[%get3A_960] {strides = array<i32>} : memref<128xf32, #tpu.memory_space<vmem>>, vector<16xf32>,
        %get3A_962 = arith.constant 96 : index
        %get3A_963 = tpu.vector_load %arg16[%get3A_962] {strides = array<i32>} : memref<128xf32, #tpu.memory_space<vmem>>, vector<16xf32>,
        %mul3A_964 = arith.mulf %sub3A_839, %mul3A_899 : vector<16xf32>
        %mul3A_965 = arith.mulf %mul3A_964, %get3A_961 : vector<16xf32>
        %add3A_966 = arith.addf %mul3A_965, %get3A_963 : vector<16xf32>
        %swap3A_967 = arith.index_cast %add3A_746 : i32 to index
        %swap3A_968 = arith.constant 96 : index
        %swap3A_969 = tpu.vector_load %arg12[%swap3A_967, %swap3A_968] {strides = array<i32>} : memref<128x128xf32, #tpu.memory_space<vmem>>, vector<16xf32>,
        tpu.vector_store %arg12[%swap3A_967, %swap3A_968], %add3A_966 {strides = array<i32>} : memref<128x128xf32, #tpu.memory_space<vmem>>, vector<16xf32>,
        %get3A_970 = arith.constant 112 : index
        %get3A_971 = tpu.vector_load %arg15[%get3A_970] {strides = array<i32>} : memref<128xf32, #tpu.memory_space<vmem>>, vector<16xf32>,
        %get3A_972 = arith.constant 112 : index
        %get3A_973 = tpu.vector_load %arg16[%get3A_972] {strides = array<i32>} : memref<128xf32, #tpu.memory_space<vmem>>, vector<16xf32>,
        %mul3A_974 = arith.mulf %sub3A_840, %mul3A_899 : vector<16xf32>
        %mul3A_975 = arith.mulf %mul3A_974, %get3A_971 : vector<16xf32>
        %add3A_976 = arith.addf %mul3A_975, %get3A_973 : vector<16xf32>
        %swap3A_977 = arith.index_cast %add3A_746 : i32 to index
        %swap3A_978 = arith.constant 112 : index
        %swap3A_979 = tpu.vector_load %arg12[%swap3A_977, %swap3A_978] {strides = array<i32>} : memref<128x128xf32, #tpu.memory_space<vmem>>, vector<16xf32>,
        tpu.vector_store %arg12[%swap3A_977, %swap3A_978], %add3A_976 {strides = array<i32>} : memref<128x128xf32, #tpu.memory_space<vmem>>, vector<16xf32>,
        %scan3A_980 = arith.constant 0 : i32
        scf.yield %scan3A_980 : i32
      }
      %scan3A_32 = arith.constant 32 : i32
      %scan3A_33 = arith.constant 0 : i32
      %scan3A_34 = arith.constant 0 : i32
      %scan3A_35 = arith.constant 18 : i32
      %scan3A_36 = arith.addi %scan3A_34, %scan3A_35 : i32
      %scan3A_37 = arith.constant 1 : i32
      %scan3A_38 = scf.for %scan3A_43 = %scan3A_34 to %scan3A_36 step %scan3A_37 iter_args(%scan3A_44 = %scan3A_33) -> (i32)  : i32 {
        %mul3A_45 = arith.constant 4 : i32
        %mul3A_46 = arith.muli %scan3A_43, %mul3A_45 : i32
        %add3A_47 = arith.constant 0 : i32
        %add3A_48 = arith.addi %mul3A_46, %add3A_47 : i32
        %get3A = arith.index_cast %add3A_48 : i32 to index
        %get3A_49 = arith.constant 0 : index
        %get3A_50 = tpu.vector_load %arg11[%get3A, %get3A_49] {strides = array<i32>} : memref<72x128xf32, #tpu.memory_space<vmem>>, vector<16xf32>,
        %add3A_51 = arith.constant 128 : i32
        %add3A_52 = arith.addi %add3A_51, %add3A_48 : i32
        %get3A_53 = arith.index_cast %add3A_52 : i32 to index
        %get3A_54 = arith.constant 0 : index
        %get3A_55 = tpu.vector_load %arg14[%get3A_53, %get3A_54] {strides = array<i32>} : memref<200x128xf32, #tpu.memory_space<vmem>>, vector<16xf32>,
        %add3A_56 = arith.addf %get3A_50, %get3A_55 : vector<16xf32>
        %get3A_57 = arith.index_cast %add3A_48 : i32 to index
        %get3A_58 = arith.constant 16 : index
        %get3A_59 = tpu.vector_load %arg11[%get3A_57, %get3A_58] {strides = array<i32>} : memref<72x128xf32, #tpu.memory_space<vmem>>, vector<16xf32>,
        %add3A_60 = arith.constant 128 : i32
        %add3A_61 = arith.addi %add3A_60, %add3A_48 : i32
        %get3A_62 = arith.index_cast %add3A_61 : i32 to index
        %get3A_63 = arith.constant 16 : index
        %get3A_64 = tpu.vector_load %arg14[%get3A_62, %get3A_63] {strides = array<i32>} : memref<200x128xf32, #tpu.memory_space<vmem>>, vector<16xf32>,
        %add3A_65 = arith.addf %get3A_59, %get3A_64 : vector<16xf32>
        %get3A_66 = arith.index_cast %add3A_48 : i32 to index
        %get3A_67 = arith.constant 32 : index
        %get3A_68 = tpu.vector_load %arg11[%get3A_66, %get3A_67] {strides = array<i32>} : memref<72x128xf32, #tpu.memory_space<vmem>>, vector<16xf32>,
        %add3A_69 = arith.constant 128 : i32
        %add3A_70 = arith.addi %add3A_69, %add3A_48 : i32
        %get3A_71 = arith.index_cast %add3A_70 : i32 to index
        %get3A_72 = arith.constant 32 : index
        %get3A_73 = tpu.vector_load %arg14[%get3A_71, %get3A_72] {strides = array<i32>} : memref<200x128xf32, #tpu.memory_space<vmem>>, vector<16xf32>,
        %add3A_74 = arith.addf %get3A_68, %get3A_73 : vector<16xf32>
        %get3A_75 = arith.index_cast %add3A_48 : i32 to index
        %get3A_76 = arith.constant 48 : index
        %get3A_77 = tpu.vector_load %arg11[%get3A_75, %get3A_76] {strides = array<i32>} : memref<72x128xf32, #tpu.memory_space<vmem>>, vector<16xf32>,
        %add3A_78 = arith.constant 128 : i32
        %add3A_79 = arith.addi %add3A_78, %add3A_48 : i32
        %get3A_80 = arith.index_cast %add3A_79 : i32 to index
        %get3A_81 = arith.constant 48 : index
        %get3A_82 = tpu.vector_load %arg14[%get3A_80, %get3A_81] {strides = array<i32>} : memref<200x128xf32, #tpu.memory_space<vmem>>, vector<16xf32>,
        %add3A_83 = arith.addf %get3A_77, %get3A_82 : vector<16xf32>
        %get3A_84 = arith.index_cast %add3A_48 : i32 to index
        %get3A_85 = arith.constant 64 : index
        %get3A_86 = tpu.vector_load %arg11[%get3A_84, %get3A_85] {strides = array<i32>} : memref<72x128xf32, #tpu.memory_space<vmem>>, vector<16xf32>,
        %add3A_87 = arith.constant 128 : i32
        %add3A_88 = arith.addi %add3A_87, %add3A_48 : i32
        %get3A_89 = arith.index_cast %add3A_88 : i32 to index
        %get3A_90 = arith.constant 64 : index
        %get3A_91 = tpu.vector_load %arg14[%get3A_89, %get3A_90] {strides = array<i32>} : memref<200x128xf32, #tpu.memory_space<vmem>>, vector<16xf32>,
        %add3A_92 = arith.addf %get3A_86, %get3A_91 : vector<16xf32>
        %get3A_93 = arith.index_cast %add3A_48 : i32 to index
        %get3A_94 = arith.constant 80 : index
        %get3A_95 = tpu.vector_load %arg11[%get3A_93, %get3A_94] {strides = array<i32>} : memref<72x128xf32, #tpu.memory_space<vmem>>, vector<16xf32>,
        %add3A_96 = arith.constant 128 : i32
        %add3A_97 = arith.addi %add3A_96, %add3A_48 : i32
        %get3A_98 = arith.index_cast %add3A_97 : i32 to index
        %get3A_99 = arith.constant 80 : index
        %get3A_100 = tpu.vector_load %arg14[%get3A_98, %get3A_99] {strides = array<i32>} : memref<200x128xf32, #tpu.memory_space<vmem>>, vector<16xf32>,
        %add3A_101 = arith.addf %get3A_95, %get3A_100 : vector<16xf32>
        %get3A_102 = arith.index_cast %add3A_48 : i32 to index
        %get3A_103 = arith.constant 96 : index
        %get3A_104 = tpu.vector_load %arg11[%get3A_102, %get3A_103] {strides = array<i32>} : memref<72x128xf32, #tpu.memory_space<vmem>>, vector<16xf32>,
        %add3A_105 = arith.constant 128 : i32
        %add3A_106 = arith.addi %add3A_105, %add3A_48 : i32
        %get3A_107 = arith.index_cast %add3A_106 : i32 to index
        %get3A_108 = arith.constant 96 : index
        %get3A_109 = tpu.vector_load %arg14[%get3A_107, %get3A_108] {strides = array<i32>} : memref<200x128xf32, #tpu.memory_space<vmem>>, vector<16xf32>,
        %add3A_110 = arith.addf %get3A_104, %get3A_109 : vector<16xf32>
        %get3A_111 = arith.index_cast %add3A_48 : i32 to index
        %get3A_112 = arith.constant 112 : index
        %get3A_113 = tpu.vector_load %arg11[%get3A_111, %get3A_112] {strides = array<i32>} : memref<72x128xf32, #tpu.memory_space<vmem>>, vector<16xf32>,
        %add3A_114 = arith.constant 128 : i32
        %add3A_115 = arith.addi %add3A_114, %add3A_48 : i32
        %get3A_116 = arith.index_cast %add3A_115 : i32 to index
        %get3A_117 = arith.constant 112 : index
        %get3A_118 = tpu.vector_load %arg14[%get3A_116, %get3A_117] {strides = array<i32>} : memref<200x128xf32, #tpu.memory_space<vmem>>, vector<16xf32>,
        %add3A_119 = arith.addf %get3A_113, %get3A_118 : vector<16xf32>
        %add3A_120 = arith.addf %add3A_56, %add3A_65 : vector<16xf32>
        %add3A_121 = arith.addf %add3A_74, %add3A_83 : vector<16xf32>
        %add3A_122 = arith.addf %add3A_92, %add3A_101 : vector<16xf32>
        %add3A_123 = arith.addf %add3A_110, %add3A_119 : vector<16xf32>
        %add3A_124 = arith.addf %add3A_120, %add3A_121 : vector<16xf32>
        %add3A_125 = arith.addf %add3A_122, %add3A_123 : vector<16xf32>
        %add3A_126 = arith.addf %add3A_124, %add3A_125 : vector<16xf32>
        %reduce_sum3A = arith.constant true
        %reduce_sum3A_127 = vector.broadcast %reduce_sum3A : i1 to vector<16xi1>
        %reduce_sum3A_128 = tpu.scan <sum>, %add3A_126 masked %reduce_sum3A_127 : vector<16xf32>, vector<16xi1> -> vector<16xf32>
        %reduce_sum3A_129 = vector.extract %reduce_sum3A_128[15] : f32 from vector<16xf32>
        %mul3A_130 = arith.constant 7.812500e-03 : f32
        %mul3A_131 = arith.mulf %reduce_sum3A_129, %mul3A_130 : f32
        %broadcast_in_dim3A = vector.broadcast %mul3A_131 : f32 to vector<16xf32>
        %sub3A = arith.subf %add3A_56, %broadcast_in_dim3A : vector<16xf32>
        %sub3A_132 = arith.subf %add3A_65, %broadcast_in_dim3A : vector<16xf32>
        %sub3A_133 = arith.subf %add3A_74, %broadcast_in_dim3A : vector<16xf32>
        %sub3A_134 = arith.subf %add3A_83, %broadcast_in_dim3A : vector<16xf32>
        %sub3A_135 = arith.subf %add3A_92, %broadcast_in_dim3A : vector<16xf32>
        %sub3A_136 = arith.subf %add3A_101, %broadcast_in_dim3A : vector<16xf32>
        %sub3A_137 = arith.subf %add3A_110, %broadcast_in_dim3A : vector<16xf32>
        %sub3A_138 = arith.subf %add3A_119, %broadcast_in_dim3A : vector<16xf32>
        %mul3A_139 = arith.mulf %sub3A, %sub3A : vector<16xf32>
        %mul3A_140 = arith.mulf %sub3A_132, %sub3A_132 : vector<16xf32>
        %mul3A_141 = arith.mulf %sub3A_133, %sub3A_133 : vector<16xf32>
        %mul3A_142 = arith.mulf %sub3A_134, %sub3A_134 : vector<16xf32>
        %mul3A_143 = arith.mulf %sub3A_135, %sub3A_135 : vector<16xf32>
        %mul3A_144 = arith.mulf %sub3A_136, %sub3A_136 : vector<16xf32>
        %mul3A_145 = arith.mulf %sub3A_137, %sub3A_137 : vector<16xf32>
        %mul3A_146 = arith.mulf %sub3A_138, %sub3A_138 : vector<16xf32>
        %add3A_147 = arith.addf %mul3A_139, %mul3A_140 : vector<16xf32>
        %add3A_148 = arith.addf %mul3A_141, %mul3A_142 : vector<16xf32>
        %add3A_149 = arith.addf %mul3A_143, %mul3A_144 : vector<16xf32>
        %add3A_150 = arith.addf %mul3A_145, %mul3A_146 : vector<16xf32>
        %add3A_151 = arith.addf %add3A_147, %add3A_148 : vector<16xf32>
        %add3A_152 = arith.addf %add3A_149, %add3A_150 : vector<16xf32>
        %add3A_153 = arith.addf %add3A_151, %add3A_152 : vector<16xf32>
        %reduce_sum3A_154 = arith.constant true
        %reduce_sum3A_155 = vector.broadcast %reduce_sum3A_154 : i1 to vector<16xi1>
        %reduce_sum3A_156 = tpu.scan <sum>, %add3A_153 masked %reduce_sum3A_155 : vector<16xf32>, vector<16xi1> -> vector<16xf32>
        %reduce_sum3A_157 = vector.extract %reduce_sum3A_156[15] : f32 from vector<16xf32>
        %mul3A_158 = arith.constant 7.812500e-03 : f32
        %mul3A_159 = arith.mulf %reduce_sum3A_157, %mul3A_158 : f32
        %add3A_160 = arith.constant 9.99999996E-13 : f32
        %add3A_161 = arith.addf %mul3A_159, %add3A_160 : f32
        %broadcast_in_dim3A_162 = vector.broadcast %add3A_161 : f32 to vector<16xf32>
        %bitcast_convert_type3A = tpu.bitcast %broadcast_in_dim3A_162 : vector<16xf32> -> vector<16xi32>
        %broadcast_in_dim3A_163 = arith.constant 1597463007 : i32
        %broadcast_in_dim3A_164 = vector.broadcast %broadcast_in_dim3A_163 : i32 to vector<16xi32>
        %shift_right_arithmetic3A = arith.constant 1 : i32
        %shift_right_arithmetic3A_165 = vector.broadcast %shift_right_arithmetic3A : i32 to vector<16xi32>
        %shift_right_arithmetic3A_166 = arith.shrsi %bitcast_convert_type3A, %shift_right_arithmetic3A_165 : vector<16xi32>
        %sub3A_167 = arith.subi %broadcast_in_dim3A_164, %shift_right_arithmetic3A_166 : vector<16xi32>
        %bitcast_convert_type3A_168 = tpu.bitcast %sub3A_167 : vector<16xi32> -> vector<16xf32>
        %mul3A_169 = arith.constant 5.000000e-01 : f32
        %mul3A_170 = vector.broadcast %mul3A_169 : f32 to vector<16xf32>
        %mul3A_171 = arith.mulf %mul3A_170, %broadcast_in_dim3A_162 : vector<16xf32>
        %mul3A_172 = arith.mulf %mul3A_171, %bitcast_convert_type3A_168 : vector<16xf32>
        %mul3A_173 = arith.mulf %mul3A_172, %bitcast_convert_type3A_168 : vector<16xf32>
        %sub3A_174 = arith.constant 1.500000e+00 : f32
        %sub3A_175 = vector.broadcast %sub3A_174 : f32 to vector<16xf32>
        %sub3A_176 = arith.subf %sub3A_175, %mul3A_173 : vector<16xf32>
        %mul3A_177 = arith.mulf %bitcast_convert_type3A_168, %sub3A_176 : vector<16xf32>
        %mul3A_178 = arith.constant 5.000000e-01 : f32
        %mul3A_179 = vector.broadcast %mul3A_178 : f32 to vector<16xf32>
        %mul3A_180 = arith.mulf %mul3A_179, %broadcast_in_dim3A_162 : vector<16xf32>
        %mul3A_181 = arith.mulf %mul3A_180, %mul3A_177 : vector<16xf32>
        %mul3A_182 = arith.mulf %mul3A_181, %mul3A_177 : vector<16xf32>
        %sub3A_183 = arith.constant 1.500000e+00 : f32
        %sub3A_184 = vector.broadcast %sub3A_183 : f32 to vector<16xf32>
        %sub3A_185 = arith.subf %sub3A_184, %mul3A_182 : vector<16xf32>
        %mul3A_186 = arith.mulf %mul3A_177, %sub3A_185 : vector<16xf32>
        %mul3A_187 = arith.constant 5.000000e-01 : f32
        %mul3A_188 = vector.broadcast %mul3A_187 : f32 to vector<16xf32>
        %mul3A_189 = arith.mulf %mul3A_188, %broadcast_in_dim3A_162 : vector<16xf32>
        %mul3A_190 = arith.mulf %mul3A_189, %mul3A_186 : vector<16xf32>
        %mul3A_191 = arith.mulf %mul3A_190, %mul3A_186 : vector<16xf32>
        %sub3A_192 = arith.constant 1.500000e+00 : f32
        %sub3A_193 = vector.broadcast %sub3A_192 : f32 to vector<16xf32>
        %sub3A_194 = arith.subf %sub3A_193, %mul3A_191 : vector<16xf32>
        %mul3A_195 = arith.mulf %mul3A_186, %sub3A_194 : vector<16xf32>
        %get3A_196 = arith.constant 0 : index
        %get3A_197 = tpu.vector_load %arg15[%get3A_196] {strides = array<i32>} : memref<128xf32, #tpu.memory_space<vmem>>, vector<16xf32>,
        %get3A_198 = arith.constant 0 : index
        %get3A_199 = tpu.vector_load %arg16[%get3A_198] {strides = array<i32>} : memref<128xf32, #tpu.memory_space<vmem>>, vector<16xf32>,
        %mul3A_200 = arith.mulf %sub3A, %mul3A_195 : vector<16xf32>
        %mul3A_201 = arith.mulf %mul3A_200, %get3A_197 : vector<16xf32>
        %add3A_202 = arith.addf %mul3A_201, %get3A_199 : vector<16xf32>
        %swap3A = arith.index_cast %add3A_48 : i32 to index
        %swap3A_203 = arith.constant 0 : index
        %swap3A_204 = tpu.vector_load %arg13[%swap3A, %swap3A_203] {strides = array<i32>} : memref<72x128xf32, #tpu.memory_space<vmem>>, vector<16xf32>,
        tpu.vector_store %arg13[%swap3A, %swap3A_203], %add3A_202 {strides = array<i32>} : memref<72x128xf32, #tpu.memory_space<vmem>>, vector<16xf32>,
        %get3A_205 = arith.constant 16 : index
        %get3A_206 = tpu.vector_load %arg15[%get3A_205] {strides = array<i32>} : memref<128xf32, #tpu.memory_space<vmem>>, vector<16xf32>,
        %get3A_207 = arith.constant 16 : index
        %get3A_208 = tpu.vector_load %arg16[%get3A_207] {strides = array<i32>} : memref<128xf32, #tpu.memory_space<vmem>>, vector<16xf32>,
        %mul3A_209 = arith.mulf %sub3A_132, %mul3A_195 : vector<16xf32>
        %mul3A_210 = arith.mulf %mul3A_209, %get3A_206 : vector<16xf32>
        %add3A_211 = arith.addf %mul3A_210, %get3A_208 : vector<16xf32>
        %swap3A_212 = arith.index_cast %add3A_48 : i32 to index
        %swap3A_213 = arith.constant 16 : index
        %swap3A_214 = tpu.vector_load %arg13[%swap3A_212, %swap3A_213] {strides = array<i32>} : memref<72x128xf32, #tpu.memory_space<vmem>>, vector<16xf32>,
        tpu.vector_store %arg13[%swap3A_212, %swap3A_213], %add3A_211 {strides = array<i32>} : memref<72x128xf32, #tpu.memory_space<vmem>>, vector<16xf32>,
        %get3A_215 = arith.constant 32 : index
        %get3A_216 = tpu.vector_load %arg15[%get3A_215] {strides = array<i32>} : memref<128xf32, #tpu.memory_space<vmem>>, vector<16xf32>,
        %get3A_217 = arith.constant 32 : index
        %get3A_218 = tpu.vector_load %arg16[%get3A_217] {strides = array<i32>} : memref<128xf32, #tpu.memory_space<vmem>>, vector<16xf32>,
        %mul3A_219 = arith.mulf %sub3A_133, %mul3A_195 : vector<16xf32>
        %mul3A_220 = arith.mulf %mul3A_219, %get3A_216 : vector<16xf32>
        %add3A_221 = arith.addf %mul3A_220, %get3A_218 : vector<16xf32>
        %swap3A_222 = arith.index_cast %add3A_48 : i32 to index
        %swap3A_223 = arith.constant 32 : index
        %swap3A_224 = tpu.vector_load %arg13[%swap3A_222, %swap3A_223] {strides = array<i32>} : memref<72x128xf32, #tpu.memory_space<vmem>>, vector<16xf32>,
        tpu.vector_store %arg13[%swap3A_222, %swap3A_223], %add3A_221 {strides = array<i32>} : memref<72x128xf32, #tpu.memory_space<vmem>>, vector<16xf32>,
        %get3A_225 = arith.constant 48 : index
        %get3A_226 = tpu.vector_load %arg15[%get3A_225] {strides = array<i32>} : memref<128xf32, #tpu.memory_space<vmem>>, vector<16xf32>,
        %get3A_227 = arith.constant 48 : index
        %get3A_228 = tpu.vector_load %arg16[%get3A_227] {strides = array<i32>} : memref<128xf32, #tpu.memory_space<vmem>>, vector<16xf32>,
        %mul3A_229 = arith.mulf %sub3A_134, %mul3A_195 : vector<16xf32>
        %mul3A_230 = arith.mulf %mul3A_229, %get3A_226 : vector<16xf32>
        %add3A_231 = arith.addf %mul3A_230, %get3A_228 : vector<16xf32>
        %swap3A_232 = arith.index_cast %add3A_48 : i32 to index
        %swap3A_233 = arith.constant 48 : index
        %swap3A_234 = tpu.vector_load %arg13[%swap3A_232, %swap3A_233] {strides = array<i32>} : memref<72x128xf32, #tpu.memory_space<vmem>>, vector<16xf32>,
        tpu.vector_store %arg13[%swap3A_232, %swap3A_233], %add3A_231 {strides = array<i32>} : memref<72x128xf32, #tpu.memory_space<vmem>>, vector<16xf32>,
        %get3A_235 = arith.constant 64 : index
        %get3A_236 = tpu.vector_load %arg15[%get3A_235] {strides = array<i32>} : memref<128xf32, #tpu.memory_space<vmem>>, vector<16xf32>,
        %get3A_237 = arith.constant 64 : index
        %get3A_238 = tpu.vector_load %arg16[%get3A_237] {strides = array<i32>} : memref<128xf32, #tpu.memory_space<vmem>>, vector<16xf32>,
        %mul3A_239 = arith.mulf %sub3A_135, %mul3A_195 : vector<16xf32>
        %mul3A_240 = arith.mulf %mul3A_239, %get3A_236 : vector<16xf32>
        %add3A_241 = arith.addf %mul3A_240, %get3A_238 : vector<16xf32>
        %swap3A_242 = arith.index_cast %add3A_48 : i32 to index
        %swap3A_243 = arith.constant 64 : index
        %swap3A_244 = tpu.vector_load %arg13[%swap3A_242, %swap3A_243] {strides = array<i32>} : memref<72x128xf32, #tpu.memory_space<vmem>>, vector<16xf32>,
        tpu.vector_store %arg13[%swap3A_242, %swap3A_243], %add3A_241 {strides = array<i32>} : memref<72x128xf32, #tpu.memory_space<vmem>>, vector<16xf32>,
        %get3A_245 = arith.constant 80 : index
        %get3A_246 = tpu.vector_load %arg15[%get3A_245] {strides = array<i32>} : memref<128xf32, #tpu.memory_space<vmem>>, vector<16xf32>,
        %get3A_247 = arith.constant 80 : index
        %get3A_248 = tpu.vector_load %arg16[%get3A_247] {strides = array<i32>} : memref<128xf32, #tpu.memory_space<vmem>>, vector<16xf32>,
        %mul3A_249 = arith.mulf %sub3A_136, %mul3A_195 : vector<16xf32>
        %mul3A_250 = arith.mulf %mul3A_249, %get3A_246 : vector<16xf32>
        %add3A_251 = arith.addf %mul3A_250, %get3A_248 : vector<16xf32>
        %swap3A_252 = arith.index_cast %add3A_48 : i32 to index
        %swap3A_253 = arith.constant 80 : index
        %swap3A_254 = tpu.vector_load %arg13[%swap3A_252, %swap3A_253] {strides = array<i32>} : memref<72x128xf32, #tpu.memory_space<vmem>>, vector<16xf32>,
        tpu.vector_store %arg13[%swap3A_252, %swap3A_253], %add3A_251 {strides = array<i32>} : memref<72x128xf32, #tpu.memory_space<vmem>>, vector<16xf32>,
        %get3A_255 = arith.constant 96 : index
        %get3A_256 = tpu.vector_load %arg15[%get3A_255] {strides = array<i32>} : memref<128xf32, #tpu.memory_space<vmem>>, vector<16xf32>,
        %get3A_257 = arith.constant 96 : index
        %get3A_258 = tpu.vector_load %arg16[%get3A_257] {strides = array<i32>} : memref<128xf32, #tpu.memory_space<vmem>>, vector<16xf32>,
        %mul3A_259 = arith.mulf %sub3A_137, %mul3A_195 : vector<16xf32>
        %mul3A_260 = arith.mulf %mul3A_259, %get3A_256 : vector<16xf32>
        %add3A_261 = arith.addf %mul3A_260, %get3A_258 : vector<16xf32>
        %swap3A_262 = arith.index_cast %add3A_48 : i32 to index
        %swap3A_263 = arith.constant 96 : index
        %swap3A_264 = tpu.vector_load %arg13[%swap3A_262, %swap3A_263] {strides = array<i32>} : memref<72x128xf32, #tpu.memory_space<vmem>>, vector<16xf32>,
        tpu.vector_store %arg13[%swap3A_262, %swap3A_263], %add3A_261 {strides = array<i32>} : memref<72x128xf32, #tpu.memory_space<vmem>>, vector<16xf32>,
        %get3A_265 = arith.constant 112 : index
        %get3A_266 = tpu.vector_load %arg15[%get3A_265] {strides = array<i32>} : memref<128xf32, #tpu.memory_space<vmem>>, vector<16xf32>,
        %get3A_267 = arith.constant 112 : index
        %get3A_268 = tpu.vector_load %arg16[%get3A_267] {strides = array<i32>} : memref<128xf32, #tpu.memory_space<vmem>>, vector<16xf32>,
        %mul3A_269 = arith.mulf %sub3A_138, %mul3A_195 : vector<16xf32>
        %mul3A_270 = arith.mulf %mul3A_269, %get3A_266 : vector<16xf32>
        %add3A_271 = arith.addf %mul3A_270, %get3A_268 : vector<16xf32>
        %swap3A_272 = arith.index_cast %add3A_48 : i32 to index
        %swap3A_273 = arith.constant 112 : index
        %swap3A_274 = tpu.vector_load %arg13[%swap3A_272, %swap3A_273] {strides = array<i32>} : memref<72x128xf32, #tpu.memory_space<vmem>>, vector<16xf32>,
        tpu.vector_store %arg13[%swap3A_272, %swap3A_273], %add3A_271 {strides = array<i32>} : memref<72x128xf32, #tpu.memory_space<vmem>>, vector<16xf32>,
        %add3A_275 = arith.constant 1 : i32
        %add3A_276 = arith.addi %mul3A_46, %add3A_275 : i32
        %get3A_277 = arith.index_cast %add3A_276 : i32 to index
        %get3A_278 = arith.constant 0 : index
        %get3A_279 = tpu.vector_load %arg11[%get3A_277, %get3A_278] {strides = array<i32>} : memref<72x128xf32, #tpu.memory_space<vmem>>, vector<16xf32>,
        %add3A_280 = arith.constant 128 : i32
        %add3A_281 = arith.addi %add3A_280, %add3A_276 : i32
        %get3A_282 = arith.index_cast %add3A_281 : i32 to index
        %get3A_283 = arith.constant 0 : index
        %get3A_284 = tpu.vector_load %arg14[%get3A_282, %get3A_283] {strides = array<i32>} : memref<200x128xf32, #tpu.memory_space<vmem>>, vector<16xf32>,
        %add3A_285 = arith.addf %get3A_279, %get3A_284 : vector<16xf32>
        %get3A_286 = arith.index_cast %add3A_276 : i32 to index
        %get3A_287 = arith.constant 16 : index
        %get3A_288 = tpu.vector_load %arg11[%get3A_286, %get3A_287] {strides = array<i32>} : memref<72x128xf32, #tpu.memory_space<vmem>>, vector<16xf32>,
        %add3A_289 = arith.constant 128 : i32
        %add3A_290 = arith.addi %add3A_289, %add3A_276 : i32
        %get3A_291 = arith.index_cast %add3A_290 : i32 to index
        %get3A_292 = arith.constant 16 : index
        %get3A_293 = tpu.vector_load %arg14[%get3A_291, %get3A_292] {strides = array<i32>} : memref<200x128xf32, #tpu.memory_space<vmem>>, vector<16xf32>,
        %add3A_294 = arith.addf %get3A_288, %get3A_293 : vector<16xf32>
        %get3A_295 = arith.index_cast %add3A_276 : i32 to index
        %get3A_296 = arith.constant 32 : index
        %get3A_297 = tpu.vector_load %arg11[%get3A_295, %get3A_296] {strides = array<i32>} : memref<72x128xf32, #tpu.memory_space<vmem>>, vector<16xf32>,
        %add3A_298 = arith.constant 128 : i32
        %add3A_299 = arith.addi %add3A_298, %add3A_276 : i32
        %get3A_300 = arith.index_cast %add3A_299 : i32 to index
        %get3A_301 = arith.constant 32 : index
        %get3A_302 = tpu.vector_load %arg14[%get3A_300, %get3A_301] {strides = array<i32>} : memref<200x128xf32, #tpu.memory_space<vmem>>, vector<16xf32>,
        %add3A_303 = arith.addf %get3A_297, %get3A_302 : vector<16xf32>
        %get3A_304 = arith.index_cast %add3A_276 : i32 to index
        %get3A_305 = arith.constant 48 : index
        %get3A_306 = tpu.vector_load %arg11[%get3A_304, %get3A_305] {strides = array<i32>} : memref<72x128xf32, #tpu.memory_space<vmem>>, vector<16xf32>,
        %add3A_307 = arith.constant 128 : i32
        %add3A_308 = arith.addi %add3A_307, %add3A_276 : i32
        %get3A_309 = arith.index_cast %add3A_308 : i32 to index
        %get3A_310 = arith.constant 48 : index
        %get3A_311 = tpu.vector_load %arg14[%get3A_309, %get3A_310] {strides = array<i32>} : memref<200x128xf32, #tpu.memory_space<vmem>>, vector<16xf32>,
        %add3A_312 = arith.addf %get3A_306, %get3A_311 : vector<16xf32>
        %get3A_313 = arith.index_cast %add3A_276 : i32 to index
        %get3A_314 = arith.constant 64 : index
        %get3A_315 = tpu.vector_load %arg11[%get3A_313, %get3A_314] {strides = array<i32>} : memref<72x128xf32, #tpu.memory_space<vmem>>, vector<16xf32>,
        %add3A_316 = arith.constant 128 : i32
        %add3A_317 = arith.addi %add3A_316, %add3A_276 : i32
        %get3A_318 = arith.index_cast %add3A_317 : i32 to index
        %get3A_319 = arith.constant 64 : index
        %get3A_320 = tpu.vector_load %arg14[%get3A_318, %get3A_319] {strides = array<i32>} : memref<200x128xf32, #tpu.memory_space<vmem>>, vector<16xf32>,
        %add3A_321 = arith.addf %get3A_315, %get3A_320 : vector<16xf32>
        %get3A_322 = arith.index_cast %add3A_276 : i32 to index
        %get3A_323 = arith.constant 80 : index
        %get3A_324 = tpu.vector_load %arg11[%get3A_322, %get3A_323] {strides = array<i32>} : memref<72x128xf32, #tpu.memory_space<vmem>>, vector<16xf32>,
        %add3A_325 = arith.constant 128 : i32
        %add3A_326 = arith.addi %add3A_325, %add3A_276 : i32
        %get3A_327 = arith.index_cast %add3A_326 : i32 to index
        %get3A_328 = arith.constant 80 : index
        %get3A_329 = tpu.vector_load %arg14[%get3A_327, %get3A_328] {strides = array<i32>} : memref<200x128xf32, #tpu.memory_space<vmem>>, vector<16xf32>,
        %add3A_330 = arith.addf %get3A_324, %get3A_329 : vector<16xf32>
        %get3A_331 = arith.index_cast %add3A_276 : i32 to index
        %get3A_332 = arith.constant 96 : index
        %get3A_333 = tpu.vector_load %arg11[%get3A_331, %get3A_332] {strides = array<i32>} : memref<72x128xf32, #tpu.memory_space<vmem>>, vector<16xf32>,
        %add3A_334 = arith.constant 128 : i32
        %add3A_335 = arith.addi %add3A_334, %add3A_276 : i32
        %get3A_336 = arith.index_cast %add3A_335 : i32 to index
        %get3A_337 = arith.constant 96 : index
        %get3A_338 = tpu.vector_load %arg14[%get3A_336, %get3A_337] {strides = array<i32>} : memref<200x128xf32, #tpu.memory_space<vmem>>, vector<16xf32>,
        %add3A_339 = arith.addf %get3A_333, %get3A_338 : vector<16xf32>
        %get3A_340 = arith.index_cast %add3A_276 : i32 to index
        %get3A_341 = arith.constant 112 : index
        %get3A_342 = tpu.vector_load %arg11[%get3A_340, %get3A_341] {strides = array<i32>} : memref<72x128xf32, #tpu.memory_space<vmem>>, vector<16xf32>,
        %add3A_343 = arith.constant 128 : i32
        %add3A_344 = arith.addi %add3A_343, %add3A_276 : i32
        %get3A_345 = arith.index_cast %add3A_344 : i32 to index
        %get3A_346 = arith.constant 112 : index
        %get3A_347 = tpu.vector_load %arg14[%get3A_345, %get3A_346] {strides = array<i32>} : memref<200x128xf32, #tpu.memory_space<vmem>>, vector<16xf32>,
        %add3A_348 = arith.addf %get3A_342, %get3A_347 : vector<16xf32>
        %add3A_349 = arith.addf %add3A_285, %add3A_294 : vector<16xf32>
        %add3A_350 = arith.addf %add3A_303, %add3A_312 : vector<16xf32>
        %add3A_351 = arith.addf %add3A_321, %add3A_330 : vector<16xf32>
        %add3A_352 = arith.addf %add3A_339, %add3A_348 : vector<16xf32>
        %add3A_353 = arith.addf %add3A_349, %add3A_350 : vector<16xf32>
        %add3A_354 = arith.addf %add3A_351, %add3A_352 : vector<16xf32>
        %add3A_355 = arith.addf %add3A_353, %add3A_354 : vector<16xf32>
        %reduce_sum3A_356 = arith.constant true
        %reduce_sum3A_357 = vector.broadcast %reduce_sum3A_356 : i1 to vector<16xi1>
        %reduce_sum3A_358 = tpu.scan <sum>, %add3A_355 masked %reduce_sum3A_357 : vector<16xf32>, vector<16xi1> -> vector<16xf32>
        %reduce_sum3A_359 = vector.extract %reduce_sum3A_358[15] : f32 from vector<16xf32>
        %mul3A_360 = arith.constant 7.812500e-03 : f32
        %mul3A_361 = arith.mulf %reduce_sum3A_359, %mul3A_360 : f32
        %broadcast_in_dim3A_362 = vector.broadcast %mul3A_361 : f32 to vector<16xf32>
        %sub3A_363 = arith.subf %add3A_285, %broadcast_in_dim3A_362 : vector<16xf32>
        %sub3A_364 = arith.subf %add3A_294, %broadcast_in_dim3A_362 : vector<16xf32>
        %sub3A_365 = arith.subf %add3A_303, %broadcast_in_dim3A_362 : vector<16xf32>
        %sub3A_366 = arith.subf %add3A_312, %broadcast_in_dim3A_362 : vector<16xf32>
        %sub3A_367 = arith.subf %add3A_321, %broadcast_in_dim3A_362 : vector<16xf32>
        %sub3A_368 = arith.subf %add3A_330, %broadcast_in_dim3A_362 : vector<16xf32>
        %sub3A_369 = arith.subf %add3A_339, %broadcast_in_dim3A_362 : vector<16xf32>
        %sub3A_370 = arith.subf %add3A_348, %broadcast_in_dim3A_362 : vector<16xf32>
        %mul3A_371 = arith.mulf %sub3A_363, %sub3A_363 : vector<16xf32>
        %mul3A_372 = arith.mulf %sub3A_364, %sub3A_364 : vector<16xf32>
        %mul3A_373 = arith.mulf %sub3A_365, %sub3A_365 : vector<16xf32>
        %mul3A_374 = arith.mulf %sub3A_366, %sub3A_366 : vector<16xf32>
        %mul3A_375 = arith.mulf %sub3A_367, %sub3A_367 : vector<16xf32>
        %mul3A_376 = arith.mulf %sub3A_368, %sub3A_368 : vector<16xf32>
        %mul3A_377 = arith.mulf %sub3A_369, %sub3A_369 : vector<16xf32>
        %mul3A_378 = arith.mulf %sub3A_370, %sub3A_370 : vector<16xf32>
        %add3A_379 = arith.addf %mul3A_371, %mul3A_372 : vector<16xf32>
        %add3A_380 = arith.addf %mul3A_373, %mul3A_374 : vector<16xf32>
        %add3A_381 = arith.addf %mul3A_375, %mul3A_376 : vector<16xf32>
        %add3A_382 = arith.addf %mul3A_377, %mul3A_378 : vector<16xf32>
        %add3A_383 = arith.addf %add3A_379, %add3A_380 : vector<16xf32>
        %add3A_384 = arith.addf %add3A_381, %add3A_382 : vector<16xf32>
        %add3A_385 = arith.addf %add3A_383, %add3A_384 : vector<16xf32>
        %reduce_sum3A_386 = arith.constant true
        %reduce_sum3A_387 = vector.broadcast %reduce_sum3A_386 : i1 to vector<16xi1>
        %reduce_sum3A_388 = tpu.scan <sum>, %add3A_385 masked %reduce_sum3A_387 : vector<16xf32>, vector<16xi1> -> vector<16xf32>
        %reduce_sum3A_389 = vector.extract %reduce_sum3A_388[15] : f32 from vector<16xf32>
        %mul3A_390 = arith.constant 7.812500e-03 : f32
        %mul3A_391 = arith.mulf %reduce_sum3A_389, %mul3A_390 : f32
        %add3A_392 = arith.constant 9.99999996E-13 : f32
        %add3A_393 = arith.addf %mul3A_391, %add3A_392 : f32
        %broadcast_in_dim3A_394 = vector.broadcast %add3A_393 : f32 to vector<16xf32>
        %bitcast_convert_type3A_395 = tpu.bitcast %broadcast_in_dim3A_394 : vector<16xf32> -> vector<16xi32>
        %broadcast_in_dim3A_396 = arith.constant 1597463007 : i32
        %broadcast_in_dim3A_397 = vector.broadcast %broadcast_in_dim3A_396 : i32 to vector<16xi32>
        %shift_right_arithmetic3A_398 = arith.constant 1 : i32
        %shift_right_arithmetic3A_399 = vector.broadcast %shift_right_arithmetic3A_398 : i32 to vector<16xi32>
        %shift_right_arithmetic3A_400 = arith.shrsi %bitcast_convert_type3A_395, %shift_right_arithmetic3A_399 : vector<16xi32>
        %sub3A_401 = arith.subi %broadcast_in_dim3A_397, %shift_right_arithmetic3A_400 : vector<16xi32>
        %bitcast_convert_type3A_402 = tpu.bitcast %sub3A_401 : vector<16xi32> -> vector<16xf32>
        %mul3A_403 = arith.constant 5.000000e-01 : f32
        %mul3A_404 = vector.broadcast %mul3A_403 : f32 to vector<16xf32>
        %mul3A_405 = arith.mulf %mul3A_404, %broadcast_in_dim3A_394 : vector<16xf32>
        %mul3A_406 = arith.mulf %mul3A_405, %bitcast_convert_type3A_402 : vector<16xf32>
        %mul3A_407 = arith.mulf %mul3A_406, %bitcast_convert_type3A_402 : vector<16xf32>
        %sub3A_408 = arith.constant 1.500000e+00 : f32
        %sub3A_409 = vector.broadcast %sub3A_408 : f32 to vector<16xf32>
        %sub3A_410 = arith.subf %sub3A_409, %mul3A_407 : vector<16xf32>
        %mul3A_411 = arith.mulf %bitcast_convert_type3A_402, %sub3A_410 : vector<16xf32>
        %mul3A_412 = arith.constant 5.000000e-01 : f32
        %mul3A_413 = vector.broadcast %mul3A_412 : f32 to vector<16xf32>
        %mul3A_414 = arith.mulf %mul3A_413, %broadcast_in_dim3A_394 : vector<16xf32>
        %mul3A_415 = arith.mulf %mul3A_414, %mul3A_411 : vector<16xf32>
        %mul3A_416 = arith.mulf %mul3A_415, %mul3A_411 : vector<16xf32>
        %sub3A_417 = arith.constant 1.500000e+00 : f32
        %sub3A_418 = vector.broadcast %sub3A_417 : f32 to vector<16xf32>
        %sub3A_419 = arith.subf %sub3A_418, %mul3A_416 : vector<16xf32>
        %mul3A_420 = arith.mulf %mul3A_411, %sub3A_419 : vector<16xf32>
        %mul3A_421 = arith.constant 5.000000e-01 : f32
        %mul3A_422 = vector.broadcast %mul3A_421 : f32 to vector<16xf32>
        %mul3A_423 = arith.mulf %mul3A_422, %broadcast_in_dim3A_394 : vector<16xf32>
        %mul3A_424 = arith.mulf %mul3A_423, %mul3A_420 : vector<16xf32>
        %mul3A_425 = arith.mulf %mul3A_424, %mul3A_420 : vector<16xf32>
        %sub3A_426 = arith.constant 1.500000e+00 : f32
        %sub3A_427 = vector.broadcast %sub3A_426 : f32 to vector<16xf32>
        %sub3A_428 = arith.subf %sub3A_427, %mul3A_425 : vector<16xf32>
        %mul3A_429 = arith.mulf %mul3A_420, %sub3A_428 : vector<16xf32>
        %get3A_430 = arith.constant 0 : index
        %get3A_431 = tpu.vector_load %arg15[%get3A_430] {strides = array<i32>} : memref<128xf32, #tpu.memory_space<vmem>>, vector<16xf32>,
        %get3A_432 = arith.constant 0 : index
        %get3A_433 = tpu.vector_load %arg16[%get3A_432] {strides = array<i32>} : memref<128xf32, #tpu.memory_space<vmem>>, vector<16xf32>,
        %mul3A_434 = arith.mulf %sub3A_363, %mul3A_429 : vector<16xf32>
        %mul3A_435 = arith.mulf %mul3A_434, %get3A_431 : vector<16xf32>
        %add3A_436 = arith.addf %mul3A_435, %get3A_433 : vector<16xf32>
        %swap3A_437 = arith.index_cast %add3A_276 : i32 to index
        %swap3A_438 = arith.constant 0 : index
        %swap3A_439 = tpu.vector_load %arg13[%swap3A_437, %swap3A_438] {strides = array<i32>} : memref<72x128xf32, #tpu.memory_space<vmem>>, vector<16xf32>,
        tpu.vector_store %arg13[%swap3A_437, %swap3A_438], %add3A_436 {strides = array<i32>} : memref<72x128xf32, #tpu.memory_space<vmem>>, vector<16xf32>,
        %get3A_440 = arith.constant 16 : index
        %get3A_441 = tpu.vector_load %arg15[%get3A_440] {strides = array<i32>} : memref<128xf32, #tpu.memory_space<vmem>>, vector<16xf32>,
        %get3A_442 = arith.constant 16 : index
        %get3A_443 = tpu.vector_load %arg16[%get3A_442] {strides = array<i32>} : memref<128xf32, #tpu.memory_space<vmem>>, vector<16xf32>,
        %mul3A_444 = arith.mulf %sub3A_364, %mul3A_429 : vector<16xf32>
        %mul3A_445 = arith.mulf %mul3A_444, %get3A_441 : vector<16xf32>
        %add3A_446 = arith.addf %mul3A_445, %get3A_443 : vector<16xf32>
        %swap3A_447 = arith.index_cast %add3A_276 : i32 to index
        %swap3A_448 = arith.constant 16 : index
        %swap3A_449 = tpu.vector_load %arg13[%swap3A_447, %swap3A_448] {strides = array<i32>} : memref<72x128xf32, #tpu.memory_space<vmem>>, vector<16xf32>,
        tpu.vector_store %arg13[%swap3A_447, %swap3A_448], %add3A_446 {strides = array<i32>} : memref<72x128xf32, #tpu.memory_space<vmem>>, vector<16xf32>,
        %get3A_450 = arith.constant 32 : index
        %get3A_451 = tpu.vector_load %arg15[%get3A_450] {strides = array<i32>} : memref<128xf32, #tpu.memory_space<vmem>>, vector<16xf32>,
        %get3A_452 = arith.constant 32 : index
        %get3A_453 = tpu.vector_load %arg16[%get3A_452] {strides = array<i32>} : memref<128xf32, #tpu.memory_space<vmem>>, vector<16xf32>,
        %mul3A_454 = arith.mulf %sub3A_365, %mul3A_429 : vector<16xf32>
        %mul3A_455 = arith.mulf %mul3A_454, %get3A_451 : vector<16xf32>
        %add3A_456 = arith.addf %mul3A_455, %get3A_453 : vector<16xf32>
        %swap3A_457 = arith.index_cast %add3A_276 : i32 to index
        %swap3A_458 = arith.constant 32 : index
        %swap3A_459 = tpu.vector_load %arg13[%swap3A_457, %swap3A_458] {strides = array<i32>} : memref<72x128xf32, #tpu.memory_space<vmem>>, vector<16xf32>,
        tpu.vector_store %arg13[%swap3A_457, %swap3A_458], %add3A_456 {strides = array<i32>} : memref<72x128xf32, #tpu.memory_space<vmem>>, vector<16xf32>,
        %get3A_460 = arith.constant 48 : index
        %get3A_461 = tpu.vector_load %arg15[%get3A_460] {strides = array<i32>} : memref<128xf32, #tpu.memory_space<vmem>>, vector<16xf32>,
        %get3A_462 = arith.constant 48 : index
        %get3A_463 = tpu.vector_load %arg16[%get3A_462] {strides = array<i32>} : memref<128xf32, #tpu.memory_space<vmem>>, vector<16xf32>,
        %mul3A_464 = arith.mulf %sub3A_366, %mul3A_429 : vector<16xf32>
        %mul3A_465 = arith.mulf %mul3A_464, %get3A_461 : vector<16xf32>
        %add3A_466 = arith.addf %mul3A_465, %get3A_463 : vector<16xf32>
        %swap3A_467 = arith.index_cast %add3A_276 : i32 to index
        %swap3A_468 = arith.constant 48 : index
        %swap3A_469 = tpu.vector_load %arg13[%swap3A_467, %swap3A_468] {strides = array<i32>} : memref<72x128xf32, #tpu.memory_space<vmem>>, vector<16xf32>,
        tpu.vector_store %arg13[%swap3A_467, %swap3A_468], %add3A_466 {strides = array<i32>} : memref<72x128xf32, #tpu.memory_space<vmem>>, vector<16xf32>,
        %get3A_470 = arith.constant 64 : index
        %get3A_471 = tpu.vector_load %arg15[%get3A_470] {strides = array<i32>} : memref<128xf32, #tpu.memory_space<vmem>>, vector<16xf32>,
        %get3A_472 = arith.constant 64 : index
        %get3A_473 = tpu.vector_load %arg16[%get3A_472] {strides = array<i32>} : memref<128xf32, #tpu.memory_space<vmem>>, vector<16xf32>,
        %mul3A_474 = arith.mulf %sub3A_367, %mul3A_429 : vector<16xf32>
        %mul3A_475 = arith.mulf %mul3A_474, %get3A_471 : vector<16xf32>
        %add3A_476 = arith.addf %mul3A_475, %get3A_473 : vector<16xf32>
        %swap3A_477 = arith.index_cast %add3A_276 : i32 to index
        %swap3A_478 = arith.constant 64 : index
        %swap3A_479 = tpu.vector_load %arg13[%swap3A_477, %swap3A_478] {strides = array<i32>} : memref<72x128xf32, #tpu.memory_space<vmem>>, vector<16xf32>,
        tpu.vector_store %arg13[%swap3A_477, %swap3A_478], %add3A_476 {strides = array<i32>} : memref<72x128xf32, #tpu.memory_space<vmem>>, vector<16xf32>,
        %get3A_480 = arith.constant 80 : index
        %get3A_481 = tpu.vector_load %arg15[%get3A_480] {strides = array<i32>} : memref<128xf32, #tpu.memory_space<vmem>>, vector<16xf32>,
        %get3A_482 = arith.constant 80 : index
        %get3A_483 = tpu.vector_load %arg16[%get3A_482] {strides = array<i32>} : memref<128xf32, #tpu.memory_space<vmem>>, vector<16xf32>,
        %mul3A_484 = arith.mulf %sub3A_368, %mul3A_429 : vector<16xf32>
        %mul3A_485 = arith.mulf %mul3A_484, %get3A_481 : vector<16xf32>
        %add3A_486 = arith.addf %mul3A_485, %get3A_483 : vector<16xf32>
        %swap3A_487 = arith.index_cast %add3A_276 : i32 to index
        %swap3A_488 = arith.constant 80 : index
        %swap3A_489 = tpu.vector_load %arg13[%swap3A_487, %swap3A_488] {strides = array<i32>} : memref<72x128xf32, #tpu.memory_space<vmem>>, vector<16xf32>,
        tpu.vector_store %arg13[%swap3A_487, %swap3A_488], %add3A_486 {strides = array<i32>} : memref<72x128xf32, #tpu.memory_space<vmem>>, vector<16xf32>,
        %get3A_490 = arith.constant 96 : index
        %get3A_491 = tpu.vector_load %arg15[%get3A_490] {strides = array<i32>} : memref<128xf32, #tpu.memory_space<vmem>>, vector<16xf32>,
        %get3A_492 = arith.constant 96 : index
        %get3A_493 = tpu.vector_load %arg16[%get3A_492] {strides = array<i32>} : memref<128xf32, #tpu.memory_space<vmem>>, vector<16xf32>,
        %mul3A_494 = arith.mulf %sub3A_369, %mul3A_429 : vector<16xf32>
        %mul3A_495 = arith.mulf %mul3A_494, %get3A_491 : vector<16xf32>
        %add3A_496 = arith.addf %mul3A_495, %get3A_493 : vector<16xf32>
        %swap3A_497 = arith.index_cast %add3A_276 : i32 to index
        %swap3A_498 = arith.constant 96 : index
        %swap3A_499 = tpu.vector_load %arg13[%swap3A_497, %swap3A_498] {strides = array<i32>} : memref<72x128xf32, #tpu.memory_space<vmem>>, vector<16xf32>,
        tpu.vector_store %arg13[%swap3A_497, %swap3A_498], %add3A_496 {strides = array<i32>} : memref<72x128xf32, #tpu.memory_space<vmem>>, vector<16xf32>,
        %get3A_500 = arith.constant 112 : index
        %get3A_501 = tpu.vector_load %arg15[%get3A_500] {strides = array<i32>} : memref<128xf32, #tpu.memory_space<vmem>>, vector<16xf32>,
        %get3A_502 = arith.constant 112 : index
        %get3A_503 = tpu.vector_load %arg16[%get3A_502] {strides = array<i32>} : memref<128xf32, #tpu.memory_space<vmem>>, vector<16xf32>,
        %mul3A_504 = arith.mulf %sub3A_370, %mul3A_429 : vector<16xf32>
        %mul3A_505 = arith.mulf %mul3A_504, %get3A_501 : vector<16xf32>
        %add3A_506 = arith.addf %mul3A_505, %get3A_503 : vector<16xf32>
        %swap3A_507 = arith.index_cast %add3A_276 : i32 to index
        %swap3A_508 = arith.constant 112 : index
        %swap3A_509 = tpu.vector_load %arg13[%swap3A_507, %swap3A_508] {strides = array<i32>} : memref<72x128xf32, #tpu.memory_space<vmem>>, vector<16xf32>,
        tpu.vector_store %arg13[%swap3A_507, %swap3A_508], %add3A_506 {strides = array<i32>} : memref<72x128xf32, #tpu.memory_space<vmem>>, vector<16xf32>,
        %add3A_510 = arith.constant 2 : i32
        %add3A_511 = arith.addi %mul3A_46, %add3A_510 : i32
        %get3A_512 = arith.index_cast %add3A_511 : i32 to index
        %get3A_513 = arith.constant 0 : index
        %get3A_514 = tpu.vector_load %arg11[%get3A_512, %get3A_513] {strides = array<i32>} : memref<72x128xf32, #tpu.memory_space<vmem>>, vector<16xf32>,
        %add3A_515 = arith.constant 128 : i32
        %add3A_516 = arith.addi %add3A_515, %add3A_511 : i32
        %get3A_517 = arith.index_cast %add3A_516 : i32 to index
        %get3A_518 = arith.constant 0 : index
        %get3A_519 = tpu.vector_load %arg14[%get3A_517, %get3A_518] {strides = array<i32>} : memref<200x128xf32, #tpu.memory_space<vmem>>, vector<16xf32>,
        %add3A_520 = arith.addf %get3A_514, %get3A_519 : vector<16xf32>
        %get3A_521 = arith.index_cast %add3A_511 : i32 to index
        %get3A_522 = arith.constant 16 : index
        %get3A_523 = tpu.vector_load %arg11[%get3A_521, %get3A_522] {strides = array<i32>} : memref<72x128xf32, #tpu.memory_space<vmem>>, vector<16xf32>,
        %add3A_524 = arith.constant 128 : i32
        %add3A_525 = arith.addi %add3A_524, %add3A_511 : i32
        %get3A_526 = arith.index_cast %add3A_525 : i32 to index
        %get3A_527 = arith.constant 16 : index
        %get3A_528 = tpu.vector_load %arg14[%get3A_526, %get3A_527] {strides = array<i32>} : memref<200x128xf32, #tpu.memory_space<vmem>>, vector<16xf32>,
        %add3A_529 = arith.addf %get3A_523, %get3A_528 : vector<16xf32>
        %get3A_530 = arith.index_cast %add3A_511 : i32 to index
        %get3A_531 = arith.constant 32 : index
        %get3A_532 = tpu.vector_load %arg11[%get3A_530, %get3A_531] {strides = array<i32>} : memref<72x128xf32, #tpu.memory_space<vmem>>, vector<16xf32>,
        %add3A_533 = arith.constant 128 : i32
        %add3A_534 = arith.addi %add3A_533, %add3A_511 : i32
        %get3A_535 = arith.index_cast %add3A_534 : i32 to index
        %get3A_536 = arith.constant 32 : index
        %get3A_537 = tpu.vector_load %arg14[%get3A_535, %get3A_536] {strides = array<i32>} : memref<200x128xf32, #tpu.memory_space<vmem>>, vector<16xf32>,
        %add3A_538 = arith.addf %get3A_532, %get3A_537 : vector<16xf32>
        %get3A_539 = arith.index_cast %add3A_511 : i32 to index
        %get3A_540 = arith.constant 48 : index
        %get3A_541 = tpu.vector_load %arg11[%get3A_539, %get3A_540] {strides = array<i32>} : memref<72x128xf32, #tpu.memory_space<vmem>>, vector<16xf32>,
        %add3A_542 = arith.constant 128 : i32
        %add3A_543 = arith.addi %add3A_542, %add3A_511 : i32
        %get3A_544 = arith.index_cast %add3A_543 : i32 to index
        %get3A_545 = arith.constant 48 : index
        %get3A_546 = tpu.vector_load %arg14[%get3A_544, %get3A_545] {strides = array<i32>} : memref<200x128xf32, #tpu.memory_space<vmem>>, vector<16xf32>,
        %add3A_547 = arith.addf %get3A_541, %get3A_546 : vector<16xf32>
        %get3A_548 = arith.index_cast %add3A_511 : i32 to index
        %get3A_549 = arith.constant 64 : index
        %get3A_550 = tpu.vector_load %arg11[%get3A_548, %get3A_549] {strides = array<i32>} : memref<72x128xf32, #tpu.memory_space<vmem>>, vector<16xf32>,
        %add3A_551 = arith.constant 128 : i32
        %add3A_552 = arith.addi %add3A_551, %add3A_511 : i32
        %get3A_553 = arith.index_cast %add3A_552 : i32 to index
        %get3A_554 = arith.constant 64 : index
        %get3A_555 = tpu.vector_load %arg14[%get3A_553, %get3A_554] {strides = array<i32>} : memref<200x128xf32, #tpu.memory_space<vmem>>, vector<16xf32>,
        %add3A_556 = arith.addf %get3A_550, %get3A_555 : vector<16xf32>
        %get3A_557 = arith.index_cast %add3A_511 : i32 to index
        %get3A_558 = arith.constant 80 : index
        %get3A_559 = tpu.vector_load %arg11[%get3A_557, %get3A_558] {strides = array<i32>} : memref<72x128xf32, #tpu.memory_space<vmem>>, vector<16xf32>,
        %add3A_560 = arith.constant 128 : i32
        %add3A_561 = arith.addi %add3A_560, %add3A_511 : i32
        %get3A_562 = arith.index_cast %add3A_561 : i32 to index
        %get3A_563 = arith.constant 80 : index
        %get3A_564 = tpu.vector_load %arg14[%get3A_562, %get3A_563] {strides = array<i32>} : memref<200x128xf32, #tpu.memory_space<vmem>>, vector<16xf32>,
        %add3A_565 = arith.addf %get3A_559, %get3A_564 : vector<16xf32>
        %get3A_566 = arith.index_cast %add3A_511 : i32 to index
        %get3A_567 = arith.constant 96 : index
        %get3A_568 = tpu.vector_load %arg11[%get3A_566, %get3A_567] {strides = array<i32>} : memref<72x128xf32, #tpu.memory_space<vmem>>, vector<16xf32>,
        %add3A_569 = arith.constant 128 : i32
        %add3A_570 = arith.addi %add3A_569, %add3A_511 : i32
        %get3A_571 = arith.index_cast %add3A_570 : i32 to index
        %get3A_572 = arith.constant 96 : index
        %get3A_573 = tpu.vector_load %arg14[%get3A_571, %get3A_572] {strides = array<i32>} : memref<200x128xf32, #tpu.memory_space<vmem>>, vector<16xf32>,
        %add3A_574 = arith.addf %get3A_568, %get3A_573 : vector<16xf32>
        %get3A_575 = arith.index_cast %add3A_511 : i32 to index
        %get3A_576 = arith.constant 112 : index
        %get3A_577 = tpu.vector_load %arg11[%get3A_575, %get3A_576] {strides = array<i32>} : memref<72x128xf32, #tpu.memory_space<vmem>>, vector<16xf32>,
        %add3A_578 = arith.constant 128 : i32
        %add3A_579 = arith.addi %add3A_578, %add3A_511 : i32
        %get3A_580 = arith.index_cast %add3A_579 : i32 to index
        %get3A_581 = arith.constant 112 : index
        %get3A_582 = tpu.vector_load %arg14[%get3A_580, %get3A_581] {strides = array<i32>} : memref<200x128xf32, #tpu.memory_space<vmem>>, vector<16xf32>,
        %add3A_583 = arith.addf %get3A_577, %get3A_582 : vector<16xf32>
        %add3A_584 = arith.addf %add3A_520, %add3A_529 : vector<16xf32>
        %add3A_585 = arith.addf %add3A_538, %add3A_547 : vector<16xf32>
        %add3A_586 = arith.addf %add3A_556, %add3A_565 : vector<16xf32>
        %add3A_587 = arith.addf %add3A_574, %add3A_583 : vector<16xf32>
        %add3A_588 = arith.addf %add3A_584, %add3A_585 : vector<16xf32>
        %add3A_589 = arith.addf %add3A_586, %add3A_587 : vector<16xf32>
        %add3A_590 = arith.addf %add3A_588, %add3A_589 : vector<16xf32>
        %reduce_sum3A_591 = arith.constant true
        %reduce_sum3A_592 = vector.broadcast %reduce_sum3A_591 : i1 to vector<16xi1>
        %reduce_sum3A_593 = tpu.scan <sum>, %add3A_590 masked %reduce_sum3A_592 : vector<16xf32>, vector<16xi1> -> vector<16xf32>
        %reduce_sum3A_594 = vector.extract %reduce_sum3A_593[15] : f32 from vector<16xf32>
        %mul3A_595 = arith.constant 7.812500e-03 : f32
        %mul3A_596 = arith.mulf %reduce_sum3A_594, %mul3A_595 : f32
        %broadcast_in_dim3A_597 = vector.broadcast %mul3A_596 : f32 to vector<16xf32>
        %sub3A_598 = arith.subf %add3A_520, %broadcast_in_dim3A_597 : vector<16xf32>
        %sub3A_599 = arith.subf %add3A_529, %broadcast_in_dim3A_597 : vector<16xf32>
        %sub3A_600 = arith.subf %add3A_538, %broadcast_in_dim3A_597 : vector<16xf32>
        %sub3A_601 = arith.subf %add3A_547, %broadcast_in_dim3A_597 : vector<16xf32>
        %sub3A_602 = arith.subf %add3A_556, %broadcast_in_dim3A_597 : vector<16xf32>
        %sub3A_603 = arith.subf %add3A_565, %broadcast_in_dim3A_597 : vector<16xf32>
        %sub3A_604 = arith.subf %add3A_574, %broadcast_in_dim3A_597 : vector<16xf32>
        %sub3A_605 = arith.subf %add3A_583, %broadcast_in_dim3A_597 : vector<16xf32>
        %mul3A_606 = arith.mulf %sub3A_598, %sub3A_598 : vector<16xf32>
        %mul3A_607 = arith.mulf %sub3A_599, %sub3A_599 : vector<16xf32>
        %mul3A_608 = arith.mulf %sub3A_600, %sub3A_600 : vector<16xf32>
        %mul3A_609 = arith.mulf %sub3A_601, %sub3A_601 : vector<16xf32>
        %mul3A_610 = arith.mulf %sub3A_602, %sub3A_602 : vector<16xf32>
        %mul3A_611 = arith.mulf %sub3A_603, %sub3A_603 : vector<16xf32>
        %mul3A_612 = arith.mulf %sub3A_604, %sub3A_604 : vector<16xf32>
        %mul3A_613 = arith.mulf %sub3A_605, %sub3A_605 : vector<16xf32>
        %add3A_614 = arith.addf %mul3A_606, %mul3A_607 : vector<16xf32>
        %add3A_615 = arith.addf %mul3A_608, %mul3A_609 : vector<16xf32>
        %add3A_616 = arith.addf %mul3A_610, %mul3A_611 : vector<16xf32>
        %add3A_617 = arith.addf %mul3A_612, %mul3A_613 : vector<16xf32>
        %add3A_618 = arith.addf %add3A_614, %add3A_615 : vector<16xf32>
        %add3A_619 = arith.addf %add3A_616, %add3A_617 : vector<16xf32>
        %add3A_620 = arith.addf %add3A_618, %add3A_619 : vector<16xf32>
        %reduce_sum3A_621 = arith.constant true
        %reduce_sum3A_622 = vector.broadcast %reduce_sum3A_621 : i1 to vector<16xi1>
        %reduce_sum3A_623 = tpu.scan <sum>, %add3A_620 masked %reduce_sum3A_622 : vector<16xf32>, vector<16xi1> -> vector<16xf32>
        %reduce_sum3A_624 = vector.extract %reduce_sum3A_623[15] : f32 from vector<16xf32>
        %mul3A_625 = arith.constant 7.812500e-03 : f32
        %mul3A_626 = arith.mulf %reduce_sum3A_624, %mul3A_625 : f32
        %add3A_627 = arith.constant 9.99999996E-13 : f32
        %add3A_628 = arith.addf %mul3A_626, %add3A_627 : f32
        %broadcast_in_dim3A_629 = vector.broadcast %add3A_628 : f32 to vector<16xf32>
        %bitcast_convert_type3A_630 = tpu.bitcast %broadcast_in_dim3A_629 : vector<16xf32> -> vector<16xi32>
        %broadcast_in_dim3A_631 = arith.constant 1597463007 : i32
        %broadcast_in_dim3A_632 = vector.broadcast %broadcast_in_dim3A_631 : i32 to vector<16xi32>
        %shift_right_arithmetic3A_633 = arith.constant 1 : i32
        %shift_right_arithmetic3A_634 = vector.broadcast %shift_right_arithmetic3A_633 : i32 to vector<16xi32>
        %shift_right_arithmetic3A_635 = arith.shrsi %bitcast_convert_type3A_630, %shift_right_arithmetic3A_634 : vector<16xi32>
        %sub3A_636 = arith.subi %broadcast_in_dim3A_632, %shift_right_arithmetic3A_635 : vector<16xi32>
        %bitcast_convert_type3A_637 = tpu.bitcast %sub3A_636 : vector<16xi32> -> vector<16xf32>
        %mul3A_638 = arith.constant 5.000000e-01 : f32
        %mul3A_639 = vector.broadcast %mul3A_638 : f32 to vector<16xf32>
        %mul3A_640 = arith.mulf %mul3A_639, %broadcast_in_dim3A_629 : vector<16xf32>
        %mul3A_641 = arith.mulf %mul3A_640, %bitcast_convert_type3A_637 : vector<16xf32>
        %mul3A_642 = arith.mulf %mul3A_641, %bitcast_convert_type3A_637 : vector<16xf32>
        %sub3A_643 = arith.constant 1.500000e+00 : f32
        %sub3A_644 = vector.broadcast %sub3A_643 : f32 to vector<16xf32>
        %sub3A_645 = arith.subf %sub3A_644, %mul3A_642 : vector<16xf32>
        %mul3A_646 = arith.mulf %bitcast_convert_type3A_637, %sub3A_645 : vector<16xf32>
        %mul3A_647 = arith.constant 5.000000e-01 : f32
        %mul3A_648 = vector.broadcast %mul3A_647 : f32 to vector<16xf32>
        %mul3A_649 = arith.mulf %mul3A_648, %broadcast_in_dim3A_629 : vector<16xf32>
        %mul3A_650 = arith.mulf %mul3A_649, %mul3A_646 : vector<16xf32>
        %mul3A_651 = arith.mulf %mul3A_650, %mul3A_646 : vector<16xf32>
        %sub3A_652 = arith.constant 1.500000e+00 : f32
        %sub3A_653 = vector.broadcast %sub3A_652 : f32 to vector<16xf32>
        %sub3A_654 = arith.subf %sub3A_653, %mul3A_651 : vector<16xf32>
        %mul3A_655 = arith.mulf %mul3A_646, %sub3A_654 : vector<16xf32>
        %mul3A_656 = arith.constant 5.000000e-01 : f32
        %mul3A_657 = vector.broadcast %mul3A_656 : f32 to vector<16xf32>
        %mul3A_658 = arith.mulf %mul3A_657, %broadcast_in_dim3A_629 : vector<16xf32>
        %mul3A_659 = arith.mulf %mul3A_658, %mul3A_655 : vector<16xf32>
        %mul3A_660 = arith.mulf %mul3A_659, %mul3A_655 : vector<16xf32>
        %sub3A_661 = arith.constant 1.500000e+00 : f32
        %sub3A_662 = vector.broadcast %sub3A_661 : f32 to vector<16xf32>
        %sub3A_663 = arith.subf %sub3A_662, %mul3A_660 : vector<16xf32>
        %mul3A_664 = arith.mulf %mul3A_655, %sub3A_663 : vector<16xf32>
        %get3A_665 = arith.constant 0 : index
        %get3A_666 = tpu.vector_load %arg15[%get3A_665] {strides = array<i32>} : memref<128xf32, #tpu.memory_space<vmem>>, vector<16xf32>,
        %get3A_667 = arith.constant 0 : index
        %get3A_668 = tpu.vector_load %arg16[%get3A_667] {strides = array<i32>} : memref<128xf32, #tpu.memory_space<vmem>>, vector<16xf32>,
        %mul3A_669 = arith.mulf %sub3A_598, %mul3A_664 : vector<16xf32>
        %mul3A_670 = arith.mulf %mul3A_669, %get3A_666 : vector<16xf32>
        %add3A_671 = arith.addf %mul3A_670, %get3A_668 : vector<16xf32>
        %swap3A_672 = arith.index_cast %add3A_511 : i32 to index
        %swap3A_673 = arith.constant 0 : index
        %swap3A_674 = tpu.vector_load %arg13[%swap3A_672, %swap3A_673] {strides = array<i32>} : memref<72x128xf32, #tpu.memory_space<vmem>>, vector<16xf32>,
        tpu.vector_store %arg13[%swap3A_672, %swap3A_673], %add3A_671 {strides = array<i32>} : memref<72x128xf32, #tpu.memory_space<vmem>>, vector<16xf32>,
        %get3A_675 = arith.constant 16 : index
        %get3A_676 = tpu.vector_load %arg15[%get3A_675] {strides = array<i32>} : memref<128xf32, #tpu.memory_space<vmem>>, vector<16xf32>,
        %get3A_677 = arith.constant 16 : index
        %get3A_678 = tpu.vector_load %arg16[%get3A_677] {strides = array<i32>} : memref<128xf32, #tpu.memory_space<vmem>>, vector<16xf32>,
        %mul3A_679 = arith.mulf %sub3A_599, %mul3A_664 : vector<16xf32>
        %mul3A_680 = arith.mulf %mul3A_679, %get3A_676 : vector<16xf32>
        %add3A_681 = arith.addf %mul3A_680, %get3A_678 : vector<16xf32>
        %swap3A_682 = arith.index_cast %add3A_511 : i32 to index
        %swap3A_683 = arith.constant 16 : index
        %swap3A_684 = tpu.vector_load %arg13[%swap3A_682, %swap3A_683] {strides = array<i32>} : memref<72x128xf32, #tpu.memory_space<vmem>>, vector<16xf32>,
        tpu.vector_store %arg13[%swap3A_682, %swap3A_683], %add3A_681 {strides = array<i32>} : memref<72x128xf32, #tpu.memory_space<vmem>>, vector<16xf32>,
        %get3A_685 = arith.constant 32 : index
        %get3A_686 = tpu.vector_load %arg15[%get3A_685] {strides = array<i32>} : memref<128xf32, #tpu.memory_space<vmem>>, vector<16xf32>,
        %get3A_687 = arith.constant 32 : index
        %get3A_688 = tpu.vector_load %arg16[%get3A_687] {strides = array<i32>} : memref<128xf32, #tpu.memory_space<vmem>>, vector<16xf32>,
        %mul3A_689 = arith.mulf %sub3A_600, %mul3A_664 : vector<16xf32>
        %mul3A_690 = arith.mulf %mul3A_689, %get3A_686 : vector<16xf32>
        %add3A_691 = arith.addf %mul3A_690, %get3A_688 : vector<16xf32>
        %swap3A_692 = arith.index_cast %add3A_511 : i32 to index
        %swap3A_693 = arith.constant 32 : index
        %swap3A_694 = tpu.vector_load %arg13[%swap3A_692, %swap3A_693] {strides = array<i32>} : memref<72x128xf32, #tpu.memory_space<vmem>>, vector<16xf32>,
        tpu.vector_store %arg13[%swap3A_692, %swap3A_693], %add3A_691 {strides = array<i32>} : memref<72x128xf32, #tpu.memory_space<vmem>>, vector<16xf32>,
        %get3A_695 = arith.constant 48 : index
        %get3A_696 = tpu.vector_load %arg15[%get3A_695] {strides = array<i32>} : memref<128xf32, #tpu.memory_space<vmem>>, vector<16xf32>,
        %get3A_697 = arith.constant 48 : index
        %get3A_698 = tpu.vector_load %arg16[%get3A_697] {strides = array<i32>} : memref<128xf32, #tpu.memory_space<vmem>>, vector<16xf32>,
        %mul3A_699 = arith.mulf %sub3A_601, %mul3A_664 : vector<16xf32>
        %mul3A_700 = arith.mulf %mul3A_699, %get3A_696 : vector<16xf32>
        %add3A_701 = arith.addf %mul3A_700, %get3A_698 : vector<16xf32>
        %swap3A_702 = arith.index_cast %add3A_511 : i32 to index
        %swap3A_703 = arith.constant 48 : index
        %swap3A_704 = tpu.vector_load %arg13[%swap3A_702, %swap3A_703] {strides = array<i32>} : memref<72x128xf32, #tpu.memory_space<vmem>>, vector<16xf32>,
        tpu.vector_store %arg13[%swap3A_702, %swap3A_703], %add3A_701 {strides = array<i32>} : memref<72x128xf32, #tpu.memory_space<vmem>>, vector<16xf32>,
        %get3A_705 = arith.constant 64 : index
        %get3A_706 = tpu.vector_load %arg15[%get3A_705] {strides = array<i32>} : memref<128xf32, #tpu.memory_space<vmem>>, vector<16xf32>,
        %get3A_707 = arith.constant 64 : index
        %get3A_708 = tpu.vector_load %arg16[%get3A_707] {strides = array<i32>} : memref<128xf32, #tpu.memory_space<vmem>>, vector<16xf32>,
        %mul3A_709 = arith.mulf %sub3A_602, %mul3A_664 : vector<16xf32>
        %mul3A_710 = arith.mulf %mul3A_709, %get3A_706 : vector<16xf32>
        %add3A_711 = arith.addf %mul3A_710, %get3A_708 : vector<16xf32>
        %swap3A_712 = arith.index_cast %add3A_511 : i32 to index
        %swap3A_713 = arith.constant 64 : index
        %swap3A_714 = tpu.vector_load %arg13[%swap3A_712, %swap3A_713] {strides = array<i32>} : memref<72x128xf32, #tpu.memory_space<vmem>>, vector<16xf32>,
        tpu.vector_store %arg13[%swap3A_712, %swap3A_713], %add3A_711 {strides = array<i32>} : memref<72x128xf32, #tpu.memory_space<vmem>>, vector<16xf32>,
        %get3A_715 = arith.constant 80 : index
        %get3A_716 = tpu.vector_load %arg15[%get3A_715] {strides = array<i32>} : memref<128xf32, #tpu.memory_space<vmem>>, vector<16xf32>,
        %get3A_717 = arith.constant 80 : index
        %get3A_718 = tpu.vector_load %arg16[%get3A_717] {strides = array<i32>} : memref<128xf32, #tpu.memory_space<vmem>>, vector<16xf32>,
        %mul3A_719 = arith.mulf %sub3A_603, %mul3A_664 : vector<16xf32>
        %mul3A_720 = arith.mulf %mul3A_719, %get3A_716 : vector<16xf32>
        %add3A_721 = arith.addf %mul3A_720, %get3A_718 : vector<16xf32>
        %swap3A_722 = arith.index_cast %add3A_511 : i32 to index
        %swap3A_723 = arith.constant 80 : index
        %swap3A_724 = tpu.vector_load %arg13[%swap3A_722, %swap3A_723] {strides = array<i32>} : memref<72x128xf32, #tpu.memory_space<vmem>>, vector<16xf32>,
        tpu.vector_store %arg13[%swap3A_722, %swap3A_723], %add3A_721 {strides = array<i32>} : memref<72x128xf32, #tpu.memory_space<vmem>>, vector<16xf32>,
        %get3A_725 = arith.constant 96 : index
        %get3A_726 = tpu.vector_load %arg15[%get3A_725] {strides = array<i32>} : memref<128xf32, #tpu.memory_space<vmem>>, vector<16xf32>,
        %get3A_727 = arith.constant 96 : index
        %get3A_728 = tpu.vector_load %arg16[%get3A_727] {strides = array<i32>} : memref<128xf32, #tpu.memory_space<vmem>>, vector<16xf32>,
        %mul3A_729 = arith.mulf %sub3A_604, %mul3A_664 : vector<16xf32>
        %mul3A_730 = arith.mulf %mul3A_729, %get3A_726 : vector<16xf32>
        %add3A_731 = arith.addf %mul3A_730, %get3A_728 : vector<16xf32>
        %swap3A_732 = arith.index_cast %add3A_511 : i32 to index
        %swap3A_733 = arith.constant 96 : index
        %swap3A_734 = tpu.vector_load %arg13[%swap3A_732, %swap3A_733] {strides = array<i32>} : memref<72x128xf32, #tpu.memory_space<vmem>>, vector<16xf32>,
        tpu.vector_store %arg13[%swap3A_732, %swap3A_733], %add3A_731 {strides = array<i32>} : memref<72x128xf32, #tpu.memory_space<vmem>>, vector<16xf32>,
        %get3A_735 = arith.constant 112 : index
        %get3A_736 = tpu.vector_load %arg15[%get3A_735] {strides = array<i32>} : memref<128xf32, #tpu.memory_space<vmem>>, vector<16xf32>,
        %get3A_737 = arith.constant 112 : index
        %get3A_738 = tpu.vector_load %arg16[%get3A_737] {strides = array<i32>} : memref<128xf32, #tpu.memory_space<vmem>>, vector<16xf32>,
        %mul3A_739 = arith.mulf %sub3A_605, %mul3A_664 : vector<16xf32>
        %mul3A_740 = arith.mulf %mul3A_739, %get3A_736 : vector<16xf32>
        %add3A_741 = arith.addf %mul3A_740, %get3A_738 : vector<16xf32>
        %swap3A_742 = arith.index_cast %add3A_511 : i32 to index
        %swap3A_743 = arith.constant 112 : index
        %swap3A_744 = tpu.vector_load %arg13[%swap3A_742, %swap3A_743] {strides = array<i32>} : memref<72x128xf32, #tpu.memory_space<vmem>>, vector<16xf32>,
        tpu.vector_store %arg13[%swap3A_742, %swap3A_743], %add3A_741 {strides = array<i32>} : memref<72x128xf32, #tpu.memory_space<vmem>>, vector<16xf32>,
        %add3A_745 = arith.constant 3 : i32
        %add3A_746 = arith.addi %mul3A_46, %add3A_745 : i32
        %get3A_747 = arith.index_cast %add3A_746 : i32 to index
        %get3A_748 = arith.constant 0 : index
        %get3A_749 = tpu.vector_load %arg11[%get3A_747, %get3A_748] {strides = array<i32>} : memref<72x128xf32, #tpu.memory_space<vmem>>, vector<16xf32>,
        %add3A_750 = arith.constant 128 : i32
        %add3A_751 = arith.addi %add3A_750, %add3A_746 : i32
        %get3A_752 = arith.index_cast %add3A_751 : i32 to index
        %get3A_753 = arith.constant 0 : index
        %get3A_754 = tpu.vector_load %arg14[%get3A_752, %get3A_753] {strides = array<i32>} : memref<200x128xf32, #tpu.memory_space<vmem>>, vector<16xf32>,
        %add3A_755 = arith.addf %get3A_749, %get3A_754 : vector<16xf32>
        %get3A_756 = arith.index_cast %add3A_746 : i32 to index
        %get3A_757 = arith.constant 16 : index
        %get3A_758 = tpu.vector_load %arg11[%get3A_756, %get3A_757] {strides = array<i32>} : memref<72x128xf32, #tpu.memory_space<vmem>>, vector<16xf32>,
        %add3A_759 = arith.constant 128 : i32
        %add3A_760 = arith.addi %add3A_759, %add3A_746 : i32
        %get3A_761 = arith.index_cast %add3A_760 : i32 to index
        %get3A_762 = arith.constant 16 : index
        %get3A_763 = tpu.vector_load %arg14[%get3A_761, %get3A_762] {strides = array<i32>} : memref<200x128xf32, #tpu.memory_space<vmem>>, vector<16xf32>,
        %add3A_764 = arith.addf %get3A_758, %get3A_763 : vector<16xf32>
        %get3A_765 = arith.index_cast %add3A_746 : i32 to index
        %get3A_766 = arith.constant 32 : index
        %get3A_767 = tpu.vector_load %arg11[%get3A_765, %get3A_766] {strides = array<i32>} : memref<72x128xf32, #tpu.memory_space<vmem>>, vector<16xf32>,
        %add3A_768 = arith.constant 128 : i32
        %add3A_769 = arith.addi %add3A_768, %add3A_746 : i32
        %get3A_770 = arith.index_cast %add3A_769 : i32 to index
        %get3A_771 = arith.constant 32 : index
        %get3A_772 = tpu.vector_load %arg14[%get3A_770, %get3A_771] {strides = array<i32>} : memref<200x128xf32, #tpu.memory_space<vmem>>, vector<16xf32>,
        %add3A_773 = arith.addf %get3A_767, %get3A_772 : vector<16xf32>
        %get3A_774 = arith.index_cast %add3A_746 : i32 to index
        %get3A_775 = arith.constant 48 : index
        %get3A_776 = tpu.vector_load %arg11[%get3A_774, %get3A_775] {strides = array<i32>} : memref<72x128xf32, #tpu.memory_space<vmem>>, vector<16xf32>,
        %add3A_777 = arith.constant 128 : i32
        %add3A_778 = arith.addi %add3A_777, %add3A_746 : i32
        %get3A_779 = arith.index_cast %add3A_778 : i32 to index
        %get3A_780 = arith.constant 48 : index
        %get3A_781 = tpu.vector_load %arg14[%get3A_779, %get3A_780] {strides = array<i32>} : memref<200x128xf32, #tpu.memory_space<vmem>>, vector<16xf32>,
        %add3A_782 = arith.addf %get3A_776, %get3A_781 : vector<16xf32>
        %get3A_783 = arith.index_cast %add3A_746 : i32 to index
        %get3A_784 = arith.constant 64 : index
        %get3A_785 = tpu.vector_load %arg11[%get3A_783, %get3A_784] {strides = array<i32>} : memref<72x128xf32, #tpu.memory_space<vmem>>, vector<16xf32>,
        %add3A_786 = arith.constant 128 : i32
        %add3A_787 = arith.addi %add3A_786, %add3A_746 : i32
        %get3A_788 = arith.index_cast %add3A_787 : i32 to index
        %get3A_789 = arith.constant 64 : index
        %get3A_790 = tpu.vector_load %arg14[%get3A_788, %get3A_789] {strides = array<i32>} : memref<200x128xf32, #tpu.memory_space<vmem>>, vector<16xf32>,
        %add3A_791 = arith.addf %get3A_785, %get3A_790 : vector<16xf32>
        %get3A_792 = arith.index_cast %add3A_746 : i32 to index
        %get3A_793 = arith.constant 80 : index
        %get3A_794 = tpu.vector_load %arg11[%get3A_792, %get3A_793] {strides = array<i32>} : memref<72x128xf32, #tpu.memory_space<vmem>>, vector<16xf32>,
        %add3A_795 = arith.constant 128 : i32
        %add3A_796 = arith.addi %add3A_795, %add3A_746 : i32
        %get3A_797 = arith.index_cast %add3A_796 : i32 to index
        %get3A_798 = arith.constant 80 : index
        %get3A_799 = tpu.vector_load %arg14[%get3A_797, %get3A_798] {strides = array<i32>} : memref<200x128xf32, #tpu.memory_space<vmem>>, vector<16xf32>,
        %add3A_800 = arith.addf %get3A_794, %get3A_799 : vector<16xf32>
        %get3A_801 = arith.index_cast %add3A_746 : i32 to index
        %get3A_802 = arith.constant 96 : index
        %get3A_803 = tpu.vector_load %arg11[%get3A_801, %get3A_802] {strides = array<i32>} : memref<72x128xf32, #tpu.memory_space<vmem>>, vector<16xf32>,
        %add3A_804 = arith.constant 128 : i32
        %add3A_805 = arith.addi %add3A_804, %add3A_746 : i32
        %get3A_806 = arith.index_cast %add3A_805 : i32 to index
        %get3A_807 = arith.constant 96 : index
        %get3A_808 = tpu.vector_load %arg14[%get3A_806, %get3A_807] {strides = array<i32>} : memref<200x128xf32, #tpu.memory_space<vmem>>, vector<16xf32>,
        %add3A_809 = arith.addf %get3A_803, %get3A_808 : vector<16xf32>
        %get3A_810 = arith.index_cast %add3A_746 : i32 to index
        %get3A_811 = arith.constant 112 : index
        %get3A_812 = tpu.vector_load %arg11[%get3A_810, %get3A_811] {strides = array<i32>} : memref<72x128xf32, #tpu.memory_space<vmem>>, vector<16xf32>,
        %add3A_813 = arith.constant 128 : i32
        %add3A_814 = arith.addi %add3A_813, %add3A_746 : i32
        %get3A_815 = arith.index_cast %add3A_814 : i32 to index
        %get3A_816 = arith.constant 112 : index
        %get3A_817 = tpu.vector_load %arg14[%get3A_815, %get3A_816] {strides = array<i32>} : memref<200x128xf32, #tpu.memory_space<vmem>>, vector<16xf32>,
        %add3A_818 = arith.addf %get3A_812, %get3A_817 : vector<16xf32>
        %add3A_819 = arith.addf %add3A_755, %add3A_764 : vector<16xf32>
        %add3A_820 = arith.addf %add3A_773, %add3A_782 : vector<16xf32>
        %add3A_821 = arith.addf %add3A_791, %add3A_800 : vector<16xf32>
        %add3A_822 = arith.addf %add3A_809, %add3A_818 : vector<16xf32>
        %add3A_823 = arith.addf %add3A_819, %add3A_820 : vector<16xf32>
        %add3A_824 = arith.addf %add3A_821, %add3A_822 : vector<16xf32>
        %add3A_825 = arith.addf %add3A_823, %add3A_824 : vector<16xf32>
        %reduce_sum3A_826 = arith.constant true
        %reduce_sum3A_827 = vector.broadcast %reduce_sum3A_826 : i1 to vector<16xi1>
        %reduce_sum3A_828 = tpu.scan <sum>, %add3A_825 masked %reduce_sum3A_827 : vector<16xf32>, vector<16xi1> -> vector<16xf32>
        %reduce_sum3A_829 = vector.extract %reduce_sum3A_828[15] : f32 from vector<16xf32>
        %mul3A_830 = arith.constant 7.812500e-03 : f32
        %mul3A_831 = arith.mulf %reduce_sum3A_829, %mul3A_830 : f32
        %broadcast_in_dim3A_832 = vector.broadcast %mul3A_831 : f32 to vector<16xf32>
        %sub3A_833 = arith.subf %add3A_755, %broadcast_in_dim3A_832 : vector<16xf32>
        %sub3A_834 = arith.subf %add3A_764, %broadcast_in_dim3A_832 : vector<16xf32>
        %sub3A_835 = arith.subf %add3A_773, %broadcast_in_dim3A_832 : vector<16xf32>
        %sub3A_836 = arith.subf %add3A_782, %broadcast_in_dim3A_832 : vector<16xf32>
        %sub3A_837 = arith.subf %add3A_791, %broadcast_in_dim3A_832 : vector<16xf32>
        %sub3A_838 = arith.subf %add3A_800, %broadcast_in_dim3A_832 : vector<16xf32>
        %sub3A_839 = arith.subf %add3A_809, %broadcast_in_dim3A_832 : vector<16xf32>
        %sub3A_840 = arith.subf %add3A_818, %broadcast_in_dim3A_832 : vector<16xf32>
        %mul3A_841 = arith.mulf %sub3A_833, %sub3A_833 : vector<16xf32>
        %mul3A_842 = arith.mulf %sub3A_834, %sub3A_834 : vector<16xf32>
        %mul3A_843 = arith.mulf %sub3A_835, %sub3A_835 : vector<16xf32>
        %mul3A_844 = arith.mulf %sub3A_836, %sub3A_836 : vector<16xf32>
        %mul3A_845 = arith.mulf %sub3A_837, %sub3A_837 : vector<16xf32>
        %mul3A_846 = arith.mulf %sub3A_838, %sub3A_838 : vector<16xf32>
        %mul3A_847 = arith.mulf %sub3A_839, %sub3A_839 : vector<16xf32>
        %mul3A_848 = arith.mulf %sub3A_840, %sub3A_840 : vector<16xf32>
        %add3A_849 = arith.addf %mul3A_841, %mul3A_842 : vector<16xf32>
        %add3A_850 = arith.addf %mul3A_843, %mul3A_844 : vector<16xf32>
        %add3A_851 = arith.addf %mul3A_845, %mul3A_846 : vector<16xf32>
        %add3A_852 = arith.addf %mul3A_847, %mul3A_848 : vector<16xf32>
        %add3A_853 = arith.addf %add3A_849, %add3A_850 : vector<16xf32>
        %add3A_854 = arith.addf %add3A_851, %add3A_852 : vector<16xf32>
        %add3A_855 = arith.addf %add3A_853, %add3A_854 : vector<16xf32>
        %reduce_sum3A_856 = arith.constant true
        %reduce_sum3A_857 = vector.broadcast %reduce_sum3A_856 : i1 to vector<16xi1>
        %reduce_sum3A_858 = tpu.scan <sum>, %add3A_855 masked %reduce_sum3A_857 : vector<16xf32>, vector<16xi1> -> vector<16xf32>
        %reduce_sum3A_859 = vector.extract %reduce_sum3A_858[15] : f32 from vector<16xf32>
        %mul3A_860 = arith.constant 7.812500e-03 : f32
        %mul3A_861 = arith.mulf %reduce_sum3A_859, %mul3A_860 : f32
        %add3A_862 = arith.constant 9.99999996E-13 : f32
        %add3A_863 = arith.addf %mul3A_861, %add3A_862 : f32
        %broadcast_in_dim3A_864 = vector.broadcast %add3A_863 : f32 to vector<16xf32>
        %bitcast_convert_type3A_865 = tpu.bitcast %broadcast_in_dim3A_864 : vector<16xf32> -> vector<16xi32>
        %broadcast_in_dim3A_866 = arith.constant 1597463007 : i32
        %broadcast_in_dim3A_867 = vector.broadcast %broadcast_in_dim3A_866 : i32 to vector<16xi32>
        %shift_right_arithmetic3A_868 = arith.constant 1 : i32
        %shift_right_arithmetic3A_869 = vector.broadcast %shift_right_arithmetic3A_868 : i32 to vector<16xi32>
        %shift_right_arithmetic3A_870 = arith.shrsi %bitcast_convert_type3A_865, %shift_right_arithmetic3A_869 : vector<16xi32>
        %sub3A_871 = arith.subi %broadcast_in_dim3A_867, %shift_right_arithmetic3A_870 : vector<16xi32>
        %bitcast_convert_type3A_872 = tpu.bitcast %sub3A_871 : vector<16xi32> -> vector<16xf32>
        %mul3A_873 = arith.constant 5.000000e-01 : f32
        %mul3A_874 = vector.broadcast %mul3A_873 : f32 to vector<16xf32>
        %mul3A_875 = arith.mulf %mul3A_874, %broadcast_in_dim3A_864 : vector<16xf32>
        %mul3A_876 = arith.mulf %mul3A_875, %bitcast_convert_type3A_872 : vector<16xf32>
        %mul3A_877 = arith.mulf %mul3A_876, %bitcast_convert_type3A_872 : vector<16xf32>
        %sub3A_878 = arith.constant 1.500000e+00 : f32
        %sub3A_879 = vector.broadcast %sub3A_878 : f32 to vector<16xf32>
        %sub3A_880 = arith.subf %sub3A_879, %mul3A_877 : vector<16xf32>
        %mul3A_881 = arith.mulf %bitcast_convert_type3A_872, %sub3A_880 : vector<16xf32>
        %mul3A_882 = arith.constant 5.000000e-01 : f32
        %mul3A_883 = vector.broadcast %mul3A_882 : f32 to vector<16xf32>
        %mul3A_884 = arith.mulf %mul3A_883, %broadcast_in_dim3A_864 : vector<16xf32>
        %mul3A_885 = arith.mulf %mul3A_884, %mul3A_881 : vector<16xf32>
        %mul3A_886 = arith.mulf %mul3A_885, %mul3A_881 : vector<16xf32>
        %sub3A_887 = arith.constant 1.500000e+00 : f32
        %sub3A_888 = vector.broadcast %sub3A_887 : f32 to vector<16xf32>
        %sub3A_889 = arith.subf %sub3A_888, %mul3A_886 : vector<16xf32>
        %mul3A_890 = arith.mulf %mul3A_881, %sub3A_889 : vector<16xf32>
        %mul3A_891 = arith.constant 5.000000e-01 : f32
        %mul3A_892 = vector.broadcast %mul3A_891 : f32 to vector<16xf32>
        %mul3A_893 = arith.mulf %mul3A_892, %broadcast_in_dim3A_864 : vector<16xf32>
        %mul3A_894 = arith.mulf %mul3A_893, %mul3A_890 : vector<16xf32>
        %mul3A_895 = arith.mulf %mul3A_894, %mul3A_890 : vector<16xf32>
        %sub3A_896 = arith.constant 1.500000e+00 : f32
        %sub3A_897 = vector.broadcast %sub3A_896 : f32 to vector<16xf32>
        %sub3A_898 = arith.subf %sub3A_897, %mul3A_895 : vector<16xf32>
        %mul3A_899 = arith.mulf %mul3A_890, %sub3A_898 : vector<16xf32>
        %get3A_900 = arith.constant 0 : index
        %get3A_901 = tpu.vector_load %arg15[%get3A_900] {strides = array<i32>} : memref<128xf32, #tpu.memory_space<vmem>>, vector<16xf32>,
        %get3A_902 = arith.constant 0 : index
        %get3A_903 = tpu.vector_load %arg16[%get3A_902] {strides = array<i32>} : memref<128xf32, #tpu.memory_space<vmem>>, vector<16xf32>,
        %mul3A_904 = arith.mulf %sub3A_833, %mul3A_899 : vector<16xf32>
        %mul3A_905 = arith.mulf %mul3A_904, %get3A_901 : vector<16xf32>
        %add3A_906 = arith.addf %mul3A_905, %get3A_903 : vector<16xf32>
        %swap3A_907 = arith.index_cast %add3A_746 : i32 to index
        %swap3A_908 = arith.constant 0 : index
        %swap3A_909 = tpu.vector_load %arg13[%swap3A_907, %swap3A_908] {strides = array<i32>} : memref<72x128xf32, #tpu.memory_space<vmem>>, vector<16xf32>,
        tpu.vector_store %arg13[%swap3A_907, %swap3A_908], %add3A_906 {strides = array<i32>} : memref<72x128xf32, #tpu.memory_space<vmem>>, vector<16xf32>,
        %get3A_910 = arith.constant 16 : index
        %get3A_911 = tpu.vector_load %arg15[%get3A_910] {strides = array<i32>} : memref<128xf32, #tpu.memory_space<vmem>>, vector<16xf32>,
        %get3A_912 = arith.constant 16 : index
        %get3A_913 = tpu.vector_load %arg16[%get3A_912] {strides = array<i32>} : memref<128xf32, #tpu.memory_space<vmem>>, vector<16xf32>,
        %mul3A_914 = arith.mulf %sub3A_834, %mul3A_899 : vector<16xf32>
        %mul3A_915 = arith.mulf %mul3A_914, %get3A_911 : vector<16xf32>
        %add3A_916 = arith.addf %mul3A_915, %get3A_913 : vector<16xf32>
        %swap3A_917 = arith.index_cast %add3A_746 : i32 to index
        %swap3A_918 = arith.constant 16 : index
        %swap3A_919 = tpu.vector_load %arg13[%swap3A_917, %swap3A_918] {strides = array<i32>} : memref<72x128xf32, #tpu.memory_space<vmem>>, vector<16xf32>,
        tpu.vector_store %arg13[%swap3A_917, %swap3A_918], %add3A_916 {strides = array<i32>} : memref<72x128xf32, #tpu.memory_space<vmem>>, vector<16xf32>,
        %get3A_920 = arith.constant 32 : index
        %get3A_921 = tpu.vector_load %arg15[%get3A_920] {strides = array<i32>} : memref<128xf32, #tpu.memory_space<vmem>>, vector<16xf32>,
        %get3A_922 = arith.constant 32 : index
        %get3A_923 = tpu.vector_load %arg16[%get3A_922] {strides = array<i32>} : memref<128xf32, #tpu.memory_space<vmem>>, vector<16xf32>,
        %mul3A_924 = arith.mulf %sub3A_835, %mul3A_899 : vector<16xf32>
        %mul3A_925 = arith.mulf %mul3A_924, %get3A_921 : vector<16xf32>
        %add3A_926 = arith.addf %mul3A_925, %get3A_923 : vector<16xf32>
        %swap3A_927 = arith.index_cast %add3A_746 : i32 to index
        %swap3A_928 = arith.constant 32 : index
        %swap3A_929 = tpu.vector_load %arg13[%swap3A_927, %swap3A_928] {strides = array<i32>} : memref<72x128xf32, #tpu.memory_space<vmem>>, vector<16xf32>,
        tpu.vector_store %arg13[%swap3A_927, %swap3A_928], %add3A_926 {strides = array<i32>} : memref<72x128xf32, #tpu.memory_space<vmem>>, vector<16xf32>,
        %get3A_930 = arith.constant 48 : index
        %get3A_931 = tpu.vector_load %arg15[%get3A_930] {strides = array<i32>} : memref<128xf32, #tpu.memory_space<vmem>>, vector<16xf32>,
        %get3A_932 = arith.constant 48 : index
        %get3A_933 = tpu.vector_load %arg16[%get3A_932] {strides = array<i32>} : memref<128xf32, #tpu.memory_space<vmem>>, vector<16xf32>,
        %mul3A_934 = arith.mulf %sub3A_836, %mul3A_899 : vector<16xf32>
        %mul3A_935 = arith.mulf %mul3A_934, %get3A_931 : vector<16xf32>
        %add3A_936 = arith.addf %mul3A_935, %get3A_933 : vector<16xf32>
        %swap3A_937 = arith.index_cast %add3A_746 : i32 to index
        %swap3A_938 = arith.constant 48 : index
        %swap3A_939 = tpu.vector_load %arg13[%swap3A_937, %swap3A_938] {strides = array<i32>} : memref<72x128xf32, #tpu.memory_space<vmem>>, vector<16xf32>,
        tpu.vector_store %arg13[%swap3A_937, %swap3A_938], %add3A_936 {strides = array<i32>} : memref<72x128xf32, #tpu.memory_space<vmem>>, vector<16xf32>,
        %get3A_940 = arith.constant 64 : index
        %get3A_941 = tpu.vector_load %arg15[%get3A_940] {strides = array<i32>} : memref<128xf32, #tpu.memory_space<vmem>>, vector<16xf32>,
        %get3A_942 = arith.constant 64 : index
        %get3A_943 = tpu.vector_load %arg16[%get3A_942] {strides = array<i32>} : memref<128xf32, #tpu.memory_space<vmem>>, vector<16xf32>,
        %mul3A_944 = arith.mulf %sub3A_837, %mul3A_899 : vector<16xf32>
        %mul3A_945 = arith.mulf %mul3A_944, %get3A_941 : vector<16xf32>
        %add3A_946 = arith.addf %mul3A_945, %get3A_943 : vector<16xf32>
        %swap3A_947 = arith.index_cast %add3A_746 : i32 to index
        %swap3A_948 = arith.constant 64 : index
        %swap3A_949 = tpu.vector_load %arg13[%swap3A_947, %swap3A_948] {strides = array<i32>} : memref<72x128xf32, #tpu.memory_space<vmem>>, vector<16xf32>,
        tpu.vector_store %arg13[%swap3A_947, %swap3A_948], %add3A_946 {strides = array<i32>} : memref<72x128xf32, #tpu.memory_space<vmem>>, vector<16xf32>,
        %get3A_950 = arith.constant 80 : index
        %get3A_951 = tpu.vector_load %arg15[%get3A_950] {strides = array<i32>} : memref<128xf32, #tpu.memory_space<vmem>>, vector<16xf32>,
        %get3A_952 = arith.constant 80 : index
        %get3A_953 = tpu.vector_load %arg16[%get3A_952] {strides = array<i32>} : memref<128xf32, #tpu.memory_space<vmem>>, vector<16xf32>,
        %mul3A_954 = arith.mulf %sub3A_838, %mul3A_899 : vector<16xf32>
        %mul3A_955 = arith.mulf %mul3A_954, %get3A_951 : vector<16xf32>
        %add3A_956 = arith.addf %mul3A_955, %get3A_953 : vector<16xf32>
        %swap3A_957 = arith.index_cast %add3A_746 : i32 to index
        %swap3A_958 = arith.constant 80 : index
        %swap3A_959 = tpu.vector_load %arg13[%swap3A_957, %swap3A_958] {strides = array<i32>} : memref<72x128xf32, #tpu.memory_space<vmem>>, vector<16xf32>,
        tpu.vector_store %arg13[%swap3A_957, %swap3A_958], %add3A_956 {strides = array<i32>} : memref<72x128xf32, #tpu.memory_space<vmem>>, vector<16xf32>,
        %get3A_960 = arith.constant 96 : index
        %get3A_961 = tpu.vector_load %arg15[%get3A_960] {strides = array<i32>} : memref<128xf32, #tpu.memory_space<vmem>>, vector<16xf32>,
        %get3A_962 = arith.constant 96 : index
        %get3A_963 = tpu.vector_load %arg16[%get3A_962] {strides = array<i32>} : memref<128xf32, #tpu.memory_space<vmem>>, vector<16xf32>,
        %mul3A_964 = arith.mulf %sub3A_839, %mul3A_899 : vector<16xf32>
        %mul3A_965 = arith.mulf %mul3A_964, %get3A_961 : vector<16xf32>
        %add3A_966 = arith.addf %mul3A_965, %get3A_963 : vector<16xf32>
        %swap3A_967 = arith.index_cast %add3A_746 : i32 to index
        %swap3A_968 = arith.constant 96 : index
        %swap3A_969 = tpu.vector_load %arg13[%swap3A_967, %swap3A_968] {strides = array<i32>} : memref<72x128xf32, #tpu.memory_space<vmem>>, vector<16xf32>,
        tpu.vector_store %arg13[%swap3A_967, %swap3A_968], %add3A_966 {strides = array<i32>} : memref<72x128xf32, #tpu.memory_space<vmem>>, vector<16xf32>,
        %get3A_970 = arith.constant 112 : index
        %get3A_971 = tpu.vector_load %arg15[%get3A_970] {strides = array<i32>} : memref<128xf32, #tpu.memory_space<vmem>>, vector<16xf32>,
        %get3A_972 = arith.constant 112 : index
        %get3A_973 = tpu.vector_load %arg16[%get3A_972] {strides = array<i32>} : memref<128xf32, #tpu.memory_space<vmem>>, vector<16xf32>,
        %mul3A_974 = arith.mulf %sub3A_840, %mul3A_899 : vector<16xf32>
        %mul3A_975 = arith.mulf %mul3A_974, %get3A_971 : vector<16xf32>
        %add3A_976 = arith.addf %mul3A_975, %get3A_973 : vector<16xf32>
        %swap3A_977 = arith.index_cast %add3A_746 : i32 to index
        %swap3A_978 = arith.constant 112 : index
        %swap3A_979 = tpu.vector_load %arg13[%swap3A_977, %swap3A_978] {strides = array<i32>} : memref<72x128xf32, #tpu.memory_space<vmem>>, vector<16xf32>,
        tpu.vector_store %arg13[%swap3A_977, %swap3A_978], %add3A_976 {strides = array<i32>} : memref<72x128xf32, #tpu.memory_space<vmem>>, vector<16xf32>,
        %scan3A_980 = arith.constant 0 : i32
        scf.yield %scan3A_980 : i32
      }
      %scan3A_39 = arith.constant 18 : i32
      "tpu.region"() ({
        %run_scoped3A = tpu.sem_alloc : memref<!tpu.dma_semaphore, #tpu.memory_space<semaphore_mem>>
        %dma_start3A_43 = arith.constant 0 : i32
        %dma_start3A_44 = tpu.memref_slice %arg7[%mul3A_13, %dma_start3A_43] : memref<819200x128xf32, #tpu.memory_space<hbm>> -> memref<128x128xf32, #tpu.memory_space<hbm>>
        %dma_start3A_45 = arith.constant 0 : i32
        %dma_start3A_46 = tpu.memref_slice %arg7[%mul3A_13, %dma_start3A_45] : memref<819200x128xf32, #tpu.memory_space<hbm>> -> memref<128x128xf32, #tpu.memory_space<hbm>>
        tpu.enqueue_dma source(%arg12 : memref<128x128xf32, #tpu.memory_space<vmem>>) target(%dma_start3A_46 : memref<128x128xf32, #tpu.memory_space<hbm>>) target_semaphore(%run_scoped3A : memref<!tpu.dma_semaphore, #tpu.memory_space<semaphore_mem>>)
        %dma_wait3A_47 = arith.constant 0 : i32
        %dma_wait3A_48 = tpu.memref_slice %arg7[%mul3A_13, %dma_wait3A_47] : memref<819200x128xf32, #tpu.memory_space<hbm>> -> memref<128x128xf32, #tpu.memory_space<hbm>>
        %dma_wait3A_49 = arith.constant 0 : i32
        %dma_wait3A_50 = tpu.memref_slice %arg7[%mul3A_13, %dma_wait3A_49] : memref<819200x128xf32, #tpu.memory_space<hbm>> -> memref<128x128xf32, #tpu.memory_space<hbm>>
        tpu.wait_dma2 semaphore(%run_scoped3A : memref<!tpu.dma_semaphore, #tpu.memory_space<semaphore_mem>>) src(%arg12 : memref<128x128xf32, #tpu.memory_space<vmem>>) dst(%dma_wait3A_50 : memref<128x128xf32, #tpu.memory_space<hbm>>)
        tpu.yield
      }) : () -> ()
      %add3A_40 = arith.constant 128 : i32
      %add3A_41 = arith.addi %mul3A_13, %add3A_40 : i32
      "tpu.region"() ({
        %run_scoped3A = tpu.sem_alloc : memref<!tpu.dma_semaphore, #tpu.memory_space<semaphore_mem>>
        %dma_start3A_43 = arith.constant 0 : i32
        %dma_start3A_44 = tpu.memref_slice %arg7[%add3A_41, %dma_start3A_43] : memref<819200x128xf32, #tpu.memory_space<hbm>> -> memref<72x128xf32, #tpu.memory_space<hbm>>
        %dma_start3A_45 = arith.constant 0 : i32
        %dma_start3A_46 = tpu.memref_slice %arg7[%add3A_41, %dma_start3A_45] : memref<819200x128xf32, #tpu.memory_space<hbm>> -> memref<72x128xf32, #tpu.memory_space<hbm>>
        tpu.enqueue_dma source(%arg13 : memref<72x128xf32, #tpu.memory_space<vmem>>) target(%dma_start3A_46 : memref<72x128xf32, #tpu.memory_space<hbm>>) target_semaphore(%run_scoped3A : memref<!tpu.dma_semaphore, #tpu.memory_space<semaphore_mem>>)
        %dma_wait3A_47 = arith.constant 0 : i32
        %dma_wait3A_48 = tpu.memref_slice %arg7[%add3A_41, %dma_wait3A_47] : memref<819200x128xf32, #tpu.memory_space<hbm>> -> memref<72x128xf32, #tpu.memory_space<hbm>>
        %dma_wait3A_49 = arith.constant 0 : i32
        %dma_wait3A_50 = tpu.memref_slice %arg7[%add3A_41, %dma_wait3A_49] : memref<819200x128xf32, #tpu.memory_space<hbm>> -> memref<72x128xf32, #tpu.memory_space<hbm>>
        tpu.wait_dma2 semaphore(%run_scoped3A : memref<!tpu.dma_semaphore, #tpu.memory_space<semaphore_mem>>) src(%arg13 : memref<72x128xf32, #tpu.memory_space<vmem>>) dst(%dma_wait3A_50 : memref<72x128xf32, #tpu.memory_space<hbm>>)
        tpu.yield
      }) : () -> ()
      %scan3A_42 = arith.constant 0 : i32
      scf.yield %scan3A_42 : i32
    }
    %scan3A_6 = arith.constant 128 : i32
    return
  }
}

</mosaic_0001>

<sc_bundles>
// kernel: kernel.3.cloned.1.call-start
scs
__scs_entry_jumppad:
0x0: {  	(pc) =	sbr.rel $0x88, $3  }
0x1: {  	(tag) =	ssettag $0x0;
	lr =	simm.s32 $0x1  }
0x2: {  	[smem:$0x3F9B] =	sst lr;
	_ =	strace $0xD0000000  }
0x3: {  	_ = 	snop  }
0x4: {  	_ = 	snop  }
0x5: {  	_ = 	snop  }
0x6: {  	_ = 	snop  }
0x7: {  	_ = 	snop  }
__scs_overlays_trampoline_lowered:
0x8: {  	[smem:$0x3FAA] =	sst s0  }
0x9: {  	[smem:$0x3FAB] =	sst s1  }
0xa: {  	[smem:$0x3FAC] =	sst s2  }
0xb: {  	[smem:$0x3FAD] =	sst s3  }
0xc: {  	[smem:$0x3FAE] =	sst s4  }
0xd: {  	[smem:$0x3FAF] =	sst s5  }
0xe: {  	[smem:$0x3FB0] =	sst s6  }
0xf: {  	[smem:$0x3FB1] =	sst s7  }
0x10: {  	[smem:$0x3FB2] =	sst s8  }
0x11: {  	[smem:$0x3FB3] =	sst s9;
	s0 =	simm.s32 @!p0 $0x0  }
0x12: {  	s1 =	sld [smem:$0x3F99];
	s0 =	simm.s32 @p0 $0x1  }
0x13: {  	[smem:$0x3FB4] =	sst s0;
	s0 =	simm.s32 @!p1 $0x0  }
0x14: {  	s2 =	sld [smem:$0x3F98];
	s0 =	simm.s32 @p1 $0x1  }
0x15: {  	[smem:$0x3FB5] =	sst s0;
	s0 =	simm.s32 @!p2 $0x0  }
0x16: {  	s3 =	sld [smem:$0x3FDB];
	s0 =	simm.s32 @p2 $0x1  }
0x17: {  	s4 =	simm.s32 $0x1BF5;
	[smem:$0x3FB7] =	sst s0  }
0x18: {  	s0 =	sld [smem:$0x3F9A];
	_ =	swait.ge [sflag:s4], $0x0  }
0x19: {  	s7 =	sld [smem:$0x3F9B]  }
0x1a: {  	s8 =	sadd.s32 $0xFFFFE003, lr  }
0x1b: {  	s9 =	sadd.s32 $0xFFFFFEF7, lr;
	s5 =	simm.s32 $0xFFFFFFFF;
	p2 =	slt.u32 s8, $0xFFFFF086  }
0x1c: {  	p1 =	slt.u32 s9, $0xF7A;
	s5 =	simm.s32 @!p2 $0x0  }
0x1d: {  	s5 =	simm.s32 @p1 $0x1;
	p0 =	seq.s32 s7, s2  }
0x1e: {  	s7 =	smul.u32 @!p0 $0xF7A, s2;
	p2 =	seq.s32 @!p0 s5, $0x0  }
0x1f: {  	s9 =	smul.u32 $0xF7A, s1;
	s8 =	simm.s32 @!p0 $0x1BF5;
	p2 =	por !p2, p0  }
0x20: {  	[sflag:s8] =	ssyncset.s32 @!p0 $0xFFFFF086;
	s6 =	sadd.s32 @!p0 s3, s7;
	s7 =	simm.s32 @!p0 $0x108  }
0x21: {  	s3 =	sadd.s32 s3, s9;
	s6 =	sadd.s32 @!p0 $0x88, s6;
	s7 =	simm.s32 @p2 $0x1082  }
0x22: {  	[simem:s7], [sflag:s8] =	dma.local @!p0 [hbm:s6], $0xF7A  }
0x23: {  	s9 =	sor.u32 $0xD0000000, s2;
	s6 =	simm.s32 $0x108;
	_ =	swait.ge @!p0 [sflag:s8], $0x0  }
0x24: {  	s3 =	sadd.s32 $0x88, s3;
	s6 =	simm.s32 @!p1 $0x1082;
	[sflag:s4] =	ssyncset.s32 $0xFFFFF086  }
0x25: {  	[simem:s6], [sflag:s4] =	dma.local [hbm:s3], $0xF7A  }
0x26: {  	[smem:$0x3F9B] =	sst s1;
	(tag) =	ssettag s2;
	_ =	strace s9  }
0x27: {  	s1 =	sld [smem:$0x3FAB]  }
0x28: {  	s2 =	sld [smem:$0x3FAC]  }
0x29: {  	s4 =	sld [smem:$0x3FAE]  }
0x2a: {  	p0 =	seq.s32 s5, $0x0;
	s5 =	sld [smem:$0x3FAF]  }
0x2b: {  	s6 =	sld [smem:$0x3FB0]  }
0x2c: {  	s7 =	sld [smem:$0x3FB1]  }
0x2d: {  	s3 =	simm.s32 $0x108;
	s8 =	sld [smem:$0x3FB2]  }
0x2e: {  	s3 =	simm.s32 @!p0 $0x1082;
	s9 =	sld [smem:$0x3FB3]  }
0x2f: {  	lr =	sadd.s32 s0, s3;
	s0 =	sld [smem:$0x3FAA]  }
0x30: {  	s3 =	sld [smem:$0x3FAD]  }
0x31: {  	[smem:$0x3FB6] =	sst s10  }
0x32: {  	s10 =	sld [smem:$0x3FB4];
	_ =	sdelay $0x3  }
0x33: {  	p0 =	seq.s32 s10, $0x1;
	s10 =	sld [smem:$0x3FB6];
	_ =	sdelay $0x3  }
0x34: {  	[smem:$0x3FB6] =	sst s10  }
0x35: {  	s10 =	sld [smem:$0x3FB5];
	_ =	sdelay $0x3  }
0x36: {  	p1 =	seq.s32 s10, $0x1;
	s10 =	sld [smem:$0x3FB6];
	_ =	sdelay $0x3  }
0x37: {  	[smem:$0x3FB6] =	sst s10  }
0x38: {  	s10 =	sld [smem:$0x3FB7]  }
0x39: {  	_ = 	snop;
	(pc) =	sbr.ind lr, $3  }
0x3a: {  	_ = 	snop  }
0x3b: {  	_ = 	snop  }
0x3c: {  	p2 =	seq.s32 s10, $0x1;
	s10 =	sld [smem:$0x3FB6]  }
0x3d: {  	_ =	shalt  }
0x3e: {  	_ =	shalt  }
0x3f: {  	_ =	shalt  }
0x40: {  	_ =	shalt  }
0x41: {  	_ =	shalt  }
0x42: {  	_ =	shalt  }
0x43: {  	_ =	shalt  }
0x44: {  	_ =	shalt  }
0x45: {  	_ =	shalt  }
0x46: {  	_ =	shalt  }
0x47: {  	_ =	shalt  }
0x48: {  	_ =	shalt  }
0x49: {  	_ =	shalt  }
0x4a: {  	_ =	shalt  }
0x4b: {  	_ =	shalt  }
0x4c: {  	_ =	shalt  }
0x4d: {  	_ =	shalt  }
0x4e: {  	_ =	shalt  }
0x4f: {  	_ =	shalt  }
0x50: {  	_ =	shalt  }
0x51: {  	_ =	shalt  }
0x52: {  	_ =	shalt  }
0x53: {  	_ =	shalt  }
0x54: {  	_ =	shalt  }
0x55: {  	_ =	shalt  }
0x56: {  	_ =	shalt  }
0x57: {  	_ =	shalt  }
0x58: {  	_ =	shalt  }
0x59: {  	_ =	shalt  }
0x5a: {  	_ =	shalt  }
0x5b: {  	_ =	shalt  }
0x5c: {  	_ =	shalt  }
0x5d: {  	_ =	shalt  }
0x5e: {  	_ =	shalt  }
0x5f: {  	_ =	shalt  }
0x60: {  	_ =	shalt  }
0x61: {  	_ =	shalt  }
0x62: {  	_ =	shalt  }
0x63: {  	_ =	shalt  }
0x64: {  	_ =	shalt  }
0x65: {  	_ =	shalt  }
0x66: {  	_ =	shalt  }
0x67: {  	_ =	shalt  }
0x68: {  	_ =	shalt  }
0x69: {  	_ =	shalt  }
0x6a: {  	_ =	shalt  }
0x6b: {  	_ =	shalt  }
0x6c: {  	_ =	shalt  }
0x6d: {  	_ =	shalt  }
0x6e: {  	_ =	shalt  }
0x6f: {  	_ =	shalt  }
0x70: {  	_ =	shalt  }
0x71: {  	_ =	shalt  }
0x72: {  	_ =	shalt  }
0x73: {  	_ =	shalt  }
0x74: {  	_ =	shalt  }
0x75: {  	_ =	shalt  }
0x76: {  	_ =	shalt  }
0x77: {  	_ =	shalt  }
0x78: {  	_ =	shalt  }
0x79: {  	_ =	shalt  }
0x7a: {  	_ =	shalt  }
0x7b: {  	_ =	shalt  }
0x7c: {  	_ =	shalt  }
0x7d: {  	_ =	shalt  }
0x7e: {  	_ =	shalt  }
0x7f: {  	_ =	shalt  }
0x80: {  	_ =	shalt  }
0x81: {  	_ =	shalt  }
0x82: {  	_ =	shalt  }
0x83: {  	_ =	shalt  }
0x84: {  	_ =	shalt  }
0x85: {  	_ =	shalt  }
0x86: {  	_ =	shalt  }
0x87: {  	_ =	shalt  }
.Lfunc_end0:
.L_simem_size_0:
called_computation_lowered:
.L_overlay_start_0:
0x88: {  	s2 =	sld [smem:$0x3FD9]  }
0x89: {  	s3 =	sld [smem:$0x3FFE];
	_ =	sdelay $0x1  }
0x8a: {  	s1 =	srdreg.scid  }
0x8b: {  	s0 =	sand.u32 $0x1, s1  }
0x8c: {  	s17 =	sshll.u32 s0, $0xA;
	s2 =	sadd.s32 s3, s2  }
0x8d: {  	s2 =	sadd.s32 s2, s17  }
0x8e: {  	[smem:$0x3FC2] =	sst s2  }
0x8f: {  	_ = 	snop  }
0x90: {  	s2 =	sld [smem:$0x3FC8]  }
0x91: {  	s18 =	sld [smem:$0x3FC5]  }
0x92: {  	s4 =	sld [smem:$0x3FC4]  }
0x93: {  	s5 =	sld [smem:$0x3FD0];
	(tm) =	ssettm $0x1  }
0x94: {  	s6 =	sld [smem:$0x3FFB];
	_ =	sdelay $0x3  }
0x95: {  	_ =	strace s6  }
0x96: {  	s6 =	sld [smem:$0x3FFC];
	_ =	sdelay $0x3  }
0x97: {  	_ =	strace s6  }
0x98: {  	s6 =	sld [smem:$0x3FFD];
	_ =	sdelay $0x3  }
0x99: {  	_ =	strace s6  }
0x9a: {  	_ =	strace $0x8FFFFFFF  }
0x9b: {  	s19 =	sld [smem:$0x3FDB];
	_ =	sdelay $0x1  }
0x9c: {  	s7 =	simm.s32 $_scs_section_size  }
0x9d: {  	s8 =	simm.s32 $_size__tile_overlayer_lowered;
	s9 =	simm.s32 $_tile_overlayer_lowered  }
0x9e: {  	s22 =	simm.s32 $0x1BFF;
	s21 =	sshll.u32 s9, $0x1;
	s6 =	sadd.s32 s7, s19  }
0x9f: {  	s10 =	simm.s32 $0x0;
	s20 =	sshll.u32 s8, $0x1;
	s8 =	sadd.s32 s21, s6  }
0xa0: {  	[timem:s10], [sflag:s22] =	dma.local [hbm:s8], s20  }
0xa1: {  	_ =	swait.ge [sflag:s22], s20  }
0xa2: {  	s7 =	ssub.s32 $0x0, s20;
	[sflag:s22] =	ssyncset.done $0x0  }
0xa3: {  	[sflag:s22] =	ssyncadd.s32 s7;
	_ =	sdelay $0x1  }
0xa4: {  	s23 =	simm.s32 $0x1B8B  }
0xa5: {  	_ =	swait.ge [sflag:s23], $0x1  }
0xa6: {  	[sflag:s23] =	ssyncset.done $0x0  }
0xa7: {  	s25 =	simm.s32 $0x1B8E;
	s24 =	sld [smem:$0x3FFE];
	[sflag:s23] =	ssyncadd.s32 $0xFFFFFFFF  }
0xa8: {  	s26 =	simm.s32 $execute0_lowered;
	[smem:$0x3FD2] =	sst s25  }
0xa9: {  	s8 =	sshll.u32 s26, $0x1;
	_ =	strace $0x80000046;
	[dreg:$0x1] =	wrdreg $0xFFFFFFFF  }
0xaa: {  	s28 =	simm.s32 $_size_execute0_lowered;
	s6 =	sadd.s32 s6, s8;
	[dreg:$0x0] =	wrdreg $0x0  }
0xab: {  	s8 =	sshll.u32 s28, $0x1;
	[dreg:$0x2] =	wrdreg s6  }
0xac: {  	[dreg:$0x3] =	wrdreg s8  }
0xad: {  	[dreg:$0x4] =	wrdreg $0xC0  }
0xae: {  	_ =	task [dreg:s10], $0x5FFFF  }
0xaf: {  	[dreg:$0x1] =	wrdreg $0xFFFFFFFF  }
0xb0: {  	[dreg:$0x0] =	wrdreg $0x60  }
0xb1: {  	[dreg:$0x2] =	wrdreg s24  }
0xb2: {  	[dreg:$0x3] =	wrdreg s2  }
0xb3: {  	[dreg:$0x4] =	wrdreg s18  }
0xb4: {  	[dreg:$0x5] =	wrdreg s4  }
0xb5: {  	[dreg:$0x6] =	wrdreg s5  }
0xb6: {  	[dreg:$0x7] =	wrdreg $0x9  }
0xb7: {  	_ =	task.clear_ibuf [dreg:s10], $0x8FFFF;
	_ =	strace $0x90000046  }
0xb8: {  	s29 =	simm.s32 $0x9;
	_ =	strace $0x80000048  }
0xb9: {  	_ =	swait.ge [sflag:s29], $0x1  }
0xba: {  	[sflag:s29] =	ssyncadd.s32 $0xFFFFFFFF  }
0xbb: {  	_ =	strace $0x90000048  }
0xbc: {  	_ =	sfence  }
0xbd: {  	s30 =	sld [smem:$0x0];
	_ =	sdelay $0x2  }
0xbe: {  	s31 =	sshll.u32 s1, $0xD;
	s1 =	sshrl.u32 s1, $0x2  }
0xbf: {  	s3 =	sand.u32 $0x4000, s31;
	s1 =	sadd.s32 s1, s30  }
0xc0: {  	s0 =	sor.u32 s3, s0;
	s1 =	sshll.u32 s1, $0x11  }
0xc1: {  	s0 =	sor.u32 s1, s0  }
0xc2: {  	s0 =	sadd.s32 $0x8F2B, s0  }
0xc3: {  	[sflag:s0] =	ssyncadd.remote.s32 $0x1  }
0xc4: {  	_ =	sfence.sel $0xFFFF  }
0xc5: {  	[dreg:$0x0] =	wrdreg $0xFFFFFFFF;
	(pc) =	sbr.abs _section_cstart, $3  }
0xc6: {  	[dreg:$0x1] =	wrdreg $0xFFFFFFFF  }
0xc7: {  	_ =	task.clear_ibuf [dreg:s10], $0x2FFFF;
	_ =	strace $0x9FFFFFFF  }
0xc8: {  	(tm) =	ssettm $0x7FFFFFFF  }
0xc9: {  	_ =	shalt  }
tec
execute0_lowered:
.L_overlay_start_1:
0x0: {  	(tag) =	ssettag $0x1  }
0x1: {  	s8 =	rddreg [dreg:$0x0]  }
0x2: {  	s1 =	rddreg [dreg:$0x1]  }
0x3: {  	s2 =	rddreg [dreg:$0x2]  }
0x4: {  	s3 =	rddreg [dreg:$0x3]  }
0x5: {  	s4 =	rddreg [dreg:$0x4]  }
0x6: {  	s0 =	rddreg [dreg:$0x5]  }
0x7: {  	s5 =	simm.s32 $0x0;
	s6 =	srdreg.scid;
	s12 =	simm.s32 $0x2  }
0x8: {  	s13 =	simm.s32 $0x12D00;
	s14 =	simm.s32 $0x12D80;
	s15 =	simm.s32 $0x80  }
0x9: {  	s16 =	simm.s32 $0x100;
	s17 =	simm.s32 $0x48;
	s18 =	simm.s32 $0x4100  }
0xa: {  	s19 =	simm.s32 $0x1;
	s20 =	simm.s32 $0x6500;
	s21 =	simm.s32 $0xA500  }
0xb: {  	s22 =	simm.s32 $0x0;
	[smem:$0x7FF] =	sst s5;
	s9 =	sand.u32 $0x1, s6  }
0xc: {  	s7 =	sadd.s32 $0x400, s8;
	s6 =	stileid.u32;
	s10 =	ssub.s32 $0x2, s9  }
0xd: {  	s8 =	sadd.s32 $0x19400, s8;
	_ =	strace $0x80000047;
	s11 =	sshrl.u32 s10, $0x1  }
0xe: {  	s31 =	sshll.u32 s6, $0x8;
	s9 =	sshll.u32 s9, $0x7;
	s10 =	ssub.s32 s10, s11  }
0xf: {  	s9 =	sor.u32 s9, s31;
	s11 =	simm.s32 $0xC900;
	s10 =	smax.u32 s10, $0x1  }
.LBB2_1:
0x10: {  	[tilespmem:s11], [sflag:$0x2] =	stream.linear.gather [hbm4b:s8+s5], $0x6400, $0x38;
	[tilespmem:$0x12E00] =	vst v63  }
0x11: {  	_ =	swait.ge [sflag:s12], $0x6400  }
0x12: {  	[sflag:s12] =	ssyncset.done $0x0  }
0x13: {  	[sflag:s12] =	ssyncadd.s32 $0xFFFF9C00  }
0x14: {  	[tilespmem:s13], [sflag:$0x2] =	stream.linear.gather [hbm4b:s2+s5], $0x80, $0x38;
	[tilespmem:$0x12E00] =	vst v63  }
0x15: {  	_ =	swait.ge [sflag:s12], $0x80  }
0x16: {  	[sflag:s12] =	ssyncset.done $0x0  }
0x17: {  	[sflag:s12] =	ssyncadd.s32 $0xFFFFFF80  }
0x18: {  	[tilespmem:s14], [sflag:$0x2] =	stream.linear.gather [hbm4b:s3+s5], $0x80, $0x38;
	[tilespmem:$0x12E00] =	vst v63  }
0x19: {  	_ =	swait.ge [sflag:s12], $0x80  }
0x1a: {  	[sflag:s12] =	ssyncset.done $0x0  }
0x1b: {  	s23 =	simm.s32 $0x0;
	[sflag:s12] =	ssyncadd.s32 $0xFFFFFF80  }
.LBB2_2:
0x1c: {  	s24 =	sadd.s32 s9, s23  }
0x1d: {  	s25 =	smul.u32 $0xC8, s24;
	_ =	sdelay $0x1  }
0x1e: {  	s26 =	sshrl.u32 s25, $0x3  }
0x1f: {  	s28 =	sadd.s32 s7, s26;
	s26 =	simm.s32 $0x0  }
0x20: {  	[tilespmem:s26], [sflag:$0x2] =	stream.linear.gather [hbm4b:s28+s26], $0x80, $0x38;
	[tilespmem:$0x12E00] =	vst v63  }
0x21: {  	s25 =	sadd.s32 $0x80, s25;
	_ =	swait.ge [sflag:s12], $0x80  }
0x22: {  	s28 =	sshrl.u32 s25, $0x3;
	[sflag:s12] =	ssyncset.done $0x0  }
0x23: {  	s28 =	sadd.s32 s7, s28;
	[sflag:s12] =	ssyncadd.s32 $0xFFFFFF80  }
0x24: {  	[tilespmem:s15], [sflag:$0x2] =	stream.linear.gather [hbm4b:s28+s26], $0x48, $0x38;
	[tilespmem:$0x12E00] =	vst v63  }
0x25: {  	_ =	swait.ge [sflag:s12], $0x48  }
0x26: {  	[sflag:s12] =	ssyncset.done $0x0  }
0x27: {  	[sflag:s12] =	ssyncadd.s32 $0xFFFFFFB8  }
0x28: {  	[tilespmem:s16], [sflag:$0x1] =	stream.indirect.gather [hbm4b:s1+s15], $0x80, s26, s15, $0xb8;
	[tilespmem:$0x12E00] =	vst v63  }
0x29: {  	_ = 	snop  }
0x2a: {  	[tilespmem:s18], [sflag:$0x1] =	stream.indirect.gather [hbm4b:s1+s17], $0x80, s15, s17, $0xb8;
	[tilespmem:$0x12E00] =	vst v63  }
0x2b: {  	_ =	swait.ge [sflag:s19], $0x4000  }
0x2c: {  	[sflag:s19] =	ssyncset.done $0x0  }
0x2d: {  	[sflag:s19] =	ssyncadd.s32 $0xFFFFC000  }
0x2e: {  	_ =	swait.ge [sflag:s19], $0x2400  }
0x2f: {  	[sflag:s19] =	ssyncset.done $0x0  }
0x30: {  	s28 =	simm.s32 $0x0;
	[sflag:s19] =	ssyncadd.s32 $0xFFFFDC00  }
.LBB2_3:
0x31: {  	s29 =	sshra.s32 s28, $0x2  }
0x32: {  	v0 =	vld [tilespmem:s29+$0x100]  }
0x33: {  	v1 =	vld [tilespmem:s29+$0xC900]  }
0x34: {  	v2 =	vld [tilespmem:s29+$0x110]  }
0x35: {  	v3 =	vld [tilespmem:s29+$0xC910]  }
0x36: {  	v4 =	vld [tilespmem:s29+$0x120]  }
0x37: {  	v5 =	vld [tilespmem:s29+$0xC920]  }
0x38: {  	v6 =	vld [tilespmem:s29+$0x130]  }
0x39: {  	v7 =	vld [tilespmem:s29+$0xC930]  }
0x3a: {  	v8 =	vld [tilespmem:s29+$0x140]  }
0x3b: {  	v9 =	vld [tilespmem:s29+$0xC940]  }
0x3c: {  	v10 =	vld [tilespmem:s29+$0x150]  }
0x3d: {  	v11 =	vld [tilespmem:s29+$0xC950]  }
0x3e: {  	v12 =	vld [tilespmem:s29+$0x160]  }
0x3f: {  	v13 =	vld [tilespmem:s29+$0xC960]  }
0x40: {  	v14 =	vld [tilespmem:s29+$0x170]  }
0x41: {  	v15 =	vld [tilespmem:s29+$0xC970];
	_ =	sdelay $0x1  }
0x42: {  	v0 =	vadd.f32 v1, v0;
	v27 =	vadd.f32 v3, v2  }
0x43: {  	v28 =	vadd.f32 v5, v4;
	v29 =	vadd.f32 v7, v6  }
0x44: {  	v30 =	vadd.f32 v9, v8;
	v31 =	vadd.f32 v11, v10  }
0x45: {  	v32 =	vadd.f32 v13, v12;
	v33 =	vadd.f32 v15, v14  }
0x46: {  	v34 =	vadd.f32 v27, v0;
	v35 =	vadd.f32 v29, v28  }
0x47: {  	v10 =	vadd.f32 v31, v30;
	v36 =	vadd.f32 v33, v32;
	_ =	sdelay $0x1  }
0x48: {  	v8 =	vadd.f32 v35, v34;
	v37 =	vadd.f32 v36, v10;
	_ =	sdelay $0x1  }
0x49: {  	v8 =	vadd.f32 v37, v8;
	_ =	sdelay $0x1  }
0x4a: {  	(xrf2) =	vadd.scan.msk.f32 $0xffff, v8;
	_ =	sdelay $0x9  }
0x4b: {  	v8, _, _ =	vpop (xrf2)  }
0x4c: {  	(v2sf) =	vpush v8, $0xF;
	_ =	sdelay $0xe  }
0x4d: {  	s30 =	spop (v2sf)  }
0x4e: {  	s30 =	smul.f32 $7.812500000e-03, s30;
	_ =	sdelay $0x1  }
0x4f: {  	v38 =	vmov s30  }
0x50: {  	v0 =	vsub.f32 v0, v38;
	v1 =	vsub.f32 v27, v38  }
0x51: {  	v9 =	vsub.f32 v28, v38;
	v10 =	vsub.f32 v29, v38  }
0x52: {  	v11 =	vsub.f32 v30, v38;
	v5 =	vsub.f32 v31, v38  }
0x53: {  	v4 =	vsub.f32 v32, v38;
	v39 =	vmul.f32 v0, v0;
	v40 =	vmul.f32 v1, v1  }
0x54: {  	v2 =	vsub.f32 v33, v38;
	v41 =	vmul.f32 v9, v9;
	v42 =	vmul.f32 v10, v10  }
0x55: {  	v43 =	vmul.f32 v11, v11;
	v44 =	vmul.f32 v5, v5  }
0x56: {  	v45 =	vmul.f32 v4, v4;
	v46 =	vmul.f32 v2, v2  }
0x57: {  	v3 =	vadd.f32 v40, v39;
	v47 =	vadd.f32 v42, v41  }
0x58: {  	v48 =	vadd.f32 v44, v43;
	v49 =	vadd.f32 v46, v45;
	_ =	sdelay $0x1  }
0x59: {  	v3 =	vadd.f32 v47, v3;
	v50 =	vadd.f32 v49, v48;
	_ =	sdelay $0x1  }
0x5a: {  	v3 =	vadd.f32 v50, v3;
	_ =	sdelay $0x1  }
0x5b: {  	(xrf2) =	vadd.scan.msk.f32 $0xffff, v3;
	_ =	sdelay $0x9  }
0x5c: {  	v3, _, _ =	vpop (xrf2)  }
0x5d: {  	(v2sf) =	vpush v3, $0xF;
	_ =	sdelay $0x5  }
0x5e: {  	v51 =	vld [tilespmem:s29+$0x180]  }
0x5f: {  	v52 =	vld [tilespmem:s29+$0xC980]  }
0x60: {  	v53 =	vld [tilespmem:s29+$0x190]  }
0x61: {  	v54 =	vld [tilespmem:s29+$0xC990]  }
0x62: {  	v55 =	vld [tilespmem:s29+$0x1A0]  }
0x63: {  	v56 =	vld [tilespmem:s29+$0xC9A0]  }
0x64: {  	v57 =	vld [tilespmem:s29+$0x1B0]  }
0x65: {  	v58 =	vld [tilespmem:s29+$0xC9B0]  }
0x66: {  	v16 =	vld [tilespmem:s29+$0x1C0]  }
0x67: {  	v18 =	vld [tilespmem:s29+$0xC9C0];
	s31 =	spop (v2sf)  }
0x68: {  	v20 =	vld [tilespmem:s29+$0x1D0];
	s30 =	smul.f32 $7.812500000e-03, s31  }
0x69: {  	v21 =	vld [tilespmem:s29+$0xC9D0]  }
0x6a: {  	v23 =	vld [tilespmem:s29+$0x1E0];
	s30 =	sadd.f32 $9.999999960e-13, s30  }
0x6b: {  	v24 =	vld [tilespmem:s29+$0xC9E0]  }
0x6c: {  	v25 =	vld [tilespmem:s29+$0x1F0];
	v17 =	vmov s30  }
0x6d: {  	v26 =	vld [tilespmem:s29+$0xC9F0];
	v19 =	vshra.s32 v17, $0x1;
	v17 =	vmul.f32 $5.000000000e-01, v17  }
0x6e: {  	v59 =	vadd.f32 v54, v53;
	v19 =	vsub.s32 $0x5F3759DF, v19  }
0x6f: {  	v62 =	vadd.f32 v18, v16;
	v63 =	vadd.f32 v21, v20;
	v22 =	vmul.f32 v19, v17  }
0x70: {  	v60 =	vadd.f32 v56, v55;
	v61 =	vadd.f32 v58, v57  }
0x71: {  	v21 =	vadd.f32 v63, v62;
	v28 =	vadd.f32 v24, v23;
	v22 =	vmul.f32 v19, v22  }
0x72: {  	v29 =	vadd.f32 v26, v25;
	v3 =	vadd.f32 v52, v51  }
0x73: {  	v31 =	vadd.f32 v61, v60;
	v22 =	vsub.f32 $1.500000000e+00, v22  }
0x74: {  	v33 =	vadd.f32 v29, v28;
	v30 =	vadd.f32 v59, v3  }
0x75: {  	v27 =	vmul.f32 v19, v22  }
0x76: {  	v34 =	vadd.f32 v33, v21;
	v18 =	vadd.f32 v31, v30  }
0x77: {  	v32 =	vmul.f32 v27, v17  }
0x78: {  	v18 =	vadd.f32 v34, v18  }
0x79: {  	v20 =	vmul.f32 v32, v27  }
0x7a: {  	(xrf2) =	vadd.scan.msk.f32 $0xffff, v18  }
0x7b: {  	v20 =	vsub.f32 $1.500000000e+00, v20;
	_ =	sdelay $0x1  }
0x7c: {  	v14 =	vmul.f32 v20, v27;
	_ =	sdelay $0x1  }
0x7d: {  	v17 =	vmul.f32 v14, v17;
	_ =	sdelay $0x1  }
0x7e: {  	v17 =	vmul.f32 v17, v14;
	_ =	sdelay $0x1  }
0x7f: {  	v17 =	vsub.f32 $1.500000000e+00, v17  }
0x80: {  	v35 =	vld [tilespmem:$0x12D00];
	v37, _, _ =	vpop (xrf2)  }
0x81: {  	(v2sf) =	vpush v37, $0xF;
	v14 =	vmul.f32 v17, v14  }
0x82: {  	v36 =	vld [tilespmem:$0x12D80]  }
0x83: {  	v0 =	vmul.f32 v14, v0;
	_ =	sdelay $0x1  }
0x84: {  	v0 =	vmul.f32 v0, v35;
	_ =	sdelay $0x1  }
0x85: {  	v0 =	vadd.f32 v0, v36;
	_ =	sdelay $0x1  }
0x86: {  	[tilespmem:s29+$0x6500] =	vst v0  }
0x87: {  	v0 =	vld [tilespmem:$0x12D10];
	_ =	sdelay $0x1  }
0x88: {  	v38 =	vld [tilespmem:$0x12D90]  }
0x89: {  	v1 =	vmul.f32 v14, v1;
	_ =	sdelay $0x1  }
0x8a: {  	v0 =	vmul.f32 v1, v0  }
0x8b: {  	s31 =	spop (v2sf)  }
0x8c: {  	s30 =	smul.f32 $7.812500000e-03, s31;
	v0 =	vadd.f32 v0, v38;
	_ =	sdelay $0x1  }
0x8d: {  	v39 =	vmov s30;
	[tilespmem:s29+$0x6510] =	vst v0  }
0x8e: {  	v18 =	vsub.f32 v59, v39;
	v20 =	vsub.f32 v60, v39;
	v0 =	vld [tilespmem:$0x12D20]  }
0x8f: {  	v7 =	vsub.f32 v61, v39  }
0x90: {  	v6 =	vsub.f32 v62, v39;
	v44 =	vmul.f32 v18, v18;
	v45 =	vmul.f32 v20, v20  }
0x91: {  	v46 =	vmul.f32 v7, v7;
	v40 =	vmul.f32 v14, v9  }
0x92: {  	v47 =	vmul.f32 v6, v6;
	v9 =	vsub.f32 v3, v39;
	v3 =	vsub.f32 v63, v39  }
0x93: {  	v1 =	vsub.f32 v28, v39;
	v42 =	vmul.f32 v40, v0;
	v0 =	vsub.f32 v29, v39  }
0x94: {  	v43 =	vmul.f32 v9, v9;
	v48 =	vmul.f32 v3, v3;
	v41 =	vld [tilespmem:$0x12DA0]  }
0x95: {  	v49 =	vmul.f32 v1, v1;
	v50 =	vmul.f32 v0, v0  }
0x96: {  	v51 =	vadd.f32 v46, v45;
	v12 =	vadd.f32 v44, v43  }
0x97: {  	v52 =	vadd.f32 v48, v47;
	v53 =	vadd.f32 v50, v49  }
0x98: {  	v54 =	vadd.f32 v51, v12  }
0x99: {  	v8 =	vadd.f32 v42, v41;
	v55 =	vadd.f32 v53, v52;
	_ =	sdelay $0x1  }
0x9a: {  	[tilespmem:s29+$0x6520] =	vst v8;
	v8 =	vadd.f32 v55, v54;
	_ =	sdelay $0x1  }
0x9b: {  	(xrf2) =	vadd.scan.msk.f32 $0xffff, v8;
	_ =	sdelay $0x4  }
0x9c: {  	v56 =	vld [tilespmem:$0x12D30];
	_ =	sdelay $0x1  }
0x9d: {  	v57 =	vld [tilespmem:$0x12DB0]  }
0x9e: {  	v10 =	vmul.f32 v14, v10;
	_ =	sdelay $0x1  }
0x9f: {  	v58 =	vmul.f32 v10, v56;
	v60, _, _ =	vpop (xrf2)  }
0xa0: {  	(v2sf) =	vpush v60, $0xF  }
0xa1: {  	v8 =	vadd.f32 v58, v57;
	_ =	sdelay $0x1  }
0xa2: {  	[tilespmem:s29+$0x6530] =	vst v8  }
0xa3: {  	v8 =	vld [tilespmem:$0x12D40];
	_ =	sdelay $0x1  }
0xa4: {  	v59 =	vld [tilespmem:$0x12DC0]  }
0xa5: {  	v33 =	vld [tilespmem:s29+$0xCA00];
	v11 =	vmul.f32 v14, v11  }
0xa6: {  	v30 =	vld [tilespmem:s29+$0xCA70]  }
0xa7: {  	v37 =	vld [tilespmem:s29+$0xCA10];
	v8 =	vmul.f32 v11, v8  }
0xa8: {  	v27 =	vld [tilespmem:s29+$0x260]  }
0xa9: {  	v45 =	vld [tilespmem:s29+$0x250];
	v8 =	vadd.f32 v8, v59  }
0xaa: {  	v46 =	vld [tilespmem:s29+$0xCA50]  }
0xab: {  	v63 =	vld [tilespmem:s29+$0x200];
	[tilespmem:s29+$0x6540] =	vst v8  }
0xac: {  	v8 =	vld [tilespmem:$0x12D50]  }
0xad: {  	v35 =	vld [tilespmem:s29+$0x210];
	s31 =	spop (v2sf)  }
0xae: {  	v61 =	vld [tilespmem:$0x12DD0];
	s30 =	smul.f32 $7.812500000e-03, s31  }
0xaf: {  	v5 =	vmul.f32 v14, v5;
	v43 =	vld [tilespmem:s29+$0x240]  }
0xb0: {  	v44 =	vld [tilespmem:s29+$0xCA40];
	s30 =	sadd.f32 $9.999999960e-13, s30  }
0xb1: {  	v38 =	vld [tilespmem:s29+$0x220];
	v5 =	vmul.f32 v5, v8  }
0xb2: {  	v40 =	vld [tilespmem:s29+$0xCA20];
	v34 =	vmov s30  }
0xb3: {  	v41 =	vld [tilespmem:s29+$0x230];
	v5 =	vadd.f32 v5, v61;
	v36 =	vshra.s32 v34, $0x1;
	v12 =	vmul.f32 $5.000000000e-01, v34  }
0xb4: {  	v42 =	vld [tilespmem:s29+$0xCA30];
	v15 =	vsub.s32 $0x5F3759DF, v36  }
0xb5: {  	v47 =	vld [tilespmem:s29+$0x270];
	[tilespmem:s29+$0x6550] =	vst v5;
	v39 =	vmul.f32 v15, v12  }
0xb6: {  	v5 =	vld [tilespmem:$0x12D60]  }
0xb7: {  	v48 =	vadd.f32 v33, v63;
	v29 =	vld [tilespmem:s29+$0xCA60];
	v19 =	vmul.f32 v15, v39  }
0xb8: {  	v50 =	vadd.f32 v37, v35;
	v51 =	vadd.f32 v40, v38;
	v62 =	vld [tilespmem:$0x12DE0]  }
0xb9: {  	v4 =	vmul.f32 v14, v4;
	v52 =	vadd.f32 v42, v41;
	v19 =	vsub.f32 $1.500000000e+00, v19  }
0xba: {  	v53 =	vadd.f32 v44, v43;
	v54 =	vadd.f32 v46, v45  }
0xbb: {  	v23 =	vadd.f32 v52, v51;
	v4 =	vmul.f32 v4, v5;
	v15 =	vmul.f32 v15, v19  }
0xbc: {  	v56 =	vadd.f32 v29, v27;
	v57 =	vadd.f32 v30, v47  }
0xbd: {  	v25 =	vadd.f32 v54, v53;
	v4 =	vadd.f32 v4, v62;
	v28 =	vmul.f32 v15, v12  }
0xbe: {  	v58 =	vadd.f32 v50, v48;
	v60 =	vadd.f32 v57, v56  }
0xbf: {  	[tilespmem:s29+$0x6560] =	vst v4;
	v28 =	vmul.f32 v28, v15  }
0xc0: {  	v61 =	vadd.f32 v60, v25;
	v5 =	vadd.f32 v23, v58;
	v55 =	vld [tilespmem:$0x12D70]  }
0xc1: {  	v49 =	vsub.f32 $1.500000000e+00, v28  }
0xc2: {  	v5 =	vadd.f32 v61, v5;
	v59 =	vld [tilespmem:$0x12DF0]  }
0xc3: {  	v2 =	vmul.f32 v14, v2;
	v10 =	vmul.f32 v49, v15  }
0xc4: {  	(xrf2) =	vadd.scan.msk.f32 $0xffff, v5  }
0xc5: {  	v2 =	vmul.f32 v2, v55;
	v12 =	vmul.f32 v10, v12;
	_ =	sdelay $0x1  }
0xc6: {  	v2 =	vadd.f32 v2, v59;
	v12 =	vmul.f32 v12, v10;
	_ =	sdelay $0x1  }
0xc7: {  	[tilespmem:s29+$0x6570] =	vst v2;
	v62 =	vsub.f32 $1.500000000e+00, v12  }
0xc8: {  	v63 =	vld [tilespmem:$0x12D00]  }
0xc9: {  	v10 =	vmul.f32 v62, v10  }
0xca: {  	v12 =	vld [tilespmem:$0x12D80]  }
0xcb: {  	v9 =	vmul.f32 v10, v9  }
0xcc: {  	v14, _, _ =	vpop (xrf2)  }
0xcd: {  	(v2sf) =	vpush v14, $0xF;
	v5 =	vmul.f32 v9, v63;
	_ =	sdelay $0x1  }
0xce: {  	v2 =	vadd.f32 v5, v12;
	_ =	sdelay $0x1  }
0xcf: {  	[tilespmem:s29+$0x6580] =	vst v2  }
0xd0: {  	v2 =	vld [tilespmem:$0x12D10];
	_ =	sdelay $0x1  }
0xd1: {  	v15 =	vld [tilespmem:$0x12D90]  }
0xd2: {  	v19 =	vmul.f32 v10, v18;
	_ =	sdelay $0x1  }
0xd3: {  	v2 =	vmul.f32 v19, v2;
	_ =	sdelay $0x1  }
0xd4: {  	v2 =	vadd.f32 v2, v15;
	_ =	sdelay $0x1  }
0xd5: {  	[tilespmem:s29+$0x6590] =	vst v2  }
0xd6: {  	s31 =	spop (v2sf);
	v2 =	vld [tilespmem:$0x12D20]  }
0xd7: {  	s30 =	smul.f32 $7.812500000e-03, s31  }
0xd8: {  	v23 =	vld [tilespmem:$0x12DA0]  }
0xd9: {  	v24 =	vmul.f32 v10, v20;
	v25 =	vmov s30  }
0xda: {  	v14 =	vsub.f32 v48, v25  }
0xdb: {  	v11 =	vsub.f32 v50, v25;
	v9 =	vsub.f32 v51, v25;
	v2 =	vmul.f32 v24, v2  }
0xdc: {  	v27 =	vmul.f32 v10, v7;
	v8 =	vsub.f32 v52, v25;
	v7 =	vsub.f32 v53, v25  }
0xdd: {  	v5 =	vsub.f32 v54, v25;
	v2 =	vadd.f32 v2, v23  }
0xde: {  	v4 =	vsub.f32 v56, v25;
	v28 =	vmul.f32 v14, v14;
	v29 =	vmul.f32 v11, v11  }
0xdf: {  	v31 =	vmul.f32 v9, v9;
	v32 =	vmul.f32 v8, v8;
	[tilespmem:s29+$0x65A0] =	vst v2;
	v2 =	vsub.f32 v57, v25  }
0xe0: {  	v33 =	vmul.f32 v7, v7;
	v34 =	vmul.f32 v5, v5  }
0xe1: {  	v35 =	vmul.f32 v4, v4;
	v36 =	vmul.f32 v2, v2  }
0xe2: {  	v37 =	vadd.f32 v29, v28;
	v12 =	vadd.f32 v32, v31  }
0xe3: {  	v38 =	vadd.f32 v34, v33;
	v39 =	vadd.f32 v36, v35;
	_ =	sdelay $0x1  }
0xe4: {  	v12 =	vadd.f32 v12, v37;
	v40 =	vadd.f32 v39, v38;
	_ =	sdelay $0x1  }
0xe5: {  	v12 =	vadd.f32 v40, v12;
	_ =	sdelay $0x1  }
0xe6: {  	(xrf2) =	vadd.scan.msk.f32 $0xffff, v12;
	_ =	sdelay $0x1  }
0xe7: {  	v26 =	vld [tilespmem:$0x12D30]  }
0xe8: {  	v44 =	vld [tilespmem:s29+$0x280]  }
0xe9: {  	v30 =	vld [tilespmem:$0x12DB0]  }
0xea: {  	v45 =	vld [tilespmem:s29+$0xCA80]  }
0xeb: {  	v46 =	vld [tilespmem:s29+$0x290]  }
0xec: {  	v47 =	vld [tilespmem:s29+$0xCA90];
	v13 =	vmul.f32 v27, v26  }
0xed: {  	v58 =	vld [tilespmem:s29+$0x2F0]  }
0xee: {  	v55 =	vld [tilespmem:s29+$0xCAD0];
	v13 =	vadd.f32 v13, v30  }
0xef: {  	v59 =	vld [tilespmem:s29+$0xCAF0];
	v43, _, _ =	vpop (xrf2)  }
0xf0: {  	v49 =	vld [tilespmem:s29+$0xCAA0];
	[tilespmem:s29+$0x65B0] =	vst v13;
	(v2sf) =	vpush v43, $0xF  }
0xf1: {  	v13 =	vld [tilespmem:$0x12D40]  }
0xf2: {  	v48 =	vld [tilespmem:s29+$0x2A0]  }
0xf3: {  	v41 =	vld [tilespmem:$0x12DC0]  }
0xf4: {  	v6 =	vmul.f32 v10, v6;
	v50 =	vld [tilespmem:s29+$0x2B0]  }
0xf5: {  	v51 =	vld [tilespmem:s29+$0xCAB0]  }
0xf6: {  	v52 =	vld [tilespmem:s29+$0x2C0];
	v6 =	vmul.f32 v6, v13  }
0xf7: {  	v53 =	vld [tilespmem:s29+$0xCAC0]  }
0xf8: {  	v54 =	vld [tilespmem:s29+$0x2D0];
	v6 =	vadd.f32 v6, v41  }
0xf9: {  	v56 =	vld [tilespmem:s29+$0x2E0]  }
0xfa: {  	v57 =	vld [tilespmem:s29+$0xCAE0];
	[tilespmem:s29+$0x65C0] =	vst v6  }
0xfb: {  	v6 =	vld [tilespmem:$0x12D50];
	_ =	sdelay $0x1  }
0xfc: {  	v60 =	vadd.f32 v45, v44;
	v61 =	vadd.f32 v47, v46  }
0xfd: {  	v3 =	vmul.f32 v10, v3;
	v62 =	vadd.f32 v49, v48;
	v63 =	vadd.f32 v51, v50  }
0xfe: {  	v29 =	vadd.f32 v53, v52;
	v32 =	vadd.f32 v57, v56;
	v42 =	vld [tilespmem:$0x12DD0];
	s31 =	spop (v2sf)  }
0xff: {  	v30 =	vadd.f32 v55, v54;
	v3 =	vmul.f32 v3, v6;
	v6 =	vadd.f32 v59, v58;
	s30 =	smul.f32 $7.812500000e-03, s31  }
0x100: {  	v34 =	vadd.f32 v61, v60;
	v35 =	vadd.f32 v63, v62  }
0x101: {  	v24 =	vadd.f32 v30, v29;
	v36 =	vadd.f32 v6, v32;
	s30 =	sadd.f32 $9.999999960e-13, s30  }
0x102: {  	v37 =	vadd.f32 v35, v34  }
0x103: {  	v3 =	vadd.f32 v3, v42;
	v39 =	vadd.f32 v36, v24;
	v31 =	vmov s30  }
0x104: {  	v33 =	vshra.s32 v31, $0x1;
	v19 =	vmul.f32 $5.000000000e-01, v31  }
0x105: {  	[tilespmem:s29+$0x65D0] =	vst v3;
	v3 =	vadd.f32 v39, v37;
	v21 =	vsub.s32 $0x5F3759DF, v33  }
0x106: {  	v38 =	vmul.f32 v21, v19  }
0x107: {  	v40 =	vld [tilespmem:$0x12D60];
	(xrf2) =	vadd.scan.msk.f32 $0xffff, v3  }
0x108: {  	v22 =	vmul.f32 v21, v38  }
0x109: {  	v41 =	vld [tilespmem:$0x12DE0]  }
0x10a: {  	v1 =	vmul.f32 v10, v1;
	v42 =	vsub.f32 $1.500000000e+00, v22;
	_ =	sdelay $0x1  }
0x10b: {  	v1 =	vmul.f32 v1, v40;
	v3 =	vmul.f32 v21, v42;
	_ =	sdelay $0x1  }
0x10c: {  	v1 =	vadd.f32 v1, v41;
	v21 =	vmul.f32 v3, v19;
	_ =	sdelay $0x1  }
0x10d: {  	[tilespmem:s29+$0x65E0] =	vst v1;
	v43 =	vmul.f32 v21, v3  }
0x10e: {  	v44 =	vld [tilespmem:$0x12D70];
	v46, _, _ =	vpop (xrf2)  }
0x10f: {  	(v2sf) =	vpush v46, $0xF;
	v1 =	vsub.f32 $1.500000000e+00, v43  }
0x110: {  	v45 =	vld [tilespmem:$0x12DF0]  }
0x111: {  	v0 =	vmul.f32 v10, v0;
	v1 =	vmul.f32 v1, v3;
	_ =	sdelay $0x1  }
0x112: {  	v0 =	vmul.f32 v0, v44;
	v47 =	vmul.f32 v1, v19;
	_ =	sdelay $0x1  }
0x113: {  	v0 =	vadd.f32 v0, v45;
	v3 =	vmul.f32 v47, v1;
	_ =	sdelay $0x1  }
0x114: {  	[tilespmem:s29+$0x65F0] =	vst v0;
	v48 =	vsub.f32 $1.500000000e+00, v3  }
0x115: {  	v49 =	vld [tilespmem:$0x12D00]  }
0x116: {  	v0 =	vmul.f32 v48, v1  }
0x117: {  	v50 =	vld [tilespmem:$0x12D80]  }
0x118: {  	v51 =	vmul.f32 v0, v14;
	_ =	sdelay $0x1  }
0x119: {  	v3 =	vmul.f32 v51, v49  }
0x11a: {  	s31 =	spop (v2sf)  }
0x11b: {  	s30 =	smul.f32 $7.812500000e-03, s31;
	v1 =	vadd.f32 v3, v50;
	_ =	sdelay $0x1  }
0x11c: {  	v52 =	vmov s30;
	[tilespmem:s29+$0x6600] =	vst v1  }
0x11d: {  	v54 =	vsub.f32 v60, v52;
	v1 =	vld [tilespmem:$0x12D10]  }
0x11e: {  	v55 =	vsub.f32 v61, v52;
	v57 =	vsub.f32 v62, v52  }
0x11f: {  	v58 =	vsub.f32 v63, v52;
	v59 =	vsub.f32 v29, v52;
	v56 =	vld [tilespmem:$0x12D90]  }
0x120: {  	v60 =	vsub.f32 v30, v52;
	v61 =	vmul.f32 v54, v54;
	v53 =	vmul.f32 v0, v11  }
0x121: {  	v17 =	vsub.f32 v32, v52;
	v62 =	vmul.f32 v55, v55;
	v63 =	vmul.f32 v57, v57  }
0x122: {  	v24 =	vmul.f32 v58, v58;
	v3 =	vsub.f32 v6, v52;
	v1 =	vmul.f32 v53, v1  }
0x123: {  	v25 =	vmul.f32 v59, v59;
	v26 =	vmul.f32 v60, v60  }
0x124: {  	v27 =	vmul.f32 v17, v17;
	v28 =	vmul.f32 v3, v3;
	v1 =	vadd.f32 v1, v56  }
0x125: {  	v18 =	vadd.f32 v62, v61;
	v29 =	vadd.f32 v26, v25  }
0x126: {  	v6 =	vadd.f32 v24, v63;
	v13 =	vadd.f32 v28, v27;
	[tilespmem:s29+$0x6610] =	vst v1  }
0x127: {  	v30 =	vld [tilespmem:$0x12D20]  }
0x128: {  	v6 =	vadd.f32 v6, v18;
	v1 =	vadd.f32 v13, v29  }
0x129: {  	v31 =	vld [tilespmem:$0x12DA0]  }
0x12a: {  	v32 =	vmul.f32 v0, v9;
	v1 =	vadd.f32 v1, v6;
	_ =	sdelay $0x1  }
0x12b: {  	(xrf2) =	vadd.scan.msk.f32 $0xffff, v1;
	v6 =	vmul.f32 v32, v30;
	_ =	sdelay $0x1  }
0x12c: {  	v33 =	vadd.f32 v6, v31;
	_ =	sdelay $0x1  }
0x12d: {  	[tilespmem:s29+$0x6620] =	vst v33  }
0x12e: {  	v1 =	vld [tilespmem:$0x12D30];
	_ =	sdelay $0x1  }
0x12f: {  	v34 =	vld [tilespmem:$0x12DB0]  }
0x130: {  	v8 =	vmul.f32 v0, v8;
	_ =	sdelay $0x1  }
0x131: {  	v35, _, _ =	vpop (xrf2);
	v1 =	vmul.f32 v8, v1  }
0x132: {  	(v2sf) =	vpush v35, $0xF  }
0x133: {  	v1 =	vadd.f32 v1, v34;
	_ =	sdelay $0x1  }
0x134: {  	[tilespmem:s29+$0x6630] =	vst v1  }
0x135: {  	v1 =	vld [tilespmem:$0x12D40];
	_ =	sdelay $0x1  }
0x136: {  	v36 =	vld [tilespmem:$0x12DC0]  }
0x137: {  	v7 =	vmul.f32 v0, v7;
	_ =	sdelay $0x1  }
0x138: {  	v1 =	vmul.f32 v7, v1;
	_ =	sdelay $0x1  }
0x139: {  	v1 =	vadd.f32 v1, v36;
	_ =	sdelay $0x1  }
0x13a: {  	[tilespmem:s29+$0x6640] =	vst v1  }
0x13b: {  	v1 =	vld [tilespmem:$0x12D50]  }
0x13c: {  	s31 =	spop (v2sf)  }
0x13d: {  	v37 =	vld [tilespmem:$0x12DD0];
	s30 =	smul.f32 $7.812500000e-03, s31  }
0x13e: {  	v5 =	vmul.f32 v0, v5  }
0x13f: {  	s30 =	sadd.f32 $9.999999960e-13, s30  }
0x140: {  	v1 =	vmul.f32 v5, v1  }
0x141: {  	v38 =	vmov s30  }
0x142: {  	v39 =	vshra.s32 v38, $0x1;
	v5 =	vmul.f32 $5.000000000e-01, v38;
	v1 =	vadd.f32 v1, v37  }
0x143: {  	v6 =	vsub.s32 $0x5F3759DF, v39  }
0x144: {  	v40 =	vmul.f32 v6, v5;
	[tilespmem:s29+$0x6650] =	vst v1  }
0x145: {  	v41 =	vld [tilespmem:$0x12D60]  }
0x146: {  	v1 =	vmul.f32 v6, v40  }
0x147: {  	v42 =	vld [tilespmem:$0x12DE0]  }
0x148: {  	v4 =	vmul.f32 v0, v4;
	v1 =	vsub.f32 $1.500000000e+00, v1;
	_ =	sdelay $0x1  }
0x149: {  	v1 =	vmul.f32 v6, v1;
	v4 =	vmul.f32 v4, v41;
	_ =	sdelay $0x1  }
0x14a: {  	v6 =	vmul.f32 v1, v5;
	v4 =	vadd.f32 v4, v42;
	_ =	sdelay $0x1  }
0x14b: {  	v43 =	vmul.f32 v6, v1;
	[tilespmem:s29+$0x6660] =	vst v4  }
0x14c: {  	v44 =	vld [tilespmem:$0x12D70]  }
0x14d: {  	v4 =	vsub.f32 $1.500000000e+00, v43  }
0x14e: {  	v45 =	vld [tilespmem:$0x12DF0]  }
0x14f: {  	v0 =	vmul.f32 v0, v2;
	v1 =	vmul.f32 v4, v1;
	_ =	sdelay $0x1  }
0x150: {  	v46 =	vmul.f32 v1, v5;
	v0 =	vmul.f32 v0, v44;
	_ =	sdelay $0x1  }
0x151: {  	v2 =	vmul.f32 v46, v1;
	v0 =	vadd.f32 v0, v45;
	_ =	sdelay $0x1  }
0x152: {  	v47 =	vsub.f32 $1.500000000e+00, v2;
	[tilespmem:s29+$0x6670] =	vst v0  }
0x153: {  	v48 =	vld [tilespmem:$0x12D00]  }
0x154: {  	v0 =	vmul.f32 v47, v1  }
0x155: {  	v49 =	vld [tilespmem:$0x12D80]  }
0x156: {  	v50 =	vmul.f32 v0, v54;
	_ =	sdelay $0x1  }
0x157: {  	v2 =	vmul.f32 v50, v48;
	_ =	sdelay $0x1  }
0x158: {  	v1 =	vadd.f32 v2, v49;
	_ =	sdelay $0x1  }
0x159: {  	[tilespmem:s29+$0x6680] =	vst v1  }
0x15a: {  	v1 =	vld [tilespmem:$0x12D10];
	_ =	sdelay $0x1  }
0x15b: {  	v51 =	vld [tilespmem:$0x12D90]  }
0x15c: {  	v52 =	vmul.f32 v0, v55;
	_ =	sdelay $0x1  }
0x15d: {  	v1 =	vmul.f32 v52, v1;
	_ =	sdelay $0x1  }
0x15e: {  	v1 =	vadd.f32 v1, v51;
	_ =	sdelay $0x1  }
0x15f: {  	[tilespmem:s29+$0x6690] =	vst v1  }
0x160: {  	v1 =	vld [tilespmem:$0x12D20];
	_ =	sdelay $0x1  }
0x161: {  	v53 =	vld [tilespmem:$0x12DA0]  }
0x162: {  	v54 =	vmul.f32 v0, v57;
	_ =	sdelay $0x1  }
0x163: {  	v1 =	vmul.f32 v54, v1;
	_ =	sdelay $0x1  }
0x164: {  	v1 =	vadd.f32 v1, v53;
	_ =	sdelay $0x1  }
0x165: {  	[tilespmem:s29+$0x66A0] =	vst v1  }
0x166: {  	v1 =	vld [tilespmem:$0x12D30];
	_ =	sdelay $0x1  }
0x167: {  	v55 =	vld [tilespmem:$0x12DB0]  }
0x168: {  	v56 =	vmul.f32 v0, v58;
	_ =	sdelay $0x1  }
0x169: {  	v1 =	vmul.f32 v56, v1;
	_ =	sdelay $0x1  }
0x16a: {  	v1 =	vadd.f32 v1, v55;
	_ =	sdelay $0x1  }
0x16b: {  	[tilespmem:s29+$0x66B0] =	vst v1  }
0x16c: {  	v1 =	vld [tilespmem:$0x12D40];
	_ =	sdelay $0x1  }
0x16d: {  	v57 =	vld [tilespmem:$0x12DC0]  }
0x16e: {  	v58 =	vmul.f32 v0, v59;
	_ =	sdelay $0x1  }
0x16f: {  	v1 =	vmul.f32 v58, v1;
	_ =	sdelay $0x1  }
0x170: {  	v1 =	vadd.f32 v1, v57;
	_ =	sdelay $0x1  }
0x171: {  	[tilespmem:s29+$0x66C0] =	vst v1  }
0x172: {  	v1 =	vld [tilespmem:$0x12D50];
	_ =	sdelay $0x1  }
0x173: {  	v59 =	vld [tilespmem:$0x12DD0]  }
0x174: {  	v60 =	vmul.f32 v0, v60;
	_ =	sdelay $0x1  }
0x175: {  	v1 =	vmul.f32 v60, v1;
	_ =	sdelay $0x1  }
0x176: {  	v1 =	vadd.f32 v1, v59;
	_ =	sdelay $0x1  }
0x177: {  	[tilespmem:s29+$0x66D0] =	vst v1  }
0x178: {  	v1 =	vld [tilespmem:$0x12D60];
	_ =	sdelay $0x1  }
0x179: {  	v61 =	vld [tilespmem:$0x12DE0]  }
0x17a: {  	v62 =	vmul.f32 v0, v17;
	_ =	sdelay $0x1  }
0x17b: {  	v1 =	vmul.f32 v62, v1;
	_ =	sdelay $0x1  }
0x17c: {  	v1 =	vadd.f32 v1, v61;
	_ =	sdelay $0x1  }
0x17d: {  	[tilespmem:s29+$0x66E0] =	vst v1  }
0x17e: {  	v1 =	vld [tilespmem:$0x12D70];
	_ =	sdelay $0x1  }
0x17f: {  	v63 =	vld [tilespmem:$0x12DF0]  }
0x180: {  	v0 =	vmul.f32 v0, v3  }
0x181: {  	p0 =	sne.s32 s28, $0xF800  }
.Ltmp0:
0x182: {  	v0 =	vmul.f32 v0, v1;
	(pc) =	sbr.rel @p0 .LBB2_3-.Ltmp0, $3  }
0x183: {  	_ = 	snop  }
0x184: {  	v0 =	vadd.f32 v0, v63;
	_ =	sdelay $0x1  }
0x185: {  	s28 =	sadd.s32 $0x800, s28;
	[tilespmem:s29+$0x66F0] =	vst v0  }
.LBB2_4:
0x186: {  	s28 =	sshra.s32 s26, $0x2  }
0x187: {  	v0 =	vld [tilespmem:s28+$0x4100]  }
0x188: {  	v1 =	vld [tilespmem:s28+$0x10900]  }
0x189: {  	v2 =	vld [tilespmem:s28+$0x4110]  }
0x18a: {  	v3 =	vld [tilespmem:s28+$0x10910]  }
0x18b: {  	v4 =	vld [tilespmem:s28+$0x4120]  }
0x18c: {  	v5 =	vld [tilespmem:s28+$0x10920]  }
0x18d: {  	v6 =	vld [tilespmem:s28+$0x4130]  }
0x18e: {  	v7 =	vld [tilespmem:s28+$0x10930]  }
0x18f: {  	v8 =	vld [tilespmem:s28+$0x4140]  }
0x190: {  	v9 =	vld [tilespmem:s28+$0x10940]  }
0x191: {  	v10 =	vld [tilespmem:s28+$0x4150]  }
0x192: {  	v11 =	vld [tilespmem:s28+$0x10950]  }
0x193: {  	v12 =	vld [tilespmem:s28+$0x4160]  }
0x194: {  	v13 =	vld [tilespmem:s28+$0x10960]  }
0x195: {  	v14 =	vld [tilespmem:s28+$0x4170]  }
0x196: {  	v15 =	vld [tilespmem:s28+$0x10970];
	_ =	sdelay $0x1  }
0x197: {  	v0 =	vadd.f32 v1, v0;
	v27 =	vadd.f32 v3, v2  }
0x198: {  	v28 =	vadd.f32 v5, v4;
	v29 =	vadd.f32 v7, v6  }
0x199: {  	v30 =	vadd.f32 v9, v8;
	v31 =	vadd.f32 v11, v10  }
0x19a: {  	v32 =	vadd.f32 v13, v12;
	v33 =	vadd.f32 v15, v14  }
0x19b: {  	v34 =	vadd.f32 v27, v0;
	v35 =	vadd.f32 v29, v28  }
0x19c: {  	v10 =	vadd.f32 v31, v30;
	v36 =	vadd.f32 v33, v32;
	_ =	sdelay $0x1  }
0x19d: {  	v8 =	vadd.f32 v35, v34;
	v37 =	vadd.f32 v36, v10;
	_ =	sdelay $0x1  }
0x19e: {  	v8 =	vadd.f32 v37, v8;
	_ =	sdelay $0x1  }
0x19f: {  	(xrf2) =	vadd.scan.msk.f32 $0xffff, v8;
	_ =	sdelay $0x9  }
0x1a0: {  	v8, _, _ =	vpop (xrf2)  }
0x1a1: {  	(v2sf) =	vpush v8, $0xF;
	_ =	sdelay $0xe  }
0x1a2: {  	s29 =	spop (v2sf)  }
0x1a3: {  	s29 =	smul.f32 $7.812500000e-03, s29;
	_ =	sdelay $0x1  }
0x1a4: {  	v38 =	vmov s29  }
0x1a5: {  	v0 =	vsub.f32 v0, v38;
	v1 =	vsub.f32 v27, v38  }
0x1a6: {  	v9 =	vsub.f32 v28, v38;
	v10 =	vsub.f32 v29, v38  }
0x1a7: {  	v11 =	vsub.f32 v30, v38;
	v5 =	vsub.f32 v31, v38  }
0x1a8: {  	v4 =	vsub.f32 v32, v38;
	v39 =	vmul.f32 v0, v0;
	v40 =	vmul.f32 v1, v1  }
0x1a9: {  	v2 =	vsub.f32 v33, v38;
	v41 =	vmul.f32 v9, v9;
	v42 =	vmul.f32 v10, v10  }
0x1aa: {  	v43 =	vmul.f32 v11, v11;
	v44 =	vmul.f32 v5, v5  }
0x1ab: {  	v45 =	vmul.f32 v4, v4;
	v46 =	vmul.f32 v2, v2  }
0x1ac: {  	v3 =	vadd.f32 v40, v39;
	v47 =	vadd.f32 v42, v41  }
0x1ad: {  	v48 =	vadd.f32 v44, v43;
	v49 =	vadd.f32 v46, v45;
	_ =	sdelay $0x1  }
0x1ae: {  	v3 =	vadd.f32 v47, v3;
	v50 =	vadd.f32 v49, v48;
	_ =	sdelay $0x1  }
0x1af: {  	v3 =	vadd.f32 v50, v3;
	_ =	sdelay $0x1  }
0x1b0: {  	(xrf2) =	vadd.scan.msk.f32 $0xffff, v3;
	_ =	sdelay $0x9  }
0x1b1: {  	v3, _, _ =	vpop (xrf2)  }
0x1b2: {  	(v2sf) =	vpush v3, $0xF;
	_ =	sdelay $0x5  }
0x1b3: {  	v51 =	vld [tilespmem:s28+$0x4180]  }
0x1b4: {  	v52 =	vld [tilespmem:s28+$0x10980]  }
0x1b5: {  	v53 =	vld [tilespmem:s28+$0x4190]  }
0x1b6: {  	v54 =	vld [tilespmem:s28+$0x10990]  }
0x1b7: {  	v55 =	vld [tilespmem:s28+$0x41A0]  }
0x1b8: {  	v56 =	vld [tilespmem:s28+$0x109A0]  }
0x1b9: {  	v57 =	vld [tilespmem:s28+$0x41B0]  }
0x1ba: {  	v58 =	vld [tilespmem:s28+$0x109B0]  }
0x1bb: {  	v16 =	vld [tilespmem:s28+$0x41C0]  }
0x1bc: {  	v18 =	vld [tilespmem:s28+$0x109C0];
	s31 =	spop (v2sf)  }
0x1bd: {  	v20 =	vld [tilespmem:s28+$0x41D0];
	s29 =	smul.f32 $7.812500000e-03, s31  }
0x1be: {  	v21 =	vld [tilespmem:s28+$0x109D0]  }
0x1bf: {  	v23 =	vld [tilespmem:s28+$0x41E0];
	s29 =	sadd.f32 $9.999999960e-13, s29  }
0x1c0: {  	v24 =	vld [tilespmem:s28+$0x109E0]  }
0x1c1: {  	v25 =	vld [tilespmem:s28+$0x41F0];
	v17 =	vmov s29  }
0x1c2: {  	v26 =	vld [tilespmem:s28+$0x109F0];
	v19 =	vshra.s32 v17, $0x1;
	v17 =	vmul.f32 $5.000000000e-01, v17  }
0x1c3: {  	v59 =	vadd.f32 v54, v53;
	v19 =	vsub.s32 $0x5F3759DF, v19  }
0x1c4: {  	v62 =	vadd.f32 v18, v16;
	v63 =	vadd.f32 v21, v20;
	v22 =	vmul.f32 v19, v17  }
0x1c5: {  	v60 =	vadd.f32 v56, v55;
	v61 =	vadd.f32 v58, v57  }
0x1c6: {  	v21 =	vadd.f32 v63, v62;
	v28 =	vadd.f32 v24, v23;
	v22 =	vmul.f32 v19, v22  }
0x1c7: {  	v29 =	vadd.f32 v26, v25;
	v3 =	vadd.f32 v52, v51  }
0x1c8: {  	v31 =	vadd.f32 v61, v60;
	v22 =	vsub.f32 $1.500000000e+00, v22  }
0x1c9: {  	v33 =	vadd.f32 v29, v28;
	v30 =	vadd.f32 v59, v3  }
0x1ca: {  	v27 =	vmul.f32 v19, v22  }
0x1cb: {  	v34 =	vadd.f32 v33, v21;
	v18 =	vadd.f32 v31, v30  }
0x1cc: {  	v32 =	vmul.f32 v27, v17  }
0x1cd: {  	v18 =	vadd.f32 v34, v18  }
0x1ce: {  	v20 =	vmul.f32 v32, v27  }
0x1cf: {  	(xrf2) =	vadd.scan.msk.f32 $0xffff, v18  }
0x1d0: {  	v20 =	vsub.f32 $1.500000000e+00, v20;
	_ =	sdelay $0x1  }
0x1d1: {  	v14 =	vmul.f32 v20, v27;
	_ =	sdelay $0x1  }
0x1d2: {  	v17 =	vmul.f32 v14, v17;
	_ =	sdelay $0x1  }
0x1d3: {  	v17 =	vmul.f32 v17, v14;
	_ =	sdelay $0x1  }
0x1d4: {  	v17 =	vsub.f32 $1.500000000e+00, v17  }
0x1d5: {  	v35 =	vld [tilespmem:$0x12D00];
	v37, _, _ =	vpop (xrf2)  }
0x1d6: {  	(v2sf) =	vpush v37, $0xF;
	v14 =	vmul.f32 v17, v14  }
0x1d7: {  	v36 =	vld [tilespmem:$0x12D80]  }
0x1d8: {  	v0 =	vmul.f32 v14, v0;
	_ =	sdelay $0x1  }
0x1d9: {  	v0 =	vmul.f32 v0, v35;
	_ =	sdelay $0x1  }
0x1da: {  	v0 =	vadd.f32 v0, v36;
	_ =	sdelay $0x1  }
0x1db: {  	[tilespmem:s28+$0xA500] =	vst v0  }
0x1dc: {  	v0 =	vld [tilespmem:$0x12D10];
	_ =	sdelay $0x1  }
0x1dd: {  	v38 =	vld [tilespmem:$0x12D90]  }
0x1de: {  	v1 =	vmul.f32 v14, v1;
	_ =	sdelay $0x1  }
0x1df: {  	v0 =	vmul.f32 v1, v0  }
0x1e0: {  	s30 =	spop (v2sf)  }
0x1e1: {  	s29 =	smul.f32 $7.812500000e-03, s30;
	v0 =	vadd.f32 v0, v38;
	_ =	sdelay $0x1  }
0x1e2: {  	v39 =	vmov s29;
	[tilespmem:s28+$0xA510] =	vst v0  }
0x1e3: {  	v18 =	vsub.f32 v59, v39;
	v20 =	vsub.f32 v60, v39;
	v0 =	vld [tilespmem:$0x12D20]  }
0x1e4: {  	v7 =	vsub.f32 v61, v39  }
0x1e5: {  	v6 =	vsub.f32 v62, v39;
	v44 =	vmul.f32 v18, v18;
	v45 =	vmul.f32 v20, v20  }
0x1e6: {  	v46 =	vmul.f32 v7, v7;
	v40 =	vmul.f32 v14, v9  }
0x1e7: {  	v47 =	vmul.f32 v6, v6;
	v9 =	vsub.f32 v3, v39;
	v3 =	vsub.f32 v63, v39  }
0x1e8: {  	v1 =	vsub.f32 v28, v39;
	v42 =	vmul.f32 v40, v0;
	v0 =	vsub.f32 v29, v39  }
0x1e9: {  	v43 =	vmul.f32 v9, v9;
	v48 =	vmul.f32 v3, v3;
	v41 =	vld [tilespmem:$0x12DA0]  }
0x1ea: {  	v49 =	vmul.f32 v1, v1;
	v50 =	vmul.f32 v0, v0  }
0x1eb: {  	v51 =	vadd.f32 v46, v45;
	v12 =	vadd.f32 v44, v43  }
0x1ec: {  	v52 =	vadd.f32 v48, v47;
	v53 =	vadd.f32 v50, v49  }
0x1ed: {  	v54 =	vadd.f32 v51, v12  }
0x1ee: {  	v8 =	vadd.f32 v42, v41;
	v55 =	vadd.f32 v53, v52;
	_ =	sdelay $0x1  }
0x1ef: {  	[tilespmem:s28+$0xA520] =	vst v8;
	v8 =	vadd.f32 v55, v54;
	_ =	sdelay $0x1  }
0x1f0: {  	(xrf2) =	vadd.scan.msk.f32 $0xffff, v8;
	_ =	sdelay $0x4  }
0x1f1: {  	v56 =	vld [tilespmem:$0x12D30];
	_ =	sdelay $0x1  }
0x1f2: {  	v57 =	vld [tilespmem:$0x12DB0]  }
0x1f3: {  	v10 =	vmul.f32 v14, v10;
	_ =	sdelay $0x1  }
0x1f4: {  	v58 =	vmul.f32 v10, v56;
	v60, _, _ =	vpop (xrf2)  }
0x1f5: {  	(v2sf) =	vpush v60, $0xF  }
0x1f6: {  	v8 =	vadd.f32 v58, v57;
	_ =	sdelay $0x1  }
0x1f7: {  	[tilespmem:s28+$0xA530] =	vst v8  }
0x1f8: {  	v8 =	vld [tilespmem:$0x12D40];
	_ =	sdelay $0x1  }
0x1f9: {  	v59 =	vld [tilespmem:$0x12DC0]  }
0x1fa: {  	v33 =	vld [tilespmem:s28+$0x10A00];
	v11 =	vmul.f32 v14, v11  }
0x1fb: {  	v30 =	vld [tilespmem:s28+$0x10A70]  }
0x1fc: {  	v37 =	vld [tilespmem:s28+$0x10A10];
	v8 =	vmul.f32 v11, v8  }
0x1fd: {  	v27 =	vld [tilespmem:s28+$0x4260]  }
0x1fe: {  	v45 =	vld [tilespmem:s28+$0x4250];
	v8 =	vadd.f32 v8, v59  }
0x1ff: {  	v46 =	vld [tilespmem:s28+$0x10A50]  }
0x200: {  	v63 =	vld [tilespmem:s28+$0x4200];
	[tilespmem:s28+$0xA540] =	vst v8  }
0x201: {  	v8 =	vld [tilespmem:$0x12D50]  }
0x202: {  	v35 =	vld [tilespmem:s28+$0x4210];
	s31 =	spop (v2sf)  }
0x203: {  	v61 =	vld [tilespmem:$0x12DD0];
	s29 =	smul.f32 $7.812500000e-03, s31  }
0x204: {  	v5 =	vmul.f32 v14, v5;
	v43 =	vld [tilespmem:s28+$0x4240]  }
0x205: {  	v44 =	vld [tilespmem:s28+$0x10A40];
	s29 =	sadd.f32 $9.999999960e-13, s29  }
0x206: {  	v38 =	vld [tilespmem:s28+$0x4220];
	v5 =	vmul.f32 v5, v8  }
0x207: {  	v40 =	vld [tilespmem:s28+$0x10A20];
	v34 =	vmov s29  }
0x208: {  	v41 =	vld [tilespmem:s28+$0x4230];
	v5 =	vadd.f32 v5, v61;
	v36 =	vshra.s32 v34, $0x1;
	v12 =	vmul.f32 $5.000000000e-01, v34  }
0x209: {  	v42 =	vld [tilespmem:s28+$0x10A30];
	v15 =	vsub.s32 $0x5F3759DF, v36  }
0x20a: {  	v47 =	vld [tilespmem:s28+$0x4270];
	[tilespmem:s28+$0xA550] =	vst v5;
	v39 =	vmul.f32 v15, v12  }
0x20b: {  	v5 =	vld [tilespmem:$0x12D60]  }
0x20c: {  	v48 =	vadd.f32 v33, v63;
	v29 =	vld [tilespmem:s28+$0x10A60];
	v19 =	vmul.f32 v15, v39  }
0x20d: {  	v50 =	vadd.f32 v37, v35;
	v51 =	vadd.f32 v40, v38;
	v62 =	vld [tilespmem:$0x12DE0]  }
0x20e: {  	v4 =	vmul.f32 v14, v4;
	v52 =	vadd.f32 v42, v41;
	v19 =	vsub.f32 $1.500000000e+00, v19  }
0x20f: {  	v53 =	vadd.f32 v44, v43;
	v54 =	vadd.f32 v46, v45  }
0x210: {  	v23 =	vadd.f32 v52, v51;
	v4 =	vmul.f32 v4, v5;
	v15 =	vmul.f32 v15, v19  }
0x211: {  	v56 =	vadd.f32 v29, v27;
	v57 =	vadd.f32 v30, v47  }
0x212: {  	v25 =	vadd.f32 v54, v53;
	v4 =	vadd.f32 v4, v62;
	v28 =	vmul.f32 v15, v12  }
0x213: {  	v58 =	vadd.f32 v50, v48;
	v60 =	vadd.f32 v57, v56  }
0x214: {  	[tilespmem:s28+$0xA560] =	vst v4;
	v28 =	vmul.f32 v28, v15  }
0x215: {  	v61 =	vadd.f32 v60, v25;
	v5 =	vadd.f32 v23, v58;
	v55 =	vld [tilespmem:$0x12D70]  }
0x216: {  	v49 =	vsub.f32 $1.500000000e+00, v28  }
0x217: {  	v5 =	vadd.f32 v61, v5;
	v59 =	vld [tilespmem:$0x12DF0]  }
0x218: {  	v2 =	vmul.f32 v14, v2;
	v10 =	vmul.f32 v49, v15  }
0x219: {  	(xrf2) =	vadd.scan.msk.f32 $0xffff, v5  }
0x21a: {  	v2 =	vmul.f32 v2, v55;
	v12 =	vmul.f32 v10, v12;
	_ =	sdelay $0x1  }
0x21b: {  	v2 =	vadd.f32 v2, v59;
	v12 =	vmul.f32 v12, v10;
	_ =	sdelay $0x1  }
0x21c: {  	[tilespmem:s28+$0xA570] =	vst v2;
	v62 =	vsub.f32 $1.500000000e+00, v12  }
0x21d: {  	v63 =	vld [tilespmem:$0x12D00]  }
0x21e: {  	v10 =	vmul.f32 v62, v10  }
0x21f: {  	v12 =	vld [tilespmem:$0x12D80]  }
0x220: {  	v9 =	vmul.f32 v10, v9  }
0x221: {  	v14, _, _ =	vpop (xrf2)  }
0x222: {  	(v2sf) =	vpush v14, $0xF;
	v5 =	vmul.f32 v9, v63;
	_ =	sdelay $0x1  }
0x223: {  	v2 =	vadd.f32 v5, v12;
	_ =	sdelay $0x1  }
0x224: {  	[tilespmem:s28+$0xA580] =	vst v2  }
0x225: {  	v2 =	vld [tilespmem:$0x12D10];
	_ =	sdelay $0x1  }
0x226: {  	v15 =	vld [tilespmem:$0x12D90]  }
0x227: {  	v19 =	vmul.f32 v10, v18;
	_ =	sdelay $0x1  }
0x228: {  	v2 =	vmul.f32 v19, v2;
	_ =	sdelay $0x1  }
0x229: {  	v2 =	vadd.f32 v2, v15;
	_ =	sdelay $0x1  }
0x22a: {  	[tilespmem:s28+$0xA590] =	vst v2  }
0x22b: {  	s30 =	spop (v2sf);
	v2 =	vld [tilespmem:$0x12D20]  }
0x22c: {  	s29 =	smul.f32 $7.812500000e-03, s30  }
0x22d: {  	v23 =	vld [tilespmem:$0x12DA0]  }
0x22e: {  	v24 =	vmul.f32 v10, v20;
	v25 =	vmov s29  }
0x22f: {  	v14 =	vsub.f32 v48, v25  }
0x230: {  	v11 =	vsub.f32 v50, v25;
	v9 =	vsub.f32 v51, v25;
	v2 =	vmul.f32 v24, v2  }
0x231: {  	v27 =	vmul.f32 v10, v7;
	v8 =	vsub.f32 v52, v25;
	v7 =	vsub.f32 v53, v25  }
0x232: {  	v5 =	vsub.f32 v54, v25;
	v2 =	vadd.f32 v2, v23  }
0x233: {  	v4 =	vsub.f32 v56, v25;
	v28 =	vmul.f32 v14, v14;
	v29 =	vmul.f32 v11, v11  }
0x234: {  	v31 =	vmul.f32 v9, v9;
	v32 =	vmul.f32 v8, v8;
	[tilespmem:s28+$0xA5A0] =	vst v2;
	v2 =	vsub.f32 v57, v25  }
0x235: {  	v33 =	vmul.f32 v7, v7;
	v34 =	vmul.f32 v5, v5  }
0x236: {  	v35 =	vmul.f32 v4, v4;
	v36 =	vmul.f32 v2, v2  }
0x237: {  	v37 =	vadd.f32 v29, v28;
	v12 =	vadd.f32 v32, v31  }
0x238: {  	v38 =	vadd.f32 v34, v33;
	v39 =	vadd.f32 v36, v35;
	_ =	sdelay $0x1  }
0x239: {  	v12 =	vadd.f32 v12, v37;
	v40 =	vadd.f32 v39, v38;
	_ =	sdelay $0x1  }
0x23a: {  	v12 =	vadd.f32 v40, v12;
	_ =	sdelay $0x1  }
0x23b: {  	(xrf2) =	vadd.scan.msk.f32 $0xffff, v12;
	_ =	sdelay $0x1  }
0x23c: {  	v26 =	vld [tilespmem:$0x12D30]  }
0x23d: {  	v44 =	vld [tilespmem:s28+$0x4280]  }
0x23e: {  	v30 =	vld [tilespmem:$0x12DB0]  }
0x23f: {  	v45 =	vld [tilespmem:s28+$0x10A80]  }
0x240: {  	v46 =	vld [tilespmem:s28+$0x4290]  }
0x241: {  	v47 =	vld [tilespmem:s28+$0x10A90];
	v13 =	vmul.f32 v27, v26  }
0x242: {  	v58 =	vld [tilespmem:s28+$0x42F0]  }
0x243: {  	v55 =	vld [tilespmem:s28+$0x10AD0];
	v13 =	vadd.f32 v13, v30  }
0x244: {  	v59 =	vld [tilespmem:s28+$0x10AF0];
	v43, _, _ =	vpop (xrf2)  }
0x245: {  	v49 =	vld [tilespmem:s28+$0x10AA0];
	[tilespmem:s28+$0xA5B0] =	vst v13;
	(v2sf) =	vpush v43, $0xF  }
0x246: {  	v13 =	vld [tilespmem:$0x12D40]  }
0x247: {  	v48 =	vld [tilespmem:s28+$0x42A0]  }
0x248: {  	v41 =	vld [tilespmem:$0x12DC0]  }
0x249: {  	v6 =	vmul.f32 v10, v6;
	v50 =	vld [tilespmem:s28+$0x42B0]  }
0x24a: {  	v51 =	vld [tilespmem:s28+$0x10AB0]  }
0x24b: {  	v52 =	vld [tilespmem:s28+$0x42C0];
	v6 =	vmul.f32 v6, v13  }
0x24c: {  	v53 =	vld [tilespmem:s28+$0x10AC0]  }
0x24d: {  	v54 =	vld [tilespmem:s28+$0x42D0];
	v6 =	vadd.f32 v6, v41  }
0x24e: {  	v56 =	vld [tilespmem:s28+$0x42E0]  }
0x24f: {  	v57 =	vld [tilespmem:s28+$0x10AE0];
	[tilespmem:s28+$0xA5C0] =	vst v6  }
0x250: {  	v6 =	vld [tilespmem:$0x12D50];
	_ =	sdelay $0x1  }
0x251: {  	v60 =	vadd.f32 v45, v44;
	v61 =	vadd.f32 v47, v46  }
0x252: {  	v3 =	vmul.f32 v10, v3;
	v62 =	vadd.f32 v49, v48;
	v63 =	vadd.f32 v51, v50  }
0x253: {  	v29 =	vadd.f32 v53, v52;
	v32 =	vadd.f32 v57, v56;
	v42 =	vld [tilespmem:$0x12DD0];
	s31 =	spop (v2sf)  }
0x254: {  	v30 =	vadd.f32 v55, v54;
	v3 =	vmul.f32 v3, v6;
	v6 =	vadd.f32 v59, v58;
	s29 =	smul.f32 $7.812500000e-03, s31  }
0x255: {  	v34 =	vadd.f32 v61, v60;
	v35 =	vadd.f32 v63, v62  }
0x256: {  	v24 =	vadd.f32 v30, v29;
	v36 =	vadd.f32 v6, v32;
	s29 =	sadd.f32 $9.999999960e-13, s29  }
0x257: {  	v37 =	vadd.f32 v35, v34  }
0x258: {  	v3 =	vadd.f32 v3, v42;
	v39 =	vadd.f32 v36, v24;
	v31 =	vmov s29  }
0x259: {  	v33 =	vshra.s32 v31, $0x1;
	v19 =	vmul.f32 $5.000000000e-01, v31  }
0x25a: {  	[tilespmem:s28+$0xA5D0] =	vst v3;
	v3 =	vadd.f32 v39, v37;
	v21 =	vsub.s32 $0x5F3759DF, v33  }
0x25b: {  	v38 =	vmul.f32 v21, v19  }
0x25c: {  	v40 =	vld [tilespmem:$0x12D60];
	(xrf2) =	vadd.scan.msk.f32 $0xffff, v3  }
0x25d: {  	v22 =	vmul.f32 v21, v38  }
0x25e: {  	v41 =	vld [tilespmem:$0x12DE0]  }
0x25f: {  	v1 =	vmul.f32 v10, v1;
	v42 =	vsub.f32 $1.500000000e+00, v22;
	_ =	sdelay $0x1  }
0x260: {  	v1 =	vmul.f32 v1, v40;
	v3 =	vmul.f32 v21, v42;
	_ =	sdelay $0x1  }
0x261: {  	v1 =	vadd.f32 v1, v41;
	v21 =	vmul.f32 v3, v19;
	_ =	sdelay $0x1  }
0x262: {  	[tilespmem:s28+$0xA5E0] =	vst v1;
	v43 =	vmul.f32 v21, v3  }
0x263: {  	v44 =	vld [tilespmem:$0x12D70];
	v46, _, _ =	vpop (xrf2)  }
0x264: {  	(v2sf) =	vpush v46, $0xF;
	v1 =	vsub.f32 $1.500000000e+00, v43  }
0x265: {  	v45 =	vld [tilespmem:$0x12DF0]  }
0x266: {  	v0 =	vmul.f32 v10, v0;
	v1 =	vmul.f32 v1, v3;
	_ =	sdelay $0x1  }
0x267: {  	v0 =	vmul.f32 v0, v44;
	v47 =	vmul.f32 v1, v19;
	_ =	sdelay $0x1  }
0x268: {  	v0 =	vadd.f32 v0, v45;
	v3 =	vmul.f32 v47, v1;
	_ =	sdelay $0x1  }
0x269: {  	[tilespmem:s28+$0xA5F0] =	vst v0;
	v48 =	vsub.f32 $1.500000000e+00, v3  }
0x26a: {  	v49 =	vld [tilespmem:$0x12D00]  }
0x26b: {  	v0 =	vmul.f32 v48, v1  }
0x26c: {  	v50 =	vld [tilespmem:$0x12D80]  }
0x26d: {  	v51 =	vmul.f32 v0, v14;
	_ =	sdelay $0x1  }
0x26e: {  	v3 =	vmul.f32 v51, v49  }
0x26f: {  	s30 =	spop (v2sf)  }
0x270: {  	s29 =	smul.f32 $7.812500000e-03, s30;
	v1 =	vadd.f32 v3, v50;
	_ =	sdelay $0x1  }
0x271: {  	v52 =	vmov s29;
	[tilespmem:s28+$0xA600] =	vst v1  }
0x272: {  	v54 =	vsub.f32 v60, v52;
	v1 =	vld [tilespmem:$0x12D10]  }
0x273: {  	v55 =	vsub.f32 v61, v52;
	v57 =	vsub.f32 v62, v52  }
0x274: {  	v58 =	vsub.f32 v63, v52;
	v59 =	vsub.f32 v29, v52;
	v56 =	vld [tilespmem:$0x12D90]  }
0x275: {  	v60 =	vsub.f32 v30, v52;
	v61 =	vmul.f32 v54, v54;
	v53 =	vmul.f32 v0, v11  }
0x276: {  	v17 =	vsub.f32 v32, v52;
	v62 =	vmul.f32 v55, v55;
	v63 =	vmul.f32 v57, v57  }
0x277: {  	v24 =	vmul.f32 v58, v58;
	v3 =	vsub.f32 v6, v52;
	v1 =	vmul.f32 v53, v1  }
0x278: {  	v25 =	vmul.f32 v59, v59;
	v26 =	vmul.f32 v60, v60  }
0x279: {  	v27 =	vmul.f32 v17, v17;
	v28 =	vmul.f32 v3, v3;
	v1 =	vadd.f32 v1, v56  }
0x27a: {  	v18 =	vadd.f32 v62, v61;
	v29 =	vadd.f32 v26, v25  }
0x27b: {  	v6 =	vadd.f32 v24, v63;
	v13 =	vadd.f32 v28, v27;
	[tilespmem:s28+$0xA610] =	vst v1  }
0x27c: {  	v30 =	vld [tilespmem:$0x12D20]  }
0x27d: {  	v6 =	vadd.f32 v6, v18;
	v1 =	vadd.f32 v13, v29  }
0x27e: {  	v31 =	vld [tilespmem:$0x12DA0]  }
0x27f: {  	v32 =	vmul.f32 v0, v9;
	v1 =	vadd.f32 v1, v6;
	_ =	sdelay $0x1  }
0x280: {  	(xrf2) =	vadd.scan.msk.f32 $0xffff, v1;
	v6 =	vmul.f32 v32, v30;
	_ =	sdelay $0x1  }
0x281: {  	v33 =	vadd.f32 v6, v31;
	_ =	sdelay $0x1  }
0x282: {  	[tilespmem:s28+$0xA620] =	vst v33  }
0x283: {  	v1 =	vld [tilespmem:$0x12D30];
	_ =	sdelay $0x1  }
0x284: {  	v34 =	vld [tilespmem:$0x12DB0]  }
0x285: {  	v8 =	vmul.f32 v0, v8;
	_ =	sdelay $0x1  }
0x286: {  	v35, _, _ =	vpop (xrf2);
	v1 =	vmul.f32 v8, v1  }
0x287: {  	(v2sf) =	vpush v35, $0xF  }
0x288: {  	v1 =	vadd.f32 v1, v34;
	_ =	sdelay $0x1  }
0x289: {  	[tilespmem:s28+$0xA630] =	vst v1  }
0x28a: {  	v1 =	vld [tilespmem:$0x12D40];
	_ =	sdelay $0x1  }
0x28b: {  	v36 =	vld [tilespmem:$0x12DC0]  }
0x28c: {  	v7 =	vmul.f32 v0, v7;
	_ =	sdelay $0x1  }
0x28d: {  	v1 =	vmul.f32 v7, v1;
	_ =	sdelay $0x1  }
0x28e: {  	v1 =	vadd.f32 v1, v36;
	_ =	sdelay $0x1  }
0x28f: {  	[tilespmem:s28+$0xA640] =	vst v1  }
0x290: {  	v1 =	vld [tilespmem:$0x12D50]  }
0x291: {  	s31 =	spop (v2sf)  }
0x292: {  	v37 =	vld [tilespmem:$0x12DD0];
	s29 =	smul.f32 $7.812500000e-03, s31  }
0x293: {  	v5 =	vmul.f32 v0, v5  }
0x294: {  	s29 =	sadd.f32 $9.999999960e-13, s29  }
0x295: {  	v1 =	vmul.f32 v5, v1  }
0x296: {  	v38 =	vmov s29  }
0x297: {  	v39 =	vshra.s32 v38, $0x1;
	v5 =	vmul.f32 $5.000000000e-01, v38;
	v1 =	vadd.f32 v1, v37  }
0x298: {  	v6 =	vsub.s32 $0x5F3759DF, v39  }
0x299: {  	v40 =	vmul.f32 v6, v5;
	[tilespmem:s28+$0xA650] =	vst v1  }
0x29a: {  	v41 =	vld [tilespmem:$0x12D60]  }
0x29b: {  	v1 =	vmul.f32 v6, v40  }
0x29c: {  	v42 =	vld [tilespmem:$0x12DE0]  }
0x29d: {  	v4 =	vmul.f32 v0, v4;
	v1 =	vsub.f32 $1.500000000e+00, v1;
	_ =	sdelay $0x1  }
0x29e: {  	v1 =	vmul.f32 v6, v1;
	v4 =	vmul.f32 v4, v41;
	_ =	sdelay $0x1  }
0x29f: {  	v6 =	vmul.f32 v1, v5;
	v4 =	vadd.f32 v4, v42;
	_ =	sdelay $0x1  }
0x2a0: {  	v43 =	vmul.f32 v6, v1;
	[tilespmem:s28+$0xA660] =	vst v4  }
0x2a1: {  	v44 =	vld [tilespmem:$0x12D70]  }
0x2a2: {  	v4 =	vsub.f32 $1.500000000e+00, v43  }
0x2a3: {  	v45 =	vld [tilespmem:$0x12DF0]  }
0x2a4: {  	v0 =	vmul.f32 v0, v2;
	v1 =	vmul.f32 v4, v1;
	_ =	sdelay $0x1  }
0x2a5: {  	v46 =	vmul.f32 v1, v5;
	v0 =	vmul.f32 v0, v44;
	_ =	sdelay $0x1  }
0x2a6: {  	v2 =	vmul.f32 v46, v1;
	v0 =	vadd.f32 v0, v45;
	_ =	sdelay $0x1  }
0x2a7: {  	v47 =	vsub.f32 $1.500000000e+00, v2;
	[tilespmem:s28+$0xA670] =	vst v0  }
0x2a8: {  	v48 =	vld [tilespmem:$0x12D00]  }
0x2a9: {  	v0 =	vmul.f32 v47, v1  }
0x2aa: {  	v49 =	vld [tilespmem:$0x12D80]  }
0x2ab: {  	v50 =	vmul.f32 v0, v54;
	_ =	sdelay $0x1  }
0x2ac: {  	v2 =	vmul.f32 v50, v48;
	_ =	sdelay $0x1  }
0x2ad: {  	v1 =	vadd.f32 v2, v49;
	_ =	sdelay $0x1  }
0x2ae: {  	[tilespmem:s28+$0xA680] =	vst v1  }
0x2af: {  	v1 =	vld [tilespmem:$0x12D10];
	_ =	sdelay $0x1  }
0x2b0: {  	v51 =	vld [tilespmem:$0x12D90]  }
0x2b1: {  	v52 =	vmul.f32 v0, v55;
	_ =	sdelay $0x1  }
0x2b2: {  	v1 =	vmul.f32 v52, v1;
	_ =	sdelay $0x1  }
0x2b3: {  	v1 =	vadd.f32 v1, v51;
	_ =	sdelay $0x1  }
0x2b4: {  	[tilespmem:s28+$0xA690] =	vst v1  }
0x2b5: {  	v1 =	vld [tilespmem:$0x12D20];
	_ =	sdelay $0x1  }
0x2b6: {  	v53 =	vld [tilespmem:$0x12DA0]  }
0x2b7: {  	v54 =	vmul.f32 v0, v57;
	_ =	sdelay $0x1  }
0x2b8: {  	v1 =	vmul.f32 v54, v1;
	_ =	sdelay $0x1  }
0x2b9: {  	v1 =	vadd.f32 v1, v53;
	_ =	sdelay $0x1  }
0x2ba: {  	[tilespmem:s28+$0xA6A0] =	vst v1  }
0x2bb: {  	v1 =	vld [tilespmem:$0x12D30];
	_ =	sdelay $0x1  }
0x2bc: {  	v55 =	vld [tilespmem:$0x12DB0]  }
0x2bd: {  	v56 =	vmul.f32 v0, v58;
	_ =	sdelay $0x1  }
0x2be: {  	v1 =	vmul.f32 v56, v1;
	_ =	sdelay $0x1  }
0x2bf: {  	v1 =	vadd.f32 v1, v55;
	_ =	sdelay $0x1  }
0x2c0: {  	[tilespmem:s28+$0xA6B0] =	vst v1  }
0x2c1: {  	v1 =	vld [tilespmem:$0x12D40];
	_ =	sdelay $0x1  }
0x2c2: {  	v57 =	vld [tilespmem:$0x12DC0]  }
0x2c3: {  	v58 =	vmul.f32 v0, v59;
	_ =	sdelay $0x1  }
0x2c4: {  	v1 =	vmul.f32 v58, v1;
	_ =	sdelay $0x1  }
0x2c5: {  	v1 =	vadd.f32 v1, v57;
	_ =	sdelay $0x1  }
0x2c6: {  	[tilespmem:s28+$0xA6C0] =	vst v1  }
0x2c7: {  	v1 =	vld [tilespmem:$0x12D50];
	_ =	sdelay $0x1  }
0x2c8: {  	v59 =	vld [tilespmem:$0x12DD0]  }
0x2c9: {  	v60 =	vmul.f32 v0, v60;
	_ =	sdelay $0x1  }
0x2ca: {  	v1 =	vmul.f32 v60, v1;
	_ =	sdelay $0x1  }
0x2cb: {  	v1 =	vadd.f32 v1, v59;
	_ =	sdelay $0x1  }
0x2cc: {  	[tilespmem:s28+$0xA6D0] =	vst v1  }
0x2cd: {  	v1 =	vld [tilespmem:$0x12D60];
	_ =	sdelay $0x1  }
0x2ce: {  	v61 =	vld [tilespmem:$0x12DE0]  }
0x2cf: {  	v62 =	vmul.f32 v0, v17;
	_ =	sdelay $0x1  }
0x2d0: {  	v1 =	vmul.f32 v62, v1;
	_ =	sdelay $0x1  }
0x2d1: {  	v1 =	vadd.f32 v1, v61;
	_ =	sdelay $0x1  }
0x2d2: {  	[tilespmem:s28+$0xA6E0] =	vst v1  }
0x2d3: {  	v1 =	vld [tilespmem:$0x12D70];
	_ =	sdelay $0x1  }
0x2d4: {  	v63 =	vld [tilespmem:$0x12DF0]  }
0x2d5: {  	v0 =	vmul.f32 v0, v3  }
0x2d6: {  	p0 =	sne.s32 s26, $0x8800  }
.Ltmp1:
0x2d7: {  	v0 =	vmul.f32 v0, v1;
	(pc) =	sbr.rel @p0 .LBB2_4-.Ltmp1, $3  }
0x2d8: {  	_ = 	snop  }
0x2d9: {  	v0 =	vadd.f32 v0, v63;
	_ =	sdelay $0x1  }
0x2da: {  	s26 =	sadd.s32 $0x800, s26;
	[tilespmem:s28+$0xA6F0] =	vst v0  }
0x2db: {  	s24 =	smul.u32 $0xC80, s24;
	_ =	sdelay $0x1  }
0x2dc: {  	s24 =	sadd.s32 s4, s24  }
0x2dd: {  	[hbm4b:s24+s5] =	stream.linear.scatter [tilespmem:s20], [sflag:$0x2], $0x4000, $0x38;
	[tilespmem:$0x12E00] =	vst v63  }
0x2de: {  	s23 =	sadd.s32 $0x1, s23;
	_ =	swait.ge [sflag:s12], $0x4000  }
0x2df: {  	s31 =	sshll.u32 s25, $0x4;
	p0 =	sne.s32 s23, $0x80;
	[sflag:s12] =	ssyncset.done $0x0  }
.Ltmp2:
0x2e0: {  	s24 =	sadd.s32 s4, s31;
	[sflag:s12] =	ssyncadd.s32 $0xFFFFC000;
	(pc) =	sbr.rel @p0 .LBB2_2-.Ltmp2, $4  }
0x2e1: {  	[hbm4b:s24+s5] =	stream.linear.scatter [tilespmem:s21], [sflag:$0x2], $0x2400, $0x38;
	[tilespmem:$0x12E00] =	vst v63  }
0x2e2: {  	_ =	swait.ge [sflag:s12], $0x2400  }
0x2e3: {  	[sflag:s12] =	ssyncset.done $0x0  }
0x2e4: {  	[sflag:s12] =	ssyncadd.s32 $0xFFFFDC00  }
0x2e5: {  	s22 =	sadd.s32 $0x1, s22  }
0x2e6: {  	p0 =	sne.s32 s22, s10  }
.Ltmp3:
0x2e7: {  	_ = 	snop;
	(pc) =	sbr.rel @p0 .LBB2_1-.Ltmp3, $1  }
0x2e8: {  	_ =	sdelay $0x3  }
0x2e9: {  	_ =	sfence.sel $0x180000  }
0x2ea: {  	[bflag:$0x0] =	sbarrier.arrive $0xFFFF  }
0x2eb: {  	p0 =	sne.s32 s6, $0x0;
	_ =	strace $0x90000047  }
0x2ec: {  	s0 =	sadd.s32 @!p0 $0x100000, s0;
	[bflag:$0x2] =	sbarrier.arrive $0xFFFF  }
0x2ed: {  	[sflag:s0] =	ssyncadd.tile.s32 @!p0 $0x1;
	_ =	shalt  }
.Lfunc_end2:
_tile_overlayer_lowered:
.L_overlay_start_2:
0x2ee: {  	(tag) =	ssettag $0x2  }
0x2ef: {  	s0 =	rddreg [dreg:$0x0];
	s2 =	stileid.u32  }
0x2f0: {  	s1 =	rddreg [dreg:$0x1];
	p0 =	sne.s32 s2, $0x0  }
0x2f1: {  	s3 =	rddreg [dreg:$0x2];
	[bflag:$0x3] =	sbarrier.arrive $0xFFFF;
	s2 =	simm.s32 @!p0 $0x1C02  }
0x2f2: {  	[timem:s3], [sflag:s2] =	dma.local @!p0 [hbm:s0], s1  }
0x2f3: {  	s0 =	simm.s32 @!p0 $0x2  }
0x2f4: {  	_ =	swait.ge @!p0 [sflag:s0], s1  }
0x2f5: {  	s1 =	ssub.s32 @!p0 $0x0, s1;
	[sflag:s0] =	ssyncset.done @!p0 $0x0  }
0x2f6: {  	[sflag:s0] =	ssyncadd.s32 @!p0 s1  }
0x2f7: {  	[bflag:$0x3] =	sbarrier.arrive $0xFFFF  }
0x2f8: {  	_ =	shalt  }

</sc_bundles>
